<compile_context>
chip_gen: v7x
topology: tpu7x:2x2x1
jax: 0.10.2.dev20260603
libtpu: 0.0.44.dev20260713+nightly
codegen_flags: <defaults>
</compile_context>

<pallas_src>
import jax
import jax.numpy as jnp
import numpy as np
from jax import lax
from jax.experimental import pallas as pl
from jax.experimental.pallas import tpu as pltpu
from jax.experimental.pallas import tpu_sc as plsc

N_NODES = 10000
N_EDGES = 320000
FDIM = 128

NC = 2
NS = 16
NW = NC * NS
CHUNK = 128
NCH = 80
E_PER = NCH * CHUNK
E_PAD = NW * E_PER
NPAD = 10240
HSLICE = NPAD // NS
RPT = NPAD // NS
NBUF = 2
BS = 8
NBAT = NCH // BS

_MESH = plsc.VectorSubcoreMesh(core_axis_name="c", subcore_axis_name="s")



def _degree_body(col_hbm, zeros_hbm, out_hbm, ones_v, col_v, hist_s):
    c = lax.axis_index("c")
    s = lax.axis_index("s")
    wid = s * NC + c
    pltpu.sync_copy(zeros_hbm, hist_s.at[pl.ds(s * HSLICE, HSLICE)])
    pltpu.sync_copy(col_hbm.at[pl.ds(wid * NCH, NCH)], col_v)
    for k in range(CHUNK // 16):
        ones_v[pl.ds(k * 16, 16)] = jnp.ones((16,), jnp.float32)
    plsc.subcore_barrier()

    def chunk(q, carry):
        pltpu.sync_copy(ones_v, hist_s.at[col_v.at[q]], add=True)
        return carry

    lax.fori_loop(0, NCH, chunk, 0)
    plsc.subcore_barrier()
    pltpu.sync_copy(hist_s.at[pl.ds(s * HSLICE, HSLICE)],
                    out_hbm.at[c, pl.ds(s * HSLICE, HSLICE)])


_sc_degree = pl.kernel(
    _degree_body,
    out_type=jax.ShapeDtypeStruct((NC, NPAD), jnp.float32),
    mesh=_MESH,
    scratch_types=[
        pltpu.VMEM((CHUNK,), jnp.float32),
        pltpu.VMEM((NCH, CHUNK), jnp.int32),
        pltpu.VMEM_SHARED((NPAD,), jnp.float32),
    ],
)


def _scatter_body(y_hbm, row_hbm, col_hbm, zrows_hbm, out_hbm,
                  ridxa, ridxb, isema, isemb, col_v, rows0, rows1,
                  sem0, sem1, acc_s):
    c = lax.axis_index("c")
    s = lax.axis_index("s")
    wid = s * NC + c
    rows = (rows0, rows1)
    sems = (sem0, sem1)

    pltpu.sync_copy(zrows_hbm, acc_s.at[pl.ds(s * RPT, RPT)])
    pltpu.sync_copy(col_hbm.at[pl.ds(wid * NCH, NCH)], col_v)
    plsc.subcore_barrier()

    base = wid * NCH

    def load_batch(b, rbuf, rsem):
        pltpu.async_copy(row_hbm.at[pl.ds(base + b * BS, BS)], rbuf, rsem)

    def wait_batch(b, rbuf, rsem):
        pltpu.make_async_copy(row_hbm.at[pl.ds(base + b * BS, BS)],
                              rbuf, rsem).wait()

    def gather(rbuf, t, k):
        pltpu.async_copy(y_hbm.at[rbuf.at[t]], rows[k], sems[k])

    def wait_gather(rbuf, t, k):
        pltpu.make_async_copy(y_hbm.at[rbuf.at[t]], rows[k], sems[k]).wait()

    def scatter(q, k):
        pltpu.sync_copy(rows[k], acc_s.at[col_v.at[q]], add=True)

    load_batch(0, ridxa, isema)
    wait_batch(0, ridxa, isema)
    load_batch(1, ridxb, isemb)
    gather(ridxa, 0, 0)
    gather(ridxa, 1, 1)

    def super_step(m, carry):
        for t in range(2 * BS):
            q = 2 * BS * m + t
            k = t % 2
            wait_gather(ridxa if t < BS else ridxb, t % BS, k)
            scatter(q, k)
            nt = t + 2
            if nt < BS:
                gather(ridxa, nt, k)
            elif nt < 2 * BS:
                if nt == BS:

                    @pl.when(2 * m + 1 < NBAT)
                    def _():
                        wait_batch(2 * m + 1, ridxb, isemb)

                gather(ridxb, nt - BS, k)
            else:

                @pl.when(q + 2 < NCH)
                def _():
                    if nt == 2 * BS:

                        @pl.when(2 * m + 2 < NBAT)
                        def _():
                            wait_batch(2 * m + 2, ridxa, isema)

                    gather(ridxa, nt - 2 * BS, k)

            if t == BS - 1:

                @pl.when(2 * m + 2 < NBAT)
                def _():
                    load_batch(2 * m + 2, ridxa, isema)

            if t == 2 * BS - 1:

                @pl.when(2 * m + 3 < NBAT)
                def _():
                    load_batch(2 * m + 3, ridxb, isemb)

        return carry

    lax.fori_loop(0, NBAT // 2, super_step, 0)
    plsc.subcore_barrier()
    pltpu.sync_copy(acc_s.at[pl.ds(s * RPT, RPT)],
                    out_hbm.at[c, pl.ds(s * RPT, RPT)])


_sc_scatter = pl.kernel(
    _scatter_body,
    out_type=jax.ShapeDtypeStruct((NC, NPAD, FDIM), jnp.float32),
    mesh=_MESH,
    scratch_types=[
        pltpu.VMEM((BS, CHUNK), jnp.int32),
        pltpu.VMEM((BS, CHUNK), jnp.int32),
        pltpu.SemaphoreType.DMA,
        pltpu.SemaphoreType.DMA,
        pltpu.VMEM((NCH, CHUNK), jnp.int32),
        pltpu.VMEM((CHUNK, FDIM), jnp.float32),
        pltpu.VMEM((CHUNK, FDIM), jnp.float32),
        pltpu.SemaphoreType.DMA,
        pltpu.SemaphoreType.DMA,
        pltpu.VMEM_SHARED((NPAD, FDIM), jnp.float32),
    ],
)



def _dinv(deg_ref):
    deg = deg_ref[0, :N_NODES] + deg_ref[1, :N_NODES] + 1.0
    return lax.rsqrt(deg)[:, None]


def _prepare_body(x_ref, w1_ref, deg_ref, y1_ref):
    xw = jnp.dot(x_ref[...], w1_ref[...], preferred_element_type=jnp.float32)
    y1_ref[...] = xw * _dinv(deg_ref)


_tc_prepare = pl.pallas_call(
    _prepare_body,
    out_shape=jax.ShapeDtypeStruct((N_NODES, FDIM), jnp.float32),
)


def _mid_body(agg_ref, y1_ref, deg_ref, b1_ref, w2_ref, y2_ref):
    dinv = _dinv(deg_ref)
    pre = dinv * (agg_ref[0, :N_NODES] + agg_ref[1, :N_NODES]
                  + y1_ref[...]) + b1_ref[...]
    h1 = jnp.maximum(pre, 0.0)
    y2_ref[...] = jnp.dot(h1, w2_ref[...],
                          preferred_element_type=jnp.float32) * dinv


_tc_mid = pl.pallas_call(
    _mid_body,
    out_shape=jax.ShapeDtypeStruct((N_NODES, FDIM), jnp.float32),
)


def _final_body(agg_ref, y2_ref, deg_ref, b2_ref, ws_ref, bs_ref,
                h2_ref, sc_ref):
    dinv = _dinv(deg_ref)
    pre = dinv * (agg_ref[0, :N_NODES] + agg_ref[1, :N_NODES]
                  + y2_ref[...]) + b2_ref[...]
    h2 = jnp.maximum(pre, 0.0)
    h2_ref[...] = h2
    sc_ref[...] = jnp.dot(h2, ws_ref[...],
                          preferred_element_type=jnp.float32)[:, 0] + bs_ref[0]


_tc_final = pl.pallas_call(
    _final_body,
    out_shape=(
        jax.ShapeDtypeStruct((N_NODES, FDIM), jnp.float32),
        jax.ShapeDtypeStruct((N_NODES,), jnp.float32),
    ),
)



_NPAD_E = E_PAD - N_EDGES
_PAD_ROW = np.asarray((np.arange(_NPAD_E) * 37) % N_NODES, dtype=np.int32)
_PAD_COL = np.asarray(N_NODES + np.arange(_NPAD_E) % (NPAD - N_NODES),
                      dtype=np.int32)


@jax.jit
def kernel(x, edge_index, W1, b1, W2, b2, Ws, bs):
    row2d = jnp.concatenate([edge_index[0], _PAD_ROW]).reshape(NW * NCH, CHUNK)
    col2d = jnp.concatenate([edge_index[1], _PAD_COL]).reshape(NW * NCH, CHUNK)
    zeros_h = jnp.zeros((HSLICE,), jnp.float32)
    zrows = jnp.zeros((RPT, FDIM), jnp.float32)

    deg_part = _sc_degree(col2d, zeros_h)
    y1 = _tc_prepare(x, W1, deg_part)
    agg1 = _sc_scatter(y1, row2d, col2d, zrows)
    y2 = _tc_mid(agg1, y1, deg_part, b1, W2)
    agg2 = _sc_scatter(y2, row2d, col2d, zrows)
    h2, scores = _tc_final(agg2, y2, deg_part, b2, Ws, bs)
    return (h2, scores)

# --- scband reference (transcript-rebuilt; emitter-appended) ---
"""Pipeline reference for scband-disease-gnn-28578712387809 (READ-ONLY COPY).

The authoritative reference and input builder live on the scoring server;
editing this copy changes nothing except your own understanding.
"""

import jax, jax.numpy as jnp
import numpy as np

N_NODES = 10000
N_EDGES = 320000
IN_DIM = 128
HIDDEN = 128


def gcn_conv(x, edge_index, W, b):
    # Faithful PyG GCNConv: linear transform, add self-loops, symmetric normalization,
    # scatter-add aggregation at target nodes, then bias.
    N = x.shape[0]
    xw = x @ W
    loops = jnp.arange(N, dtype=edge_index.dtype)
    row = jnp.concatenate([edge_index[0], loops])  # source
    col = jnp.concatenate([edge_index[1], loops])  # target
    ones = jnp.ones(row.shape[0], dtype=xw.dtype)
    deg = jax.ops.segment_sum(ones, col, num_segments=N)
    dinv = jnp.where(deg > 0, jax.lax.rsqrt(deg), 0.0)
    norm = dinv[row] * dinv[col]
    out = jax.ops.segment_sum(xw[row] * norm[:, None], col, num_segments=N)
    return out + b


def setup_inputs(seed: int = 0) -> dict:
    key = jax.random.key(seed)
    ks = jax.random.split(key, 8)
    x = jax.random.normal(ks[0], (N_NODES, IN_DIM), dtype=jnp.float32)
    edge_index = jax.random.randint(ks[1], (2, N_EDGES), 0, N_NODES, dtype=jnp.int32)
    s1 = 1.0 / np.sqrt(IN_DIM)
    s2 = 1.0 / np.sqrt(HIDDEN)
    W1 = jax.random.normal(ks[2], (IN_DIM, HIDDEN), dtype=jnp.float32) * s1
    b1 = jnp.zeros((HIDDEN,), dtype=jnp.float32)
    W2 = jax.random.normal(ks[3], (HIDDEN, HIDDEN), dtype=jnp.float32) * s2
    b2 = jnp.zeros((HIDDEN,), dtype=jnp.float32)
    Ws = jax.random.normal(ks[4], (HIDDEN, 1), dtype=jnp.float32) * s2
    bs = jnp.zeros((1,), dtype=jnp.float32)
    return {"x": x, "edge_index": edge_index, "W1": W1, "b1": b1, "W2": W2, "b2": b2, "Ws": Ws, "bs": bs}


def reference(x, edge_index, W1, b1, W2, b2, Ws, bs):
    h1 = jax.nn.relu(gcn_conv(x, edge_index, W1, b1))
    h2 = jax.nn.relu(gcn_conv(h1, edge_index, W2, b2))
    scores = jnp.squeeze(h2 @ Ws + bs, axis=-1)
    return (h2, scores)

if __name__ == "__main__":
    import jax
    _d = setup_inputs()
    print(jax.jit(kernel)(*tuple(_d.values())))

</pallas_src>

<mosaic_0001>
#map = affine_map<(d0, d1) -> (0, 0)>
#map1 = affine_map<(d0, d1) -> (0, 0, 0)>
module attributes {stable_mosaic.version = 14 : i64} {
  func.func @_scatter_body(%arg0: i32, %arg1: i32, %arg2: memref<10000x128xf32, #tpu.memory_space<hbm>>, %arg3: memref<2560x128xi32, #tpu.memory_space<hbm>>, %arg4: memref<2560x128xi32, #tpu.memory_space<hbm>>, %arg5: memref<640x128xf32, #tpu.memory_space<hbm>>, %arg6: memref<2x10240x128xf32, #tpu.memory_space<hbm>>, %arg7: memref<8x128xi32, #tpu.memory_space<vmem>>, %arg8: memref<8x128xi32, #tpu.memory_space<vmem>>, %arg9: memref<!tpu.dma_semaphore, #tpu.memory_space<semaphore_mem>>, %arg10: memref<!tpu.dma_semaphore, #tpu.memory_space<semaphore_mem>>, %arg11: memref<80x128xi32, #tpu.memory_space<vmem>>, %arg12: memref<128x128xf32, #tpu.memory_space<vmem>>, %arg13: memref<128x128xf32, #tpu.memory_space<vmem>>, %arg14: memref<!tpu.dma_semaphore, #tpu.memory_space<semaphore_mem>>, %arg15: memref<!tpu.dma_semaphore, #tpu.memory_space<semaphore_mem>>, %arg16: memref<10240x128xf32, #tpu.memory_space<vmem_shared>>) attributes {dimension_semantics = [#tpu.dimension_semantics<core_parallel>, #tpu.dimension_semantics<subcore_parallel>], iteration_bounds = array<i64: 2, 16>, scalar_prefetch = 0 : i64, scratch_operands = 10 : i64, tpu.core_type = #tpu.core_type<sc_vector_subcore>, window_params = [{transform_indices = #map}, {transform_indices = #map}, {transform_indices = #map}, {transform_indices = #map}, {transform_indices = #map1}]} {
    %mul3A = arith.constant 2 : i32
    %mul3A_0 = arith.muli %arg1, %mul3A : i32
    %add3A = arith.addi %mul3A_0, %arg0 : i32
    %mul3A_1 = arith.constant 640 : i32
    %mul3A_2 = arith.muli %arg1, %mul3A_1 : i32
    "tpu.region"() ({
      %run_scoped3A = tpu.sem_alloc : memref<!tpu.dma_semaphore, #tpu.memory_space<semaphore_mem>>
      %dma_start3A_47 = arith.constant 0 : i32
      %dma_start3A_48 = tpu.memref_slice %arg16[%mul3A_2, %dma_start3A_47] : memref<10240x128xf32, #tpu.memory_space<vmem_shared>> -> memref<640x128xf32, #tpu.memory_space<vmem_shared>>
      tpu.enqueue_dma source(%arg5 : memref<640x128xf32, #tpu.memory_space<hbm>>) target(%dma_start3A_48 : memref<640x128xf32, #tpu.memory_space<vmem_shared>>) target_semaphore(%run_scoped3A : memref<!tpu.dma_semaphore, #tpu.memory_space<semaphore_mem>>)
      %dma_wait3A_49 = arith.constant 0 : i32
      %dma_wait3A_50 = tpu.memref_slice %arg16[%mul3A_2, %dma_wait3A_49] : memref<10240x128xf32, #tpu.memory_space<vmem_shared>> -> memref<640x128xf32, #tpu.memory_space<vmem_shared>>
      tpu.wait_dma2 semaphore(%run_scoped3A : memref<!tpu.dma_semaphore, #tpu.memory_space<semaphore_mem>>) src(%arg5 : memref<640x128xf32, #tpu.memory_space<hbm>>) dst(%dma_wait3A_50 : memref<640x128xf32, #tpu.memory_space<vmem_shared>>)
      tpu.yield
    }) : () -> ()
    %mul3A_3 = arith.constant 80 : i32
    %mul3A_4 = arith.muli %add3A, %mul3A_3 : i32
    "tpu.region"() ({
      %run_scoped3A = tpu.sem_alloc : memref<!tpu.dma_semaphore, #tpu.memory_space<semaphore_mem>>
      %dma_start3A_47 = arith.constant 0 : i32
      %dma_start3A_48 = tpu.memref_slice %arg4[%mul3A_4, %dma_start3A_47] : memref<2560x128xi32, #tpu.memory_space<hbm>> -> memref<80x128xi32, #tpu.memory_space<hbm>>
      %dma_start3A_49 = arith.constant 0 : i32
      %dma_start3A_50 = tpu.memref_slice %arg4[%mul3A_4, %dma_start3A_49] : memref<2560x128xi32, #tpu.memory_space<hbm>> -> memref<80x128xi32, #tpu.memory_space<hbm>>
      tpu.enqueue_dma source(%dma_start3A_50 : memref<80x128xi32, #tpu.memory_space<hbm>>) target(%arg11 : memref<80x128xi32, #tpu.memory_space<vmem>>) target_semaphore(%run_scoped3A : memref<!tpu.dma_semaphore, #tpu.memory_space<semaphore_mem>>)
      %dma_wait3A_51 = arith.constant 0 : i32
      %dma_wait3A_52 = tpu.memref_slice %arg4[%mul3A_4, %dma_wait3A_51] : memref<2560x128xi32, #tpu.memory_space<hbm>> -> memref<80x128xi32, #tpu.memory_space<hbm>>
      %dma_wait3A_53 = arith.constant 0 : i32
      %dma_wait3A_54 = tpu.memref_slice %arg4[%mul3A_4, %dma_wait3A_53] : memref<2560x128xi32, #tpu.memory_space<hbm>> -> memref<80x128xi32, #tpu.memory_space<hbm>>
      tpu.wait_dma2 semaphore(%run_scoped3A : memref<!tpu.dma_semaphore, #tpu.memory_space<semaphore_mem>>) src(%dma_wait3A_54 : memref<80x128xi32, #tpu.memory_space<hbm>>) dst(%arg11 : memref<80x128xi32, #tpu.memory_space<vmem>>)
      tpu.yield
    }) : () -> ()
    %barrier3A = arith.constant 0 : index
    tpu.barrier barrier_id(%barrier3A)
    %mul3A_5 = arith.constant 80 : i32
    %mul3A_6 = arith.muli %add3A, %mul3A_5 : i32
    %add3A_7 = arith.constant 0 : i32
    %add3A_8 = arith.addi %mul3A_6, %add3A_7 : i32
    %dma_start3A = arith.constant 0 : i32
    %dma_start3A_9 = tpu.memref_slice %arg3[%add3A_8, %dma_start3A] : memref<2560x128xi32, #tpu.memory_space<hbm>> -> memref<8x128xi32, #tpu.memory_space<hbm>>
    %dma_start3A_10 = arith.constant 0 : i32
    %dma_start3A_11 = tpu.memref_slice %arg3[%add3A_8, %dma_start3A_10] : memref<2560x128xi32, #tpu.memory_space<hbm>> -> memref<8x128xi32, #tpu.memory_space<hbm>>
    tpu.enqueue_dma source(%dma_start3A_11 : memref<8x128xi32, #tpu.memory_space<hbm>>) target(%arg7 : memref<8x128xi32, #tpu.memory_space<vmem>>) target_semaphore(%arg9 : memref<!tpu.dma_semaphore, #tpu.memory_space<semaphore_mem>>)
    %add3A_12 = arith.constant 0 : i32
    %add3A_13 = arith.addi %mul3A_6, %add3A_12 : i32
    %dma_wait3A = arith.constant 0 : i32
    %dma_wait3A_14 = tpu.memref_slice %arg3[%add3A_13, %dma_wait3A] : memref<2560x128xi32, #tpu.memory_space<hbm>> -> memref<8x128xi32, #tpu.memory_space<hbm>>
    %dma_wait3A_15 = arith.constant 0 : i32
    %dma_wait3A_16 = tpu.memref_slice %arg3[%add3A_13, %dma_wait3A_15] : memref<2560x128xi32, #tpu.memory_space<hbm>> -> memref<8x128xi32, #tpu.memory_space<hbm>>
    tpu.wait_dma2 semaphore(%arg9 : memref<!tpu.dma_semaphore, #tpu.memory_space<semaphore_mem>>) src(%dma_wait3A_16 : memref<8x128xi32, #tpu.memory_space<hbm>>) dst(%arg7 : memref<8x128xi32, #tpu.memory_space<vmem>>)
    %add3A_17 = arith.constant 8 : i32
    %add3A_18 = arith.addi %mul3A_6, %add3A_17 : i32
    %dma_start3A_19 = arith.constant 0 : i32
    %dma_start3A_20 = tpu.memref_slice %arg3[%add3A_18, %dma_start3A_19] : memref<2560x128xi32, #tpu.memory_space<hbm>> -> memref<8x128xi32, #tpu.memory_space<hbm>>
    %dma_start3A_21 = arith.constant 0 : i32
    %dma_start3A_22 = tpu.memref_slice %arg3[%add3A_18, %dma_start3A_21] : memref<2560x128xi32, #tpu.memory_space<hbm>> -> memref<8x128xi32, #tpu.memory_space<hbm>>
    tpu.enqueue_dma source(%dma_start3A_22 : memref<8x128xi32, #tpu.memory_space<hbm>>) target(%arg8 : memref<8x128xi32, #tpu.memory_space<vmem>>) target_semaphore(%arg10 : memref<!tpu.dma_semaphore, #tpu.memory_space<semaphore_mem>>)
    %dma_start3A_23 = arith.constant 0 : i32
    %dma_start3A_24 = arith.constant 0 : i32
    %dma_start3A_25 = tpu.memref_slice %arg7[%dma_start3A_23, %dma_start3A_24] : memref<8x128xi32, #tpu.memory_space<vmem>> -> memref<1x128xi32, #tpu.memory_space<vmem>>
    %dma_start3A_26 = tpu.memref_squeeze %dma_start3A_25 : memref<1x128xi32, #tpu.memory_space<vmem>> -> memref<128xi32, #tpu.memory_space<vmem>>
    %dma_start3A_27 = arith.constant 0 : i32
    %dma_start3A_28 = arith.constant 0 : i32
    %dma_start3A_29 = tpu.memref_slice %arg2[%dma_start3A_27, %dma_start3A_28] : memref<10000x128xf32, #tpu.memory_space<hbm>> -> memref<10000x128xf32, #tpu.memory_space<hbm>>
    tpu.enqueue_indirect_dma source(%dma_start3A_29 : memref<10000x128xf32, #tpu.memory_space<hbm>>) target(%arg12 : memref<128x128xf32, #tpu.memory_space<vmem>>) offsets(%dma_start3A_26 : memref<128xi32, #tpu.memory_space<vmem>>) semaphore(%arg14 : memref<!tpu.dma_semaphore, #tpu.memory_space<semaphore_mem>>)
    %dma_start3A_30 = arith.constant 1 : i32
    %dma_start3A_31 = arith.constant 0 : i32
    %dma_start3A_32 = tpu.memref_slice %arg7[%dma_start3A_30, %dma_start3A_31] : memref<8x128xi32, #tpu.memory_space<vmem>> -> memref<1x128xi32, #tpu.memory_space<vmem>>
    %dma_start3A_33 = tpu.memref_squeeze %dma_start3A_32 : memref<1x128xi32, #tpu.memory_space<vmem>> -> memref<128xi32, #tpu.memory_space<vmem>>
    %dma_start3A_34 = arith.constant 0 : i32
    %dma_start3A_35 = arith.constant 0 : i32
    %dma_start3A_36 = tpu.memref_slice %arg2[%dma_start3A_34, %dma_start3A_35] : memref<10000x128xf32, #tpu.memory_space<hbm>> -> memref<10000x128xf32, #tpu.memory_space<hbm>>
    tpu.enqueue_indirect_dma source(%dma_start3A_36 : memref<10000x128xf32, #tpu.memory_space<hbm>>) target(%arg13 : memref<128x128xf32, #tpu.memory_space<vmem>>) offsets(%dma_start3A_33 : memref<128xi32, #tpu.memory_space<vmem>>) semaphore(%arg15 : memref<!tpu.dma_semaphore, #tpu.memory_space<semaphore_mem>>)
    %scan3A = arith.constant 0 : i32
    %scan3A_37 = arith.constant 0 : i32
    %scan3A_38 = arith.constant 5 : i32
    %scan3A_39 = arith.addi %scan3A_37, %scan3A_38 : i32
    %scan3A_40 = arith.constant 1 : i32
    scf.for %scan3A_47 = %scan3A_37 to %scan3A_39 step %scan3A_40  : i32 {
      %mul3A_48 = arith.constant 16 : i32
      %mul3A_49 = arith.muli %mul3A_48, %scan3A_47 : i32
      %add3A_50 = arith.constant 0 : i32
      %add3A_51 = arith.addi %mul3A_49, %add3A_50 : i32
      %dma_wait3A_52 = arith.constant 0 : i32
      %dma_wait3A_53 = arith.constant 0 : i32
      %dma_wait3A_54 = tpu.memref_slice %arg7[%dma_wait3A_52, %dma_wait3A_53] : memref<8x128xi32, #tpu.memory_space<vmem>> -> memref<1x128xi32, #tpu.memory_space<vmem>>
      %dma_wait3A_55 = tpu.memref_squeeze %dma_wait3A_54 : memref<1x128xi32, #tpu.memory_space<vmem>> -> memref<128xi32, #tpu.memory_space<vmem>>
      %dma_wait3A_56 = arith.constant 0 : i32
      %dma_wait3A_57 = arith.constant 0 : i32
      %dma_wait3A_58 = tpu.memref_slice %arg2[%dma_wait3A_56, %dma_wait3A_57] : memref<10000x128xf32, #tpu.memory_space<hbm>> -> memref<10000x128xf32, #tpu.memory_space<hbm>>
      tpu.wait_indirect_dma semaphore(%arg14 : memref<!tpu.dma_semaphore, #tpu.memory_space<semaphore_mem>>) src(%dma_wait3A_58 : memref<10000x128xf32, #tpu.memory_space<hbm>>) dst(%arg12 : memref<128x128xf32, #tpu.memory_space<vmem>>)
      "tpu.region"() ({
        %run_scoped3A = tpu.sem_alloc : memref<!tpu.dma_semaphore, #tpu.memory_space<semaphore_mem>>
        %dma_start3A_360 = arith.constant 0 : i32
        %dma_start3A_361 = tpu.memref_slice %arg11[%add3A_51, %dma_start3A_360] : memref<80x128xi32, #tpu.memory_space<vmem>> -> memref<1x128xi32, #tpu.memory_space<vmem>>
        %dma_start3A_362 = tpu.memref_squeeze %dma_start3A_361 : memref<1x128xi32, #tpu.memory_space<vmem>> -> memref<128xi32, #tpu.memory_space<vmem>>
        %dma_start3A_363 = arith.constant 0 : i32
        %dma_start3A_364 = arith.constant 0 : i32
        %dma_start3A_365 = tpu.memref_slice %arg16[%dma_start3A_363, %dma_start3A_364] : memref<10240x128xf32, #tpu.memory_space<vmem_shared>> -> memref<10240x128xf32, #tpu.memory_space<vmem_shared>>
        tpu.enqueue_indirect_dma source(%arg12 : memref<128x128xf32, #tpu.memory_space<vmem>>) target(%dma_start3A_365 : memref<10240x128xf32, #tpu.memory_space<vmem_shared>>) offsets(%dma_start3A_362 : memref<128xi32, #tpu.memory_space<vmem>>) semaphore(%run_scoped3A : memref<!tpu.dma_semaphore, #tpu.memory_space<semaphore_mem>>) {add = true}
        %dma_wait3A_366 = arith.constant 0 : i32
        %dma_wait3A_367 = tpu.memref_slice %arg11[%add3A_51, %dma_wait3A_366] : memref<80x128xi32, #tpu.memory_space<vmem>> -> memref<1x128xi32, #tpu.memory_space<vmem>>
        %dma_wait3A_368 = tpu.memref_squeeze %dma_wait3A_367 : memref<1x128xi32, #tpu.memory_space<vmem>> -> memref<128xi32, #tpu.memory_space<vmem>>
        %dma_wait3A_369 = arith.constant 0 : i32
        %dma_wait3A_370 = arith.constant 0 : i32
        %dma_wait3A_371 = tpu.memref_slice %arg16[%dma_wait3A_369, %dma_wait3A_370] : memref<10240x128xf32, #tpu.memory_space<vmem_shared>> -> memref<10240x128xf32, #tpu.memory_space<vmem_shared>>
        tpu.wait_indirect_dma semaphore(%run_scoped3A : memref<!tpu.dma_semaphore, #tpu.memory_space<semaphore_mem>>) src(%arg12 : memref<128x128xf32, #tpu.memory_space<vmem>>) dst(%dma_wait3A_371 : memref<10240x128xf32, #tpu.memory_space<vmem_shared>>)
        tpu.yield
      }) : () -> ()
      %dma_start3A_59 = arith.constant 2 : i32
      %dma_start3A_60 = arith.constant 0 : i32
      %dma_start3A_61 = tpu.memref_slice %arg7[%dma_start3A_59, %dma_start3A_60] : memref<8x128xi32, #tpu.memory_space<vmem>> -> memref<1x128xi32, #tpu.memory_space<vmem>>
      %dma_start3A_62 = tpu.memref_squeeze %dma_start3A_61 : memref<1x128xi32, #tpu.memory_space<vmem>> -> memref<128xi32, #tpu.memory_space<vmem>>
      %dma_start3A_63 = arith.constant 0 : i32
      %dma_start3A_64 = arith.constant 0 : i32
      %dma_start3A_65 = tpu.memref_slice %arg2[%dma_start3A_63, %dma_start3A_64] : memref<10000x128xf32, #tpu.memory_space<hbm>> -> memref<10000x128xf32, #tpu.memory_space<hbm>>
      tpu.enqueue_indirect_dma source(%dma_start3A_65 : memref<10000x128xf32, #tpu.memory_space<hbm>>) target(%arg12 : memref<128x128xf32, #tpu.memory_space<vmem>>) offsets(%dma_start3A_62 : memref<128xi32, #tpu.memory_space<vmem>>) semaphore(%arg14 : memref<!tpu.dma_semaphore, #tpu.memory_space<semaphore_mem>>)
      %mul3A_66 = arith.constant 16 : i32
      %mul3A_67 = arith.muli %mul3A_66, %scan3A_47 : i32
      %add3A_68 = arith.constant 1 : i32
      %add3A_69 = arith.addi %mul3A_67, %add3A_68 : i32
      %dma_wait3A_70 = arith.constant 1 : i32
      %dma_wait3A_71 = arith.constant 0 : i32
      %dma_wait3A_72 = tpu.memref_slice %arg7[%dma_wait3A_70, %dma_wait3A_71] : memref<8x128xi32, #tpu.memory_space<vmem>> -> memref<1x128xi32, #tpu.memory_space<vmem>>
      %dma_wait3A_73 = tpu.memref_squeeze %dma_wait3A_72 : memref<1x128xi32, #tpu.memory_space<vmem>> -> memref<128xi32, #tpu.memory_space<vmem>>
      %dma_wait3A_74 = arith.constant 0 : i32
      %dma_wait3A_75 = arith.constant 0 : i32
      %dma_wait3A_76 = tpu.memref_slice %arg2[%dma_wait3A_74, %dma_wait3A_75] : memref<10000x128xf32, #tpu.memory_space<hbm>> -> memref<10000x128xf32, #tpu.memory_space<hbm>>
      tpu.wait_indirect_dma semaphore(%arg15 : memref<!tpu.dma_semaphore, #tpu.memory_space<semaphore_mem>>) src(%dma_wait3A_76 : memref<10000x128xf32, #tpu.memory_space<hbm>>) dst(%arg13 : memref<128x128xf32, #tpu.memory_space<vmem>>)
      "tpu.region"() ({
        %run_scoped3A = tpu.sem_alloc : memref<!tpu.dma_semaphore, #tpu.memory_space<semaphore_mem>>
        %dma_start3A_360 = arith.constant 0 : i32
        %dma_start3A_361 = tpu.memref_slice %arg11[%add3A_69, %dma_start3A_360] : memref<80x128xi32, #tpu.memory_space<vmem>> -> memref<1x128xi32, #tpu.memory_space<vmem>>
        %dma_start3A_362 = tpu.memref_squeeze %dma_start3A_361 : memref<1x128xi32, #tpu.memory_space<vmem>> -> memref<128xi32, #tpu.memory_space<vmem>>
        %dma_start3A_363 = arith.constant 0 : i32
        %dma_start3A_364 = arith.constant 0 : i32
        %dma_start3A_365 = tpu.memref_slice %arg16[%dma_start3A_363, %dma_start3A_364] : memref<10240x128xf32, #tpu.memory_space<vmem_shared>> -> memref<10240x128xf32, #tpu.memory_space<vmem_shared>>
        tpu.enqueue_indirect_dma source(%arg13 : memref<128x128xf32, #tpu.memory_space<vmem>>) target(%dma_start3A_365 : memref<10240x128xf32, #tpu.memory_space<vmem_shared>>) offsets(%dma_start3A_362 : memref<128xi32, #tpu.memory_space<vmem>>) semaphore(%run_scoped3A : memref<!tpu.dma_semaphore, #tpu.memory_space<semaphore_mem>>) {add = true}
        %dma_wait3A_366 = arith.constant 0 : i32
        %dma_wait3A_367 = tpu.memref_slice %arg11[%add3A_69, %dma_wait3A_366] : memref<80x128xi32, #tpu.memory_space<vmem>> -> memref<1x128xi32, #tpu.memory_space<vmem>>
        %dma_wait3A_368 = tpu.memref_squeeze %dma_wait3A_367 : memref<1x128xi32, #tpu.memory_space<vmem>> -> memref<128xi32, #tpu.memory_space<vmem>>
        %dma_wait3A_369 = arith.constant 0 : i32
        %dma_wait3A_370 = arith.constant 0 : i32
        %dma_wait3A_371 = tpu.memref_slice %arg16[%dma_wait3A_369, %dma_wait3A_370] : memref<10240x128xf32, #tpu.memory_space<vmem_shared>> -> memref<10240x128xf32, #tpu.memory_space<vmem_shared>>
        tpu.wait_indirect_dma semaphore(%run_scoped3A : memref<!tpu.dma_semaphore, #tpu.memory_space<semaphore_mem>>) src(%arg13 : memref<128x128xf32, #tpu.memory_space<vmem>>) dst(%dma_wait3A_371 : memref<10240x128xf32, #tpu.memory_space<vmem_shared>>)
        tpu.yield
      }) : () -> ()
      %dma_start3A_77 = arith.constant 3 : i32
      %dma_start3A_78 = arith.constant 0 : i32
      %dma_start3A_79 = tpu.memref_slice %arg7[%dma_start3A_77, %dma_start3A_78] : memref<8x128xi32, #tpu.memory_space<vmem>> -> memref<1x128xi32, #tpu.memory_space<vmem>>
      %dma_start3A_80 = tpu.memref_squeeze %dma_start3A_79 : memref<1x128xi32, #tpu.memory_space<vmem>> -> memref<128xi32, #tpu.memory_space<vmem>>
      %dma_start3A_81 = arith.constant 0 : i32
      %dma_start3A_82 = arith.constant 0 : i32
      %dma_start3A_83 = tpu.memref_slice %arg2[%dma_start3A_81, %dma_start3A_82] : memref<10000x128xf32, #tpu.memory_space<hbm>> -> memref<10000x128xf32, #tpu.memory_space<hbm>>
      tpu.enqueue_indirect_dma source(%dma_start3A_83 : memref<10000x128xf32, #tpu.memory_space<hbm>>) target(%arg13 : memref<128x128xf32, #tpu.memory_space<vmem>>) offsets(%dma_start3A_80 : memref<128xi32, #tpu.memory_space<vmem>>) semaphore(%arg15 : memref<!tpu.dma_semaphore, #tpu.memory_space<semaphore_mem>>)
      %mul3A_84 = arith.constant 16 : i32
      %mul3A_85 = arith.muli %mul3A_84, %scan3A_47 : i32
      %add3A_86 = arith.constant 2 : i32
      %add3A_87 = arith.addi %mul3A_85, %add3A_86 : i32
      %dma_wait3A_88 = arith.constant 2 : i32
      %dma_wait3A_89 = arith.constant 0 : i32
      %dma_wait3A_90 = tpu.memref_slice %arg7[%dma_wait3A_88, %dma_wait3A_89] : memref<8x128xi32, #tpu.memory_space<vmem>> -> memref<1x128xi32, #tpu.memory_space<vmem>>
      %dma_wait3A_91 = tpu.memref_squeeze %dma_wait3A_90 : memref<1x128xi32, #tpu.memory_space<vmem>> -> memref<128xi32, #tpu.memory_space<vmem>>
      %dma_wait3A_92 = arith.constant 0 : i32
      %dma_wait3A_93 = arith.constant 0 : i32
      %dma_wait3A_94 = tpu.memref_slice %arg2[%dma_wait3A_92, %dma_wait3A_93] : memref<10000x128xf32, #tpu.memory_space<hbm>> -> memref<10000x128xf32, #tpu.memory_space<hbm>>
      tpu.wait_indirect_dma semaphore(%arg14 : memref<!tpu.dma_semaphore, #tpu.memory_space<semaphore_mem>>) src(%dma_wait3A_94 : memref<10000x128xf32, #tpu.memory_space<hbm>>) dst(%arg12 : memref<128x128xf32, #tpu.memory_space<vmem>>)
      "tpu.region"() ({
        %run_scoped3A = tpu.sem_alloc : memref<!tpu.dma_semaphore, #tpu.memory_space<semaphore_mem>>
        %dma_start3A_360 = arith.constant 0 : i32
        %dma_start3A_361 = tpu.memref_slice %arg11[%add3A_87, %dma_start3A_360] : memref<80x128xi32, #tpu.memory_space<vmem>> -> memref<1x128xi32, #tpu.memory_space<vmem>>
        %dma_start3A_362 = tpu.memref_squeeze %dma_start3A_361 : memref<1x128xi32, #tpu.memory_space<vmem>> -> memref<128xi32, #tpu.memory_space<vmem>>
        %dma_start3A_363 = arith.constant 0 : i32
        %dma_start3A_364 = arith.constant 0 : i32
        %dma_start3A_365 = tpu.memref_slice %arg16[%dma_start3A_363, %dma_start3A_364] : memref<10240x128xf32, #tpu.memory_space<vmem_shared>> -> memref<10240x128xf32, #tpu.memory_space<vmem_shared>>
        tpu.enqueue_indirect_dma source(%arg12 : memref<128x128xf32, #tpu.memory_space<vmem>>) target(%dma_start3A_365 : memref<10240x128xf32, #tpu.memory_space<vmem_shared>>) offsets(%dma_start3A_362 : memref<128xi32, #tpu.memory_space<vmem>>) semaphore(%run_scoped3A : memref<!tpu.dma_semaphore, #tpu.memory_space<semaphore_mem>>) {add = true}
        %dma_wait3A_366 = arith.constant 0 : i32
        %dma_wait3A_367 = tpu.memref_slice %arg11[%add3A_87, %dma_wait3A_366] : memref<80x128xi32, #tpu.memory_space<vmem>> -> memref<1x128xi32, #tpu.memory_space<vmem>>
        %dma_wait3A_368 = tpu.memref_squeeze %dma_wait3A_367 : memref<1x128xi32, #tpu.memory_space<vmem>> -> memref<128xi32, #tpu.memory_space<vmem>>
        %dma_wait3A_369 = arith.constant 0 : i32
        %dma_wait3A_370 = arith.constant 0 : i32
        %dma_wait3A_371 = tpu.memref_slice %arg16[%dma_wait3A_369, %dma_wait3A_370] : memref<10240x128xf32, #tpu.memory_space<vmem_shared>> -> memref<10240x128xf32, #tpu.memory_space<vmem_shared>>
        tpu.wait_indirect_dma semaphore(%run_scoped3A : memref<!tpu.dma_semaphore, #tpu.memory_space<semaphore_mem>>) src(%arg12 : memref<128x128xf32, #tpu.memory_space<vmem>>) dst(%dma_wait3A_371 : memref<10240x128xf32, #tpu.memory_space<vmem_shared>>)
        tpu.yield
      }) : () -> ()
      %dma_start3A_95 = arith.constant 4 : i32
      %dma_start3A_96 = arith.constant 0 : i32
      %dma_start3A_97 = tpu.memref_slice %arg7[%dma_start3A_95, %dma_start3A_96] : memref<8x128xi32, #tpu.memory_space<vmem>> -> memref<1x128xi32, #tpu.memory_space<vmem>>
      %dma_start3A_98 = tpu.memref_squeeze %dma_start3A_97 : memref<1x128xi32, #tpu.memory_space<vmem>> -> memref<128xi32, #tpu.memory_space<vmem>>
      %dma_start3A_99 = arith.constant 0 : i32
      %dma_start3A_100 = arith.constant 0 : i32
      %dma_start3A_101 = tpu.memref_slice %arg2[%dma_start3A_99, %dma_start3A_100] : memref<10000x128xf32, #tpu.memory_space<hbm>> -> memref<10000x128xf32, #tpu.memory_space<hbm>>
      tpu.enqueue_indirect_dma source(%dma_start3A_101 : memref<10000x128xf32, #tpu.memory_space<hbm>>) target(%arg12 : memref<128x128xf32, #tpu.memory_space<vmem>>) offsets(%dma_start3A_98 : memref<128xi32, #tpu.memory_space<vmem>>) semaphore(%arg14 : memref<!tpu.dma_semaphore, #tpu.memory_space<semaphore_mem>>)
      %mul3A_102 = arith.constant 16 : i32
      %mul3A_103 = arith.muli %mul3A_102, %scan3A_47 : i32
      %add3A_104 = arith.constant 3 : i32
      %add3A_105 = arith.addi %mul3A_103, %add3A_104 : i32
      %dma_wait3A_106 = arith.constant 3 : i32
      %dma_wait3A_107 = arith.constant 0 : i32
      %dma_wait3A_108 = tpu.memref_slice %arg7[%dma_wait3A_106, %dma_wait3A_107] : memref<8x128xi32, #tpu.memory_space<vmem>> -> memref<1x128xi32, #tpu.memory_space<vmem>>
      %dma_wait3A_109 = tpu.memref_squeeze %dma_wait3A_108 : memref<1x128xi32, #tpu.memory_space<vmem>> -> memref<128xi32, #tpu.memory_space<vmem>>
      %dma_wait3A_110 = arith.constant 0 : i32
      %dma_wait3A_111 = arith.constant 0 : i32
      %dma_wait3A_112 = tpu.memref_slice %arg2[%dma_wait3A_110, %dma_wait3A_111] : memref<10000x128xf32, #tpu.memory_space<hbm>> -> memref<10000x128xf32, #tpu.memory_space<hbm>>
      tpu.wait_indirect_dma semaphore(%arg15 : memref<!tpu.dma_semaphore, #tpu.memory_space<semaphore_mem>>) src(%dma_wait3A_112 : memref<10000x128xf32, #tpu.memory_space<hbm>>) dst(%arg13 : memref<128x128xf32, #tpu.memory_space<vmem>>)
      "tpu.region"() ({
        %run_scoped3A = tpu.sem_alloc : memref<!tpu.dma_semaphore, #tpu.memory_space<semaphore_mem>>
        %dma_start3A_360 = arith.constant 0 : i32
        %dma_start3A_361 = tpu.memref_slice %arg11[%add3A_105, %dma_start3A_360] : memref<80x128xi32, #tpu.memory_space<vmem>> -> memref<1x128xi32, #tpu.memory_space<vmem>>
        %dma_start3A_362 = tpu.memref_squeeze %dma_start3A_361 : memref<1x128xi32, #tpu.memory_space<vmem>> -> memref<128xi32, #tpu.memory_space<vmem>>
        %dma_start3A_363 = arith.constant 0 : i32
        %dma_start3A_364 = arith.constant 0 : i32
        %dma_start3A_365 = tpu.memref_slice %arg16[%dma_start3A_363, %dma_start3A_364] : memref<10240x128xf32, #tpu.memory_space<vmem_shared>> -> memref<10240x128xf32, #tpu.memory_space<vmem_shared>>
        tpu.enqueue_indirect_dma source(%arg13 : memref<128x128xf32, #tpu.memory_space<vmem>>) target(%dma_start3A_365 : memref<10240x128xf32, #tpu.memory_space<vmem_shared>>) offsets(%dma_start3A_362 : memref<128xi32, #tpu.memory_space<vmem>>) semaphore(%run_scoped3A : memref<!tpu.dma_semaphore, #tpu.memory_space<semaphore_mem>>) {add = true}
        %dma_wait3A_366 = arith.constant 0 : i32
        %dma_wait3A_367 = tpu.memref_slice %arg11[%add3A_105, %dma_wait3A_366] : memref<80x128xi32, #tpu.memory_space<vmem>> -> memref<1x128xi32, #tpu.memory_space<vmem>>
        %dma_wait3A_368 = tpu.memref_squeeze %dma_wait3A_367 : memref<1x128xi32, #tpu.memory_space<vmem>> -> memref<128xi32, #tpu.memory_space<vmem>>
        %dma_wait3A_369 = arith.constant 0 : i32
        %dma_wait3A_370 = arith.constant 0 : i32
        %dma_wait3A_371 = tpu.memref_slice %arg16[%dma_wait3A_369, %dma_wait3A_370] : memref<10240x128xf32, #tpu.memory_space<vmem_shared>> -> memref<10240x128xf32, #tpu.memory_space<vmem_shared>>
        tpu.wait_indirect_dma semaphore(%run_scoped3A : memref<!tpu.dma_semaphore, #tpu.memory_space<semaphore_mem>>) src(%arg13 : memref<128x128xf32, #tpu.memory_space<vmem>>) dst(%dma_wait3A_371 : memref<10240x128xf32, #tpu.memory_space<vmem_shared>>)
        tpu.yield
      }) : () -> ()
      %dma_start3A_113 = arith.constant 5 : i32
      %dma_start3A_114 = arith.constant 0 : i32
      %dma_start3A_115 = tpu.memref_slice %arg7[%dma_start3A_113, %dma_start3A_114] : memref<8x128xi32, #tpu.memory_space<vmem>> -> memref<1x128xi32, #tpu.memory_space<vmem>>
      %dma_start3A_116 = tpu.memref_squeeze %dma_start3A_115 : memref<1x128xi32, #tpu.memory_space<vmem>> -> memref<128xi32, #tpu.memory_space<vmem>>
      %dma_start3A_117 = arith.constant 0 : i32
      %dma_start3A_118 = arith.constant 0 : i32
      %dma_start3A_119 = tpu.memref_slice %arg2[%dma_start3A_117, %dma_start3A_118] : memref<10000x128xf32, #tpu.memory_space<hbm>> -> memref<10000x128xf32, #tpu.memory_space<hbm>>
      tpu.enqueue_indirect_dma source(%dma_start3A_119 : memref<10000x128xf32, #tpu.memory_space<hbm>>) target(%arg13 : memref<128x128xf32, #tpu.memory_space<vmem>>) offsets(%dma_start3A_116 : memref<128xi32, #tpu.memory_space<vmem>>) semaphore(%arg15 : memref<!tpu.dma_semaphore, #tpu.memory_space<semaphore_mem>>)
      %mul3A_120 = arith.constant 16 : i32
      %mul3A_121 = arith.muli %mul3A_120, %scan3A_47 : i32
      %add3A_122 = arith.constant 4 : i32
      %add3A_123 = arith.addi %mul3A_121, %add3A_122 : i32
      %dma_wait3A_124 = arith.constant 4 : i32
      %dma_wait3A_125 = arith.constant 0 : i32
      %dma_wait3A_126 = tpu.memref_slice %arg7[%dma_wait3A_124, %dma_wait3A_125] : memref<8x128xi32, #tpu.memory_space<vmem>> -> memref<1x128xi32, #tpu.memory_space<vmem>>
      %dma_wait3A_127 = tpu.memref_squeeze %dma_wait3A_126 : memref<1x128xi32, #tpu.memory_space<vmem>> -> memref<128xi32, #tpu.memory_space<vmem>>
      %dma_wait3A_128 = arith.constant 0 : i32
      %dma_wait3A_129 = arith.constant 0 : i32
      %dma_wait3A_130 = tpu.memref_slice %arg2[%dma_wait3A_128, %dma_wait3A_129] : memref<10000x128xf32, #tpu.memory_space<hbm>> -> memref<10000x128xf32, #tpu.memory_space<hbm>>
      tpu.wait_indirect_dma semaphore(%arg14 : memref<!tpu.dma_semaphore, #tpu.memory_space<semaphore_mem>>) src(%dma_wait3A_130 : memref<10000x128xf32, #tpu.memory_space<hbm>>) dst(%arg12 : memref<128x128xf32, #tpu.memory_space<vmem>>)
      "tpu.region"() ({
        %run_scoped3A = tpu.sem_alloc : memref<!tpu.dma_semaphore, #tpu.memory_space<semaphore_mem>>
        %dma_start3A_360 = arith.constant 0 : i32
        %dma_start3A_361 = tpu.memref_slice %arg11[%add3A_123, %dma_start3A_360] : memref<80x128xi32, #tpu.memory_space<vmem>> -> memref<1x128xi32, #tpu.memory_space<vmem>>
        %dma_start3A_362 = tpu.memref_squeeze %dma_start3A_361 : memref<1x128xi32, #tpu.memory_space<vmem>> -> memref<128xi32, #tpu.memory_space<vmem>>
        %dma_start3A_363 = arith.constant 0 : i32
        %dma_start3A_364 = arith.constant 0 : i32
        %dma_start3A_365 = tpu.memref_slice %arg16[%dma_start3A_363, %dma_start3A_364] : memref<10240x128xf32, #tpu.memory_space<vmem_shared>> -> memref<10240x128xf32, #tpu.memory_space<vmem_shared>>
        tpu.enqueue_indirect_dma source(%arg12 : memref<128x128xf32, #tpu.memory_space<vmem>>) target(%dma_start3A_365 : memref<10240x128xf32, #tpu.memory_space<vmem_shared>>) offsets(%dma_start3A_362 : memref<128xi32, #tpu.memory_space<vmem>>) semaphore(%run_scoped3A : memref<!tpu.dma_semaphore, #tpu.memory_space<semaphore_mem>>) {add = true}
        %dma_wait3A_366 = arith.constant 0 : i32
        %dma_wait3A_367 = tpu.memref_slice %arg11[%add3A_123, %dma_wait3A_366] : memref<80x128xi32, #tpu.memory_space<vmem>> -> memref<1x128xi32, #tpu.memory_space<vmem>>
        %dma_wait3A_368 = tpu.memref_squeeze %dma_wait3A_367 : memref<1x128xi32, #tpu.memory_space<vmem>> -> memref<128xi32, #tpu.memory_space<vmem>>
        %dma_wait3A_369 = arith.constant 0 : i32
        %dma_wait3A_370 = arith.constant 0 : i32
        %dma_wait3A_371 = tpu.memref_slice %arg16[%dma_wait3A_369, %dma_wait3A_370] : memref<10240x128xf32, #tpu.memory_space<vmem_shared>> -> memref<10240x128xf32, #tpu.memory_space<vmem_shared>>
        tpu.wait_indirect_dma semaphore(%run_scoped3A : memref<!tpu.dma_semaphore, #tpu.memory_space<semaphore_mem>>) src(%arg12 : memref<128x128xf32, #tpu.memory_space<vmem>>) dst(%dma_wait3A_371 : memref<10240x128xf32, #tpu.memory_space<vmem_shared>>)
        tpu.yield
      }) : () -> ()
      %dma_start3A_131 = arith.constant 6 : i32
      %dma_start3A_132 = arith.constant 0 : i32
      %dma_start3A_133 = tpu.memref_slice %arg7[%dma_start3A_131, %dma_start3A_132] : memref<8x128xi32, #tpu.memory_space<vmem>> -> memref<1x128xi32, #tpu.memory_space<vmem>>
      %dma_start3A_134 = tpu.memref_squeeze %dma_start3A_133 : memref<1x128xi32, #tpu.memory_space<vmem>> -> memref<128xi32, #tpu.memory_space<vmem>>
      %dma_start3A_135 = arith.constant 0 : i32
      %dma_start3A_136 = arith.constant 0 : i32
      %dma_start3A_137 = tpu.memref_slice %arg2[%dma_start3A_135, %dma_start3A_136] : memref<10000x128xf32, #tpu.memory_space<hbm>> -> memref<10000x128xf32, #tpu.memory_space<hbm>>
      tpu.enqueue_indirect_dma source(%dma_start3A_137 : memref<10000x128xf32, #tpu.memory_space<hbm>>) target(%arg12 : memref<128x128xf32, #tpu.memory_space<vmem>>) offsets(%dma_start3A_134 : memref<128xi32, #tpu.memory_space<vmem>>) semaphore(%arg14 : memref<!tpu.dma_semaphore, #tpu.memory_space<semaphore_mem>>)
      %mul3A_138 = arith.constant 16 : i32
      %mul3A_139 = arith.muli %mul3A_138, %scan3A_47 : i32
      %add3A_140 = arith.constant 5 : i32
      %add3A_141 = arith.addi %mul3A_139, %add3A_140 : i32
      %dma_wait3A_142 = arith.constant 5 : i32
      %dma_wait3A_143 = arith.constant 0 : i32
      %dma_wait3A_144 = tpu.memref_slice %arg7[%dma_wait3A_142, %dma_wait3A_143] : memref<8x128xi32, #tpu.memory_space<vmem>> -> memref<1x128xi32, #tpu.memory_space<vmem>>
      %dma_wait3A_145 = tpu.memref_squeeze %dma_wait3A_144 : memref<1x128xi32, #tpu.memory_space<vmem>> -> memref<128xi32, #tpu.memory_space<vmem>>
      %dma_wait3A_146 = arith.constant 0 : i32
      %dma_wait3A_147 = arith.constant 0 : i32
      %dma_wait3A_148 = tpu.memref_slice %arg2[%dma_wait3A_146, %dma_wait3A_147] : memref<10000x128xf32, #tpu.memory_space<hbm>> -> memref<10000x128xf32, #tpu.memory_space<hbm>>
      tpu.wait_indirect_dma semaphore(%arg15 : memref<!tpu.dma_semaphore, #tpu.memory_space<semaphore_mem>>) src(%dma_wait3A_148 : memref<10000x128xf32, #tpu.memory_space<hbm>>) dst(%arg13 : memref<128x128xf32, #tpu.memory_space<vmem>>)
      "tpu.region"() ({
        %run_scoped3A = tpu.sem_alloc : memref<!tpu.dma_semaphore, #tpu.memory_space<semaphore_mem>>
        %dma_start3A_360 = arith.constant 0 : i32
        %dma_start3A_361 = tpu.memref_slice %arg11[%add3A_141, %dma_start3A_360] : memref<80x128xi32, #tpu.memory_space<vmem>> -> memref<1x128xi32, #tpu.memory_space<vmem>>
        %dma_start3A_362 = tpu.memref_squeeze %dma_start3A_361 : memref<1x128xi32, #tpu.memory_space<vmem>> -> memref<128xi32, #tpu.memory_space<vmem>>
        %dma_start3A_363 = arith.constant 0 : i32
        %dma_start3A_364 = arith.constant 0 : i32
        %dma_start3A_365 = tpu.memref_slice %arg16[%dma_start3A_363, %dma_start3A_364] : memref<10240x128xf32, #tpu.memory_space<vmem_shared>> -> memref<10240x128xf32, #tpu.memory_space<vmem_shared>>
        tpu.enqueue_indirect_dma source(%arg13 : memref<128x128xf32, #tpu.memory_space<vmem>>) target(%dma_start3A_365 : memref<10240x128xf32, #tpu.memory_space<vmem_shared>>) offsets(%dma_start3A_362 : memref<128xi32, #tpu.memory_space<vmem>>) semaphore(%run_scoped3A : memref<!tpu.dma_semaphore, #tpu.memory_space<semaphore_mem>>) {add = true}
        %dma_wait3A_366 = arith.constant 0 : i32
        %dma_wait3A_367 = tpu.memref_slice %arg11[%add3A_141, %dma_wait3A_366] : memref<80x128xi32, #tpu.memory_space<vmem>> -> memref<1x128xi32, #tpu.memory_space<vmem>>
        %dma_wait3A_368 = tpu.memref_squeeze %dma_wait3A_367 : memref<1x128xi32, #tpu.memory_space<vmem>> -> memref<128xi32, #tpu.memory_space<vmem>>
        %dma_wait3A_369 = arith.constant 0 : i32
        %dma_wait3A_370 = arith.constant 0 : i32
        %dma_wait3A_371 = tpu.memref_slice %arg16[%dma_wait3A_369, %dma_wait3A_370] : memref<10240x128xf32, #tpu.memory_space<vmem_shared>> -> memref<10240x128xf32, #tpu.memory_space<vmem_shared>>
        tpu.wait_indirect_dma semaphore(%run_scoped3A : memref<!tpu.dma_semaphore, #tpu.memory_space<semaphore_mem>>) src(%arg13 : memref<128x128xf32, #tpu.memory_space<vmem>>) dst(%dma_wait3A_371 : memref<10240x128xf32, #tpu.memory_space<vmem_shared>>)
        tpu.yield
      }) : () -> ()
      %dma_start3A_149 = arith.constant 7 : i32
      %dma_start3A_150 = arith.constant 0 : i32
      %dma_start3A_151 = tpu.memref_slice %arg7[%dma_start3A_149, %dma_start3A_150] : memref<8x128xi32, #tpu.memory_space<vmem>> -> memref<1x128xi32, #tpu.memory_space<vmem>>
      %dma_start3A_152 = tpu.memref_squeeze %dma_start3A_151 : memref<1x128xi32, #tpu.memory_space<vmem>> -> memref<128xi32, #tpu.memory_space<vmem>>
      %dma_start3A_153 = arith.constant 0 : i32
      %dma_start3A_154 = arith.constant 0 : i32
      %dma_start3A_155 = tpu.memref_slice %arg2[%dma_start3A_153, %dma_start3A_154] : memref<10000x128xf32, #tpu.memory_space<hbm>> -> memref<10000x128xf32, #tpu.memory_space<hbm>>
      tpu.enqueue_indirect_dma source(%dma_start3A_155 : memref<10000x128xf32, #tpu.memory_space<hbm>>) target(%arg13 : memref<128x128xf32, #tpu.memory_space<vmem>>) offsets(%dma_start3A_152 : memref<128xi32, #tpu.memory_space<vmem>>) semaphore(%arg15 : memref<!tpu.dma_semaphore, #tpu.memory_space<semaphore_mem>>)
      %mul3A_156 = arith.constant 16 : i32
      %mul3A_157 = arith.muli %mul3A_156, %scan3A_47 : i32
      %add3A_158 = arith.constant 6 : i32
      %add3A_159 = arith.addi %mul3A_157, %add3A_158 : i32
      %dma_wait3A_160 = arith.constant 6 : i32
      %dma_wait3A_161 = arith.constant 0 : i32
      %dma_wait3A_162 = tpu.memref_slice %arg7[%dma_wait3A_160, %dma_wait3A_161] : memref<8x128xi32, #tpu.memory_space<vmem>> -> memref<1x128xi32, #tpu.memory_space<vmem>>
      %dma_wait3A_163 = tpu.memref_squeeze %dma_wait3A_162 : memref<1x128xi32, #tpu.memory_space<vmem>> -> memref<128xi32, #tpu.memory_space<vmem>>
      %dma_wait3A_164 = arith.constant 0 : i32
      %dma_wait3A_165 = arith.constant 0 : i32
      %dma_wait3A_166 = tpu.memref_slice %arg2[%dma_wait3A_164, %dma_wait3A_165] : memref<10000x128xf32, #tpu.memory_space<hbm>> -> memref<10000x128xf32, #tpu.memory_space<hbm>>
      tpu.wait_indirect_dma semaphore(%arg14 : memref<!tpu.dma_semaphore, #tpu.memory_space<semaphore_mem>>) src(%dma_wait3A_166 : memref<10000x128xf32, #tpu.memory_space<hbm>>) dst(%arg12 : memref<128x128xf32, #tpu.memory_space<vmem>>)
      "tpu.region"() ({
        %run_scoped3A = tpu.sem_alloc : memref<!tpu.dma_semaphore, #tpu.memory_space<semaphore_mem>>
        %dma_start3A_360 = arith.constant 0 : i32
        %dma_start3A_361 = tpu.memref_slice %arg11[%add3A_159, %dma_start3A_360] : memref<80x128xi32, #tpu.memory_space<vmem>> -> memref<1x128xi32, #tpu.memory_space<vmem>>
        %dma_start3A_362 = tpu.memref_squeeze %dma_start3A_361 : memref<1x128xi32, #tpu.memory_space<vmem>> -> memref<128xi32, #tpu.memory_space<vmem>>
        %dma_start3A_363 = arith.constant 0 : i32
        %dma_start3A_364 = arith.constant 0 : i32
        %dma_start3A_365 = tpu.memref_slice %arg16[%dma_start3A_363, %dma_start3A_364] : memref<10240x128xf32, #tpu.memory_space<vmem_shared>> -> memref<10240x128xf32, #tpu.memory_space<vmem_shared>>
        tpu.enqueue_indirect_dma source(%arg12 : memref<128x128xf32, #tpu.memory_space<vmem>>) target(%dma_start3A_365 : memref<10240x128xf32, #tpu.memory_space<vmem_shared>>) offsets(%dma_start3A_362 : memref<128xi32, #tpu.memory_space<vmem>>) semaphore(%run_scoped3A : memref<!tpu.dma_semaphore, #tpu.memory_space<semaphore_mem>>) {add = true}
        %dma_wait3A_366 = arith.constant 0 : i32
        %dma_wait3A_367 = tpu.memref_slice %arg11[%add3A_159, %dma_wait3A_366] : memref<80x128xi32, #tpu.memory_space<vmem>> -> memref<1x128xi32, #tpu.memory_space<vmem>>
        %dma_wait3A_368 = tpu.memref_squeeze %dma_wait3A_367 : memref<1x128xi32, #tpu.memory_space<vmem>> -> memref<128xi32, #tpu.memory_space<vmem>>
        %dma_wait3A_369 = arith.constant 0 : i32
        %dma_wait3A_370 = arith.constant 0 : i32
        %dma_wait3A_371 = tpu.memref_slice %arg16[%dma_wait3A_369, %dma_wait3A_370] : memref<10240x128xf32, #tpu.memory_space<vmem_shared>> -> memref<10240x128xf32, #tpu.memory_space<vmem_shared>>
        tpu.wait_indirect_dma semaphore(%run_scoped3A : memref<!tpu.dma_semaphore, #tpu.memory_space<semaphore_mem>>) src(%arg12 : memref<128x128xf32, #tpu.memory_space<vmem>>) dst(%dma_wait3A_371 : memref<10240x128xf32, #tpu.memory_space<vmem_shared>>)
        tpu.yield
      }) : () -> ()
      %mul3A_167 = arith.constant 2 : i32
      %mul3A_168 = arith.muli %mul3A_167, %scan3A_47 : i32
      %add3A_169 = arith.constant 1 : i32
      %add3A_170 = arith.addi %mul3A_168, %add3A_169 : i32
      %lt3A = arith.constant 10 : i32
      %lt3A_171 = arith.cmpi slt, %add3A_170, %lt3A : i32
      %convert_element_type3A = arith.extui %lt3A_171 : i1 to i32
      %cond3A = arith.constant 0 : i32
      %cond3A_172 = arith.cmpi ne, %convert_element_type3A, %cond3A : i32
      scf.if %cond3A_172 {
        %mul3A_360 = arith.constant 2 : i32
        %mul3A_361 = arith.muli %mul3A_360, %scan3A_47 : i32
        %add3A_362 = arith.constant 1 : i32
        %add3A_363 = arith.addi %mul3A_361, %add3A_362 : i32
        %mul3A_364 = arith.constant 8 : i32
        %mul3A_365 = arith.muli %add3A_363, %mul3A_364 : i32
        %add3A_366 = arith.addi %mul3A_6, %mul3A_365 : i32
        %dma_wait3A_367 = arith.constant 0 : i32
        %dma_wait3A_368 = tpu.memref_slice %arg3[%add3A_366, %dma_wait3A_367] : memref<2560x128xi32, #tpu.memory_space<hbm>> -> memref<8x128xi32, #tpu.memory_space<hbm>>
        %dma_wait3A_369 = arith.constant 0 : i32
        %dma_wait3A_370 = tpu.memref_slice %arg3[%add3A_366, %dma_wait3A_369] : memref<2560x128xi32, #tpu.memory_space<hbm>> -> memref<8x128xi32, #tpu.memory_space<hbm>>
        tpu.wait_dma2 semaphore(%arg10 : memref<!tpu.dma_semaphore, #tpu.memory_space<semaphore_mem>>) src(%dma_wait3A_370 : memref<8x128xi32, #tpu.memory_space<hbm>>) dst(%arg8 : memref<8x128xi32, #tpu.memory_space<vmem>>)
      } else {
      }
      %dma_start3A_173 = arith.constant 0 : i32
      %dma_start3A_174 = arith.constant 0 : i32
      %dma_start3A_175 = tpu.memref_slice %arg8[%dma_start3A_173, %dma_start3A_174] : memref<8x128xi32, #tpu.memory_space<vmem>> -> memref<1x128xi32, #tpu.memory_space<vmem>>
      %dma_start3A_176 = tpu.memref_squeeze %dma_start3A_175 : memref<1x128xi32, #tpu.memory_space<vmem>> -> memref<128xi32, #tpu.memory_space<vmem>>
      %dma_start3A_177 = arith.constant 0 : i32
      %dma_start3A_178 = arith.constant 0 : i32
      %dma_start3A_179 = tpu.memref_slice %arg2[%dma_start3A_177, %dma_start3A_178] : memref<10000x128xf32, #tpu.memory_space<hbm>> -> memref<10000x128xf32, #tpu.memory_space<hbm>>
      tpu.enqueue_indirect_dma source(%dma_start3A_179 : memref<10000x128xf32, #tpu.memory_space<hbm>>) target(%arg12 : memref<128x128xf32, #tpu.memory_space<vmem>>) offsets(%dma_start3A_176 : memref<128xi32, #tpu.memory_space<vmem>>) semaphore(%arg14 : memref<!tpu.dma_semaphore, #tpu.memory_space<semaphore_mem>>)
      %mul3A_180 = arith.constant 16 : i32
      %mul3A_181 = arith.muli %mul3A_180, %scan3A_47 : i32
      %add3A_182 = arith.constant 7 : i32
      %add3A_183 = arith.addi %mul3A_181, %add3A_182 : i32
      %dma_wait3A_184 = arith.constant 7 : i32
      %dma_wait3A_185 = arith.constant 0 : i32
      %dma_wait3A_186 = tpu.memref_slice %arg7[%dma_wait3A_184, %dma_wait3A_185] : memref<8x128xi32, #tpu.memory_space<vmem>> -> memref<1x128xi32, #tpu.memory_space<vmem>>
      %dma_wait3A_187 = tpu.memref_squeeze %dma_wait3A_186 : memref<1x128xi32, #tpu.memory_space<vmem>> -> memref<128xi32, #tpu.memory_space<vmem>>
      %dma_wait3A_188 = arith.constant 0 : i32
      %dma_wait3A_189 = arith.constant 0 : i32
      %dma_wait3A_190 = tpu.memref_slice %arg2[%dma_wait3A_188, %dma_wait3A_189] : memref<10000x128xf32, #tpu.memory_space<hbm>> -> memref<10000x128xf32, #tpu.memory_space<hbm>>
      tpu.wait_indirect_dma semaphore(%arg15 : memref<!tpu.dma_semaphore, #tpu.memory_space<semaphore_mem>>) src(%dma_wait3A_190 : memref<10000x128xf32, #tpu.memory_space<hbm>>) dst(%arg13 : memref<128x128xf32, #tpu.memory_space<vmem>>)
      "tpu.region"() ({
        %run_scoped3A = tpu.sem_alloc : memref<!tpu.dma_semaphore, #tpu.memory_space<semaphore_mem>>
        %dma_start3A_360 = arith.constant 0 : i32
        %dma_start3A_361 = tpu.memref_slice %arg11[%add3A_183, %dma_start3A_360] : memref<80x128xi32, #tpu.memory_space<vmem>> -> memref<1x128xi32, #tpu.memory_space<vmem>>
        %dma_start3A_362 = tpu.memref_squeeze %dma_start3A_361 : memref<1x128xi32, #tpu.memory_space<vmem>> -> memref<128xi32, #tpu.memory_space<vmem>>
        %dma_start3A_363 = arith.constant 0 : i32
        %dma_start3A_364 = arith.constant 0 : i32
        %dma_start3A_365 = tpu.memref_slice %arg16[%dma_start3A_363, %dma_start3A_364] : memref<10240x128xf32, #tpu.memory_space<vmem_shared>> -> memref<10240x128xf32, #tpu.memory_space<vmem_shared>>
        tpu.enqueue_indirect_dma source(%arg13 : memref<128x128xf32, #tpu.memory_space<vmem>>) target(%dma_start3A_365 : memref<10240x128xf32, #tpu.memory_space<vmem_shared>>) offsets(%dma_start3A_362 : memref<128xi32, #tpu.memory_space<vmem>>) semaphore(%run_scoped3A : memref<!tpu.dma_semaphore, #tpu.memory_space<semaphore_mem>>) {add = true}
        %dma_wait3A_366 = arith.constant 0 : i32
        %dma_wait3A_367 = tpu.memref_slice %arg11[%add3A_183, %dma_wait3A_366] : memref<80x128xi32, #tpu.memory_space<vmem>> -> memref<1x128xi32, #tpu.memory_space<vmem>>
        %dma_wait3A_368 = tpu.memref_squeeze %dma_wait3A_367 : memref<1x128xi32, #tpu.memory_space<vmem>> -> memref<128xi32, #tpu.memory_space<vmem>>
        %dma_wait3A_369 = arith.constant 0 : i32
        %dma_wait3A_370 = arith.constant 0 : i32
        %dma_wait3A_371 = tpu.memref_slice %arg16[%dma_wait3A_369, %dma_wait3A_370] : memref<10240x128xf32, #tpu.memory_space<vmem_shared>> -> memref<10240x128xf32, #tpu.memory_space<vmem_shared>>
        tpu.wait_indirect_dma semaphore(%run_scoped3A : memref<!tpu.dma_semaphore, #tpu.memory_space<semaphore_mem>>) src(%arg13 : memref<128x128xf32, #tpu.memory_space<vmem>>) dst(%dma_wait3A_371 : memref<10240x128xf32, #tpu.memory_space<vmem_shared>>)
        tpu.yield
      }) : () -> ()
      %dma_start3A_191 = arith.constant 1 : i32
      %dma_start3A_192 = arith.constant 0 : i32
      %dma_start3A_193 = tpu.memref_slice %arg8[%dma_start3A_191, %dma_start3A_192] : memref<8x128xi32, #tpu.memory_space<vmem>> -> memref<1x128xi32, #tpu.memory_space<vmem>>
      %dma_start3A_194 = tpu.memref_squeeze %dma_start3A_193 : memref<1x128xi32, #tpu.memory_space<vmem>> -> memref<128xi32, #tpu.memory_space<vmem>>
      %dma_start3A_195 = arith.constant 0 : i32
      %dma_start3A_196 = arith.constant 0 : i32
      %dma_start3A_197 = tpu.memref_slice %arg2[%dma_start3A_195, %dma_start3A_196] : memref<10000x128xf32, #tpu.memory_space<hbm>> -> memref<10000x128xf32, #tpu.memory_space<hbm>>
      tpu.enqueue_indirect_dma source(%dma_start3A_197 : memref<10000x128xf32, #tpu.memory_space<hbm>>) target(%arg13 : memref<128x128xf32, #tpu.memory_space<vmem>>) offsets(%dma_start3A_194 : memref<128xi32, #tpu.memory_space<vmem>>) semaphore(%arg15 : memref<!tpu.dma_semaphore, #tpu.memory_space<semaphore_mem>>)
      %mul3A_198 = arith.constant 2 : i32
      %mul3A_199 = arith.muli %mul3A_198, %scan3A_47 : i32
      %add3A_200 = arith.constant 2 : i32
      %add3A_201 = arith.addi %mul3A_199, %add3A_200 : i32
      %lt3A_202 = arith.constant 10 : i32
      %lt3A_203 = arith.cmpi slt, %add3A_201, %lt3A_202 : i32
      %convert_element_type3A_204 = arith.extui %lt3A_203 : i1 to i32
      %cond3A_205 = arith.constant 0 : i32
      %cond3A_206 = arith.cmpi ne, %convert_element_type3A_204, %cond3A_205 : i32
      scf.if %cond3A_206 {
        %mul3A_360 = arith.constant 2 : i32
        %mul3A_361 = arith.muli %mul3A_360, %scan3A_47 : i32
        %add3A_362 = arith.constant 2 : i32
        %add3A_363 = arith.addi %mul3A_361, %add3A_362 : i32
        %mul3A_364 = arith.constant 8 : i32
        %mul3A_365 = arith.muli %add3A_363, %mul3A_364 : i32
        %add3A_366 = arith.addi %mul3A_6, %mul3A_365 : i32
        %dma_start3A_367 = arith.constant 0 : i32
        %dma_start3A_368 = tpu.memref_slice %arg3[%add3A_366, %dma_start3A_367] : memref<2560x128xi32, #tpu.memory_space<hbm>> -> memref<8x128xi32, #tpu.memory_space<hbm>>
        %dma_start3A_369 = arith.constant 0 : i32
        %dma_start3A_370 = tpu.memref_slice %arg3[%add3A_366, %dma_start3A_369] : memref<2560x128xi32, #tpu.memory_space<hbm>> -> memref<8x128xi32, #tpu.memory_space<hbm>>
        tpu.enqueue_dma source(%dma_start3A_370 : memref<8x128xi32, #tpu.memory_space<hbm>>) target(%arg7 : memref<8x128xi32, #tpu.memory_space<vmem>>) target_semaphore(%arg9 : memref<!tpu.dma_semaphore, #tpu.memory_space<semaphore_mem>>)
      } else {
      }
      %mul3A_207 = arith.constant 16 : i32
      %mul3A_208 = arith.muli %mul3A_207, %scan3A_47 : i32
      %add3A_209 = arith.constant 8 : i32
      %add3A_210 = arith.addi %mul3A_208, %add3A_209 : i32
      %dma_wait3A_211 = arith.constant 0 : i32
      %dma_wait3A_212 = arith.constant 0 : i32
      %dma_wait3A_213 = tpu.memref_slice %arg8[%dma_wait3A_211, %dma_wait3A_212] : memref<8x128xi32, #tpu.memory_space<vmem>> -> memref<1x128xi32, #tpu.memory_space<vmem>>
      %dma_wait3A_214 = tpu.memref_squeeze %dma_wait3A_213 : memref<1x128xi32, #tpu.memory_space<vmem>> -> memref<128xi32, #tpu.memory_space<vmem>>
      %dma_wait3A_215 = arith.constant 0 : i32
      %dma_wait3A_216 = arith.constant 0 : i32
      %dma_wait3A_217 = tpu.memref_slice %arg2[%dma_wait3A_215, %dma_wait3A_216] : memref<10000x128xf32, #tpu.memory_space<hbm>> -> memref<10000x128xf32, #tpu.memory_space<hbm>>
      tpu.wait_indirect_dma semaphore(%arg14 : memref<!tpu.dma_semaphore, #tpu.memory_space<semaphore_mem>>) src(%dma_wait3A_217 : memref<10000x128xf32, #tpu.memory_space<hbm>>) dst(%arg12 : memref<128x128xf32, #tpu.memory_space<vmem>>)
      "tpu.region"() ({
        %run_scoped3A = tpu.sem_alloc : memref<!tpu.dma_semaphore, #tpu.memory_space<semaphore_mem>>
        %dma_start3A_360 = arith.constant 0 : i32
        %dma_start3A_361 = tpu.memref_slice %arg11[%add3A_210, %dma_start3A_360] : memref<80x128xi32, #tpu.memory_space<vmem>> -> memref<1x128xi32, #tpu.memory_space<vmem>>
        %dma_start3A_362 = tpu.memref_squeeze %dma_start3A_361 : memref<1x128xi32, #tpu.memory_space<vmem>> -> memref<128xi32, #tpu.memory_space<vmem>>
        %dma_start3A_363 = arith.constant 0 : i32
        %dma_start3A_364 = arith.constant 0 : i32
        %dma_start3A_365 = tpu.memref_slice %arg16[%dma_start3A_363, %dma_start3A_364] : memref<10240x128xf32, #tpu.memory_space<vmem_shared>> -> memref<10240x128xf32, #tpu.memory_space<vmem_shared>>
        tpu.enqueue_indirect_dma source(%arg12 : memref<128x128xf32, #tpu.memory_space<vmem>>) target(%dma_start3A_365 : memref<10240x128xf32, #tpu.memory_space<vmem_shared>>) offsets(%dma_start3A_362 : memref<128xi32, #tpu.memory_space<vmem>>) semaphore(%run_scoped3A : memref<!tpu.dma_semaphore, #tpu.memory_space<semaphore_mem>>) {add = true}
        %dma_wait3A_366 = arith.constant 0 : i32
        %dma_wait3A_367 = tpu.memref_slice %arg11[%add3A_210, %dma_wait3A_366] : memref<80x128xi32, #tpu.memory_space<vmem>> -> memref<1x128xi32, #tpu.memory_space<vmem>>
        %dma_wait3A_368 = tpu.memref_squeeze %dma_wait3A_367 : memref<1x128xi32, #tpu.memory_space<vmem>> -> memref<128xi32, #tpu.memory_space<vmem>>
        %dma_wait3A_369 = arith.constant 0 : i32
        %dma_wait3A_370 = arith.constant 0 : i32
        %dma_wait3A_371 = tpu.memref_slice %arg16[%dma_wait3A_369, %dma_wait3A_370] : memref<10240x128xf32, #tpu.memory_space<vmem_shared>> -> memref<10240x128xf32, #tpu.memory_space<vmem_shared>>
        tpu.wait_indirect_dma semaphore(%run_scoped3A : memref<!tpu.dma_semaphore, #tpu.memory_space<semaphore_mem>>) src(%arg12 : memref<128x128xf32, #tpu.memory_space<vmem>>) dst(%dma_wait3A_371 : memref<10240x128xf32, #tpu.memory_space<vmem_shared>>)
        tpu.yield
      }) : () -> ()
      %dma_start3A_218 = arith.constant 2 : i32
      %dma_start3A_219 = arith.constant 0 : i32
      %dma_start3A_220 = tpu.memref_slice %arg8[%dma_start3A_218, %dma_start3A_219] : memref<8x128xi32, #tpu.memory_space<vmem>> -> memref<1x128xi32, #tpu.memory_space<vmem>>
      %dma_start3A_221 = tpu.memref_squeeze %dma_start3A_220 : memref<1x128xi32, #tpu.memory_space<vmem>> -> memref<128xi32, #tpu.memory_space<vmem>>
      %dma_start3A_222 = arith.constant 0 : i32
      %dma_start3A_223 = arith.constant 0 : i32
      %dma_start3A_224 = tpu.memref_slice %arg2[%dma_start3A_222, %dma_start3A_223] : memref<10000x128xf32, #tpu.memory_space<hbm>> -> memref<10000x128xf32, #tpu.memory_space<hbm>>
      tpu.enqueue_indirect_dma source(%dma_start3A_224 : memref<10000x128xf32, #tpu.memory_space<hbm>>) target(%arg12 : memref<128x128xf32, #tpu.memory_space<vmem>>) offsets(%dma_start3A_221 : memref<128xi32, #tpu.memory_space<vmem>>) semaphore(%arg14 : memref<!tpu.dma_semaphore, #tpu.memory_space<semaphore_mem>>)
      %mul3A_225 = arith.constant 16 : i32
      %mul3A_226 = arith.muli %mul3A_225, %scan3A_47 : i32
      %add3A_227 = arith.constant 9 : i32
      %add3A_228 = arith.addi %mul3A_226, %add3A_227 : i32
      %dma_wait3A_229 = arith.constant 1 : i32
      %dma_wait3A_230 = arith.constant 0 : i32
      %dma_wait3A_231 = tpu.memref_slice %arg8[%dma_wait3A_229, %dma_wait3A_230] : memref<8x128xi32, #tpu.memory_space<vmem>> -> memref<1x128xi32, #tpu.memory_space<vmem>>
      %dma_wait3A_232 = tpu.memref_squeeze %dma_wait3A_231 : memref<1x128xi32, #tpu.memory_space<vmem>> -> memref<128xi32, #tpu.memory_space<vmem>>
      %dma_wait3A_233 = arith.constant 0 : i32
      %dma_wait3A_234 = arith.constant 0 : i32
      %dma_wait3A_235 = tpu.memref_slice %arg2[%dma_wait3A_233, %dma_wait3A_234] : memref<10000x128xf32, #tpu.memory_space<hbm>> -> memref<10000x128xf32, #tpu.memory_space<hbm>>
      tpu.wait_indirect_dma semaphore(%arg15 : memref<!tpu.dma_semaphore, #tpu.memory_space<semaphore_mem>>) src(%dma_wait3A_235 : memref<10000x128xf32, #tpu.memory_space<hbm>>) dst(%arg13 : memref<128x128xf32, #tpu.memory_space<vmem>>)
      "tpu.region"() ({
        %run_scoped3A = tpu.sem_alloc : memref<!tpu.dma_semaphore, #tpu.memory_space<semaphore_mem>>
        %dma_start3A_360 = arith.constant 0 : i32
        %dma_start3A_361 = tpu.memref_slice %arg11[%add3A_228, %dma_start3A_360] : memref<80x128xi32, #tpu.memory_space<vmem>> -> memref<1x128xi32, #tpu.memory_space<vmem>>
        %dma_start3A_362 = tpu.memref_squeeze %dma_start3A_361 : memref<1x128xi32, #tpu.memory_space<vmem>> -> memref<128xi32, #tpu.memory_space<vmem>>
        %dma_start3A_363 = arith.constant 0 : i32
        %dma_start3A_364 = arith.constant 0 : i32
        %dma_start3A_365 = tpu.memref_slice %arg16[%dma_start3A_363, %dma_start3A_364] : memref<10240x128xf32, #tpu.memory_space<vmem_shared>> -> memref<10240x128xf32, #tpu.memory_space<vmem_shared>>
        tpu.enqueue_indirect_dma source(%arg13 : memref<128x128xf32, #tpu.memory_space<vmem>>) target(%dma_start3A_365 : memref<10240x128xf32, #tpu.memory_space<vmem_shared>>) offsets(%dma_start3A_362 : memref<128xi32, #tpu.memory_space<vmem>>) semaphore(%run_scoped3A : memref<!tpu.dma_semaphore, #tpu.memory_space<semaphore_mem>>) {add = true}
        %dma_wait3A_366 = arith.constant 0 : i32
        %dma_wait3A_367 = tpu.memref_slice %arg11[%add3A_228, %dma_wait3A_366] : memref<80x128xi32, #tpu.memory_space<vmem>> -> memref<1x128xi32, #tpu.memory_space<vmem>>
        %dma_wait3A_368 = tpu.memref_squeeze %dma_wait3A_367 : memref<1x128xi32, #tpu.memory_space<vmem>> -> memref<128xi32, #tpu.memory_space<vmem>>
        %dma_wait3A_369 = arith.constant 0 : i32
        %dma_wait3A_370 = arith.constant 0 : i32
        %dma_wait3A_371 = tpu.memref_slice %arg16[%dma_wait3A_369, %dma_wait3A_370] : memref<10240x128xf32, #tpu.memory_space<vmem_shared>> -> memref<10240x128xf32, #tpu.memory_space<vmem_shared>>
        tpu.wait_indirect_dma semaphore(%run_scoped3A : memref<!tpu.dma_semaphore, #tpu.memory_space<semaphore_mem>>) src(%arg13 : memref<128x128xf32, #tpu.memory_space<vmem>>) dst(%dma_wait3A_371 : memref<10240x128xf32, #tpu.memory_space<vmem_shared>>)
        tpu.yield
      }) : () -> ()
      %dma_start3A_236 = arith.constant 3 : i32
      %dma_start3A_237 = arith.constant 0 : i32
      %dma_start3A_238 = tpu.memref_slice %arg8[%dma_start3A_236, %dma_start3A_237] : memref<8x128xi32, #tpu.memory_space<vmem>> -> memref<1x128xi32, #tpu.memory_space<vmem>>
      %dma_start3A_239 = tpu.memref_squeeze %dma_start3A_238 : memref<1x128xi32, #tpu.memory_space<vmem>> -> memref<128xi32, #tpu.memory_space<vmem>>
      %dma_start3A_240 = arith.constant 0 : i32
      %dma_start3A_241 = arith.constant 0 : i32
      %dma_start3A_242 = tpu.memref_slice %arg2[%dma_start3A_240, %dma_start3A_241] : memref<10000x128xf32, #tpu.memory_space<hbm>> -> memref<10000x128xf32, #tpu.memory_space<hbm>>
      tpu.enqueue_indirect_dma source(%dma_start3A_242 : memref<10000x128xf32, #tpu.memory_space<hbm>>) target(%arg13 : memref<128x128xf32, #tpu.memory_space<vmem>>) offsets(%dma_start3A_239 : memref<128xi32, #tpu.memory_space<vmem>>) semaphore(%arg15 : memref<!tpu.dma_semaphore, #tpu.memory_space<semaphore_mem>>)
      %mul3A_243 = arith.constant 16 : i32
      %mul3A_244 = arith.muli %mul3A_243, %scan3A_47 : i32
      %add3A_245 = arith.constant 10 : i32
      %add3A_246 = arith.addi %mul3A_244, %add3A_245 : i32
      %dma_wait3A_247 = arith.constant 2 : i32
      %dma_wait3A_248 = arith.constant 0 : i32
      %dma_wait3A_249 = tpu.memref_slice %arg8[%dma_wait3A_247, %dma_wait3A_248] : memref<8x128xi32, #tpu.memory_space<vmem>> -> memref<1x128xi32, #tpu.memory_space<vmem>>
      %dma_wait3A_250 = tpu.memref_squeeze %dma_wait3A_249 : memref<1x128xi32, #tpu.memory_space<vmem>> -> memref<128xi32, #tpu.memory_space<vmem>>
      %dma_wait3A_251 = arith.constant 0 : i32
      %dma_wait3A_252 = arith.constant 0 : i32
      %dma_wait3A_253 = tpu.memref_slice %arg2[%dma_wait3A_251, %dma_wait3A_252] : memref<10000x128xf32, #tpu.memory_space<hbm>> -> memref<10000x128xf32, #tpu.memory_space<hbm>>
      tpu.wait_indirect_dma semaphore(%arg14 : memref<!tpu.dma_semaphore, #tpu.memory_space<semaphore_mem>>) src(%dma_wait3A_253 : memref<10000x128xf32, #tpu.memory_space<hbm>>) dst(%arg12 : memref<128x128xf32, #tpu.memory_space<vmem>>)
      "tpu.region"() ({
        %run_scoped3A = tpu.sem_alloc : memref<!tpu.dma_semaphore, #tpu.memory_space<semaphore_mem>>
        %dma_start3A_360 = arith.constant 0 : i32
        %dma_start3A_361 = tpu.memref_slice %arg11[%add3A_246, %dma_start3A_360] : memref<80x128xi32, #tpu.memory_space<vmem>> -> memref<1x128xi32, #tpu.memory_space<vmem>>
        %dma_start3A_362 = tpu.memref_squeeze %dma_start3A_361 : memref<1x128xi32, #tpu.memory_space<vmem>> -> memref<128xi32, #tpu.memory_space<vmem>>
        %dma_start3A_363 = arith.constant 0 : i32
        %dma_start3A_364 = arith.constant 0 : i32
        %dma_start3A_365 = tpu.memref_slice %arg16[%dma_start3A_363, %dma_start3A_364] : memref<10240x128xf32, #tpu.memory_space<vmem_shared>> -> memref<10240x128xf32, #tpu.memory_space<vmem_shared>>
        tpu.enqueue_indirect_dma source(%arg12 : memref<128x128xf32, #tpu.memory_space<vmem>>) target(%dma_start3A_365 : memref<10240x128xf32, #tpu.memory_space<vmem_shared>>) offsets(%dma_start3A_362 : memref<128xi32, #tpu.memory_space<vmem>>) semaphore(%run_scoped3A : memref<!tpu.dma_semaphore, #tpu.memory_space<semaphore_mem>>) {add = true}
        %dma_wait3A_366 = arith.constant 0 : i32
        %dma_wait3A_367 = tpu.memref_slice %arg11[%add3A_246, %dma_wait3A_366] : memref<80x128xi32, #tpu.memory_space<vmem>> -> memref<1x128xi32, #tpu.memory_space<vmem>>
        %dma_wait3A_368 = tpu.memref_squeeze %dma_wait3A_367 : memref<1x128xi32, #tpu.memory_space<vmem>> -> memref<128xi32, #tpu.memory_space<vmem>>
        %dma_wait3A_369 = arith.constant 0 : i32
        %dma_wait3A_370 = arith.constant 0 : i32
        %dma_wait3A_371 = tpu.memref_slice %arg16[%dma_wait3A_369, %dma_wait3A_370] : memref<10240x128xf32, #tpu.memory_space<vmem_shared>> -> memref<10240x128xf32, #tpu.memory_space<vmem_shared>>
        tpu.wait_indirect_dma semaphore(%run_scoped3A : memref<!tpu.dma_semaphore, #tpu.memory_space<semaphore_mem>>) src(%arg12 : memref<128x128xf32, #tpu.memory_space<vmem>>) dst(%dma_wait3A_371 : memref<10240x128xf32, #tpu.memory_space<vmem_shared>>)
        tpu.yield
      }) : () -> ()
      %dma_start3A_254 = arith.constant 4 : i32
      %dma_start3A_255 = arith.constant 0 : i32
      %dma_start3A_256 = tpu.memref_slice %arg8[%dma_start3A_254, %dma_start3A_255] : memref<8x128xi32, #tpu.memory_space<vmem>> -> memref<1x128xi32, #tpu.memory_space<vmem>>
      %dma_start3A_257 = tpu.memref_squeeze %dma_start3A_256 : memref<1x128xi32, #tpu.memory_space<vmem>> -> memref<128xi32, #tpu.memory_space<vmem>>
      %dma_start3A_258 = arith.constant 0 : i32
      %dma_start3A_259 = arith.constant 0 : i32
      %dma_start3A_260 = tpu.memref_slice %arg2[%dma_start3A_258, %dma_start3A_259] : memref<10000x128xf32, #tpu.memory_space<hbm>> -> memref<10000x128xf32, #tpu.memory_space<hbm>>
      tpu.enqueue_indirect_dma source(%dma_start3A_260 : memref<10000x128xf32, #tpu.memory_space<hbm>>) target(%arg12 : memref<128x128xf32, #tpu.memory_space<vmem>>) offsets(%dma_start3A_257 : memref<128xi32, #tpu.memory_space<vmem>>) semaphore(%arg14 : memref<!tpu.dma_semaphore, #tpu.memory_space<semaphore_mem>>)
      %mul3A_261 = arith.constant 16 : i32
      %mul3A_262 = arith.muli %mul3A_261, %scan3A_47 : i32
      %add3A_263 = arith.constant 11 : i32
      %add3A_264 = arith.addi %mul3A_262, %add3A_263 : i32
      %dma_wait3A_265 = arith.constant 3 : i32
      %dma_wait3A_266 = arith.constant 0 : i32
      %dma_wait3A_267 = tpu.memref_slice %arg8[%dma_wait3A_265, %dma_wait3A_266] : memref<8x128xi32, #tpu.memory_space<vmem>> -> memref<1x128xi32, #tpu.memory_space<vmem>>
      %dma_wait3A_268 = tpu.memref_squeeze %dma_wait3A_267 : memref<1x128xi32, #tpu.memory_space<vmem>> -> memref<128xi32, #tpu.memory_space<vmem>>
      %dma_wait3A_269 = arith.constant 0 : i32
      %dma_wait3A_270 = arith.constant 0 : i32
      %dma_wait3A_271 = tpu.memref_slice %arg2[%dma_wait3A_269, %dma_wait3A_270] : memref<10000x128xf32, #tpu.memory_space<hbm>> -> memref<10000x128xf32, #tpu.memory_space<hbm>>
      tpu.wait_indirect_dma semaphore(%arg15 : memref<!tpu.dma_semaphore, #tpu.memory_space<semaphore_mem>>) src(%dma_wait3A_271 : memref<10000x128xf32, #tpu.memory_space<hbm>>) dst(%arg13 : memref<128x128xf32, #tpu.memory_space<vmem>>)
      "tpu.region"() ({
        %run_scoped3A = tpu.sem_alloc : memref<!tpu.dma_semaphore, #tpu.memory_space<semaphore_mem>>
        %dma_start3A_360 = arith.constant 0 : i32
        %dma_start3A_361 = tpu.memref_slice %arg11[%add3A_264, %dma_start3A_360] : memref<80x128xi32, #tpu.memory_space<vmem>> -> memref<1x128xi32, #tpu.memory_space<vmem>>
        %dma_start3A_362 = tpu.memref_squeeze %dma_start3A_361 : memref<1x128xi32, #tpu.memory_space<vmem>> -> memref<128xi32, #tpu.memory_space<vmem>>
        %dma_start3A_363 = arith.constant 0 : i32
        %dma_start3A_364 = arith.constant 0 : i32
        %dma_start3A_365 = tpu.memref_slice %arg16[%dma_start3A_363, %dma_start3A_364] : memref<10240x128xf32, #tpu.memory_space<vmem_shared>> -> memref<10240x128xf32, #tpu.memory_space<vmem_shared>>
        tpu.enqueue_indirect_dma source(%arg13 : memref<128x128xf32, #tpu.memory_space<vmem>>) target(%dma_start3A_365 : memref<10240x128xf32, #tpu.memory_space<vmem_shared>>) offsets(%dma_start3A_362 : memref<128xi32, #tpu.memory_space<vmem>>) semaphore(%run_scoped3A : memref<!tpu.dma_semaphore, #tpu.memory_space<semaphore_mem>>) {add = true}
        %dma_wait3A_366 = arith.constant 0 : i32
        %dma_wait3A_367 = tpu.memref_slice %arg11[%add3A_264, %dma_wait3A_366] : memref<80x128xi32, #tpu.memory_space<vmem>> -> memref<1x128xi32, #tpu.memory_space<vmem>>
        %dma_wait3A_368 = tpu.memref_squeeze %dma_wait3A_367 : memref<1x128xi32, #tpu.memory_space<vmem>> -> memref<128xi32, #tpu.memory_space<vmem>>
        %dma_wait3A_369 = arith.constant 0 : i32
        %dma_wait3A_370 = arith.constant 0 : i32
        %dma_wait3A_371 = tpu.memref_slice %arg16[%dma_wait3A_369, %dma_wait3A_370] : memref<10240x128xf32, #tpu.memory_space<vmem_shared>> -> memref<10240x128xf32, #tpu.memory_space<vmem_shared>>
        tpu.wait_indirect_dma semaphore(%run_scoped3A : memref<!tpu.dma_semaphore, #tpu.memory_space<semaphore_mem>>) src(%arg13 : memref<128x128xf32, #tpu.memory_space<vmem>>) dst(%dma_wait3A_371 : memref<10240x128xf32, #tpu.memory_space<vmem_shared>>)
        tpu.yield
      }) : () -> ()
      %dma_start3A_272 = arith.constant 5 : i32
      %dma_start3A_273 = arith.constant 0 : i32
      %dma_start3A_274 = tpu.memref_slice %arg8[%dma_start3A_272, %dma_start3A_273] : memref<8x128xi32, #tpu.memory_space<vmem>> -> memref<1x128xi32, #tpu.memory_space<vmem>>
      %dma_start3A_275 = tpu.memref_squeeze %dma_start3A_274 : memref<1x128xi32, #tpu.memory_space<vmem>> -> memref<128xi32, #tpu.memory_space<vmem>>
      %dma_start3A_276 = arith.constant 0 : i32
      %dma_start3A_277 = arith.constant 0 : i32
      %dma_start3A_278 = tpu.memref_slice %arg2[%dma_start3A_276, %dma_start3A_277] : memref<10000x128xf32, #tpu.memory_space<hbm>> -> memref<10000x128xf32, #tpu.memory_space<hbm>>
      tpu.enqueue_indirect_dma source(%dma_start3A_278 : memref<10000x128xf32, #tpu.memory_space<hbm>>) target(%arg13 : memref<128x128xf32, #tpu.memory_space<vmem>>) offsets(%dma_start3A_275 : memref<128xi32, #tpu.memory_space<vmem>>) semaphore(%arg15 : memref<!tpu.dma_semaphore, #tpu.memory_space<semaphore_mem>>)
      %mul3A_279 = arith.constant 16 : i32
      %mul3A_280 = arith.muli %mul3A_279, %scan3A_47 : i32
      %add3A_281 = arith.constant 12 : i32
      %add3A_282 = arith.addi %mul3A_280, %add3A_281 : i32
      %dma_wait3A_283 = arith.constant 4 : i32
      %dma_wait3A_284 = arith.constant 0 : i32
      %dma_wait3A_285 = tpu.memref_slice %arg8[%dma_wait3A_283, %dma_wait3A_284] : memref<8x128xi32, #tpu.memory_space<vmem>> -> memref<1x128xi32, #tpu.memory_space<vmem>>
      %dma_wait3A_286 = tpu.memref_squeeze %dma_wait3A_285 : memref<1x128xi32, #tpu.memory_space<vmem>> -> memref<128xi32, #tpu.memory_space<vmem>>
      %dma_wait3A_287 = arith.constant 0 : i32
      %dma_wait3A_288 = arith.constant 0 : i32
      %dma_wait3A_289 = tpu.memref_slice %arg2[%dma_wait3A_287, %dma_wait3A_288] : memref<10000x128xf32, #tpu.memory_space<hbm>> -> memref<10000x128xf32, #tpu.memory_space<hbm>>
      tpu.wait_indirect_dma semaphore(%arg14 : memref<!tpu.dma_semaphore, #tpu.memory_space<semaphore_mem>>) src(%dma_wait3A_289 : memref<10000x128xf32, #tpu.memory_space<hbm>>) dst(%arg12 : memref<128x128xf32, #tpu.memory_space<vmem>>)
      "tpu.region"() ({
        %run_scoped3A = tpu.sem_alloc : memref<!tpu.dma_semaphore, #tpu.memory_space<semaphore_mem>>
        %dma_start3A_360 = arith.constant 0 : i32
        %dma_start3A_361 = tpu.memref_slice %arg11[%add3A_282, %dma_start3A_360] : memref<80x128xi32, #tpu.memory_space<vmem>> -> memref<1x128xi32, #tpu.memory_space<vmem>>
        %dma_start3A_362 = tpu.memref_squeeze %dma_start3A_361 : memref<1x128xi32, #tpu.memory_space<vmem>> -> memref<128xi32, #tpu.memory_space<vmem>>
        %dma_start3A_363 = arith.constant 0 : i32
        %dma_start3A_364 = arith.constant 0 : i32
        %dma_start3A_365 = tpu.memref_slice %arg16[%dma_start3A_363, %dma_start3A_364] : memref<10240x128xf32, #tpu.memory_space<vmem_shared>> -> memref<10240x128xf32, #tpu.memory_space<vmem_shared>>
        tpu.enqueue_indirect_dma source(%arg12 : memref<128x128xf32, #tpu.memory_space<vmem>>) target(%dma_start3A_365 : memref<10240x128xf32, #tpu.memory_space<vmem_shared>>) offsets(%dma_start3A_362 : memref<128xi32, #tpu.memory_space<vmem>>) semaphore(%run_scoped3A : memref<!tpu.dma_semaphore, #tpu.memory_space<semaphore_mem>>) {add = true}
        %dma_wait3A_366 = arith.constant 0 : i32
        %dma_wait3A_367 = tpu.memref_slice %arg11[%add3A_282, %dma_wait3A_366] : memref<80x128xi32, #tpu.memory_space<vmem>> -> memref<1x128xi32, #tpu.memory_space<vmem>>
        %dma_wait3A_368 = tpu.memref_squeeze %dma_wait3A_367 : memref<1x128xi32, #tpu.memory_space<vmem>> -> memref<128xi32, #tpu.memory_space<vmem>>
        %dma_wait3A_369 = arith.constant 0 : i32
        %dma_wait3A_370 = arith.constant 0 : i32
        %dma_wait3A_371 = tpu.memref_slice %arg16[%dma_wait3A_369, %dma_wait3A_370] : memref<10240x128xf32, #tpu.memory_space<vmem_shared>> -> memref<10240x128xf32, #tpu.memory_space<vmem_shared>>
        tpu.wait_indirect_dma semaphore(%run_scoped3A : memref<!tpu.dma_semaphore, #tpu.memory_space<semaphore_mem>>) src(%arg12 : memref<128x128xf32, #tpu.memory_space<vmem>>) dst(%dma_wait3A_371 : memref<10240x128xf32, #tpu.memory_space<vmem_shared>>)
        tpu.yield
      }) : () -> ()
      %dma_start3A_290 = arith.constant 6 : i32
      %dma_start3A_291 = arith.constant 0 : i32
      %dma_start3A_292 = tpu.memref_slice %arg8[%dma_start3A_290, %dma_start3A_291] : memref<8x128xi32, #tpu.memory_space<vmem>> -> memref<1x128xi32, #tpu.memory_space<vmem>>
      %dma_start3A_293 = tpu.memref_squeeze %dma_start3A_292 : memref<1x128xi32, #tpu.memory_space<vmem>> -> memref<128xi32, #tpu.memory_space<vmem>>
      %dma_start3A_294 = arith.constant 0 : i32
      %dma_start3A_295 = arith.constant 0 : i32
      %dma_start3A_296 = tpu.memref_slice %arg2[%dma_start3A_294, %dma_start3A_295] : memref<10000x128xf32, #tpu.memory_space<hbm>> -> memref<10000x128xf32, #tpu.memory_space<hbm>>
      tpu.enqueue_indirect_dma source(%dma_start3A_296 : memref<10000x128xf32, #tpu.memory_space<hbm>>) target(%arg12 : memref<128x128xf32, #tpu.memory_space<vmem>>) offsets(%dma_start3A_293 : memref<128xi32, #tpu.memory_space<vmem>>) semaphore(%arg14 : memref<!tpu.dma_semaphore, #tpu.memory_space<semaphore_mem>>)
      %mul3A_297 = arith.constant 16 : i32
      %mul3A_298 = arith.muli %mul3A_297, %scan3A_47 : i32
      %add3A_299 = arith.constant 13 : i32
      %add3A_300 = arith.addi %mul3A_298, %add3A_299 : i32
      %dma_wait3A_301 = arith.constant 5 : i32
      %dma_wait3A_302 = arith.constant 0 : i32
      %dma_wait3A_303 = tpu.memref_slice %arg8[%dma_wait3A_301, %dma_wait3A_302] : memref<8x128xi32, #tpu.memory_space<vmem>> -> memref<1x128xi32, #tpu.memory_space<vmem>>
      %dma_wait3A_304 = tpu.memref_squeeze %dma_wait3A_303 : memref<1x128xi32, #tpu.memory_space<vmem>> -> memref<128xi32, #tpu.memory_space<vmem>>
      %dma_wait3A_305 = arith.constant 0 : i32
      %dma_wait3A_306 = arith.constant 0 : i32
      %dma_wait3A_307 = tpu.memref_slice %arg2[%dma_wait3A_305, %dma_wait3A_306] : memref<10000x128xf32, #tpu.memory_space<hbm>> -> memref<10000x128xf32, #tpu.memory_space<hbm>>
      tpu.wait_indirect_dma semaphore(%arg15 : memref<!tpu.dma_semaphore, #tpu.memory_space<semaphore_mem>>) src(%dma_wait3A_307 : memref<10000x128xf32, #tpu.memory_space<hbm>>) dst(%arg13 : memref<128x128xf32, #tpu.memory_space<vmem>>)
      "tpu.region"() ({
        %run_scoped3A = tpu.sem_alloc : memref<!tpu.dma_semaphore, #tpu.memory_space<semaphore_mem>>
        %dma_start3A_360 = arith.constant 0 : i32
        %dma_start3A_361 = tpu.memref_slice %arg11[%add3A_300, %dma_start3A_360] : memref<80x128xi32, #tpu.memory_space<vmem>> -> memref<1x128xi32, #tpu.memory_space<vmem>>
        %dma_start3A_362 = tpu.memref_squeeze %dma_start3A_361 : memref<1x128xi32, #tpu.memory_space<vmem>> -> memref<128xi32, #tpu.memory_space<vmem>>
        %dma_start3A_363 = arith.constant 0 : i32
        %dma_start3A_364 = arith.constant 0 : i32
        %dma_start3A_365 = tpu.memref_slice %arg16[%dma_start3A_363, %dma_start3A_364] : memref<10240x128xf32, #tpu.memory_space<vmem_shared>> -> memref<10240x128xf32, #tpu.memory_space<vmem_shared>>
        tpu.enqueue_indirect_dma source(%arg13 : memref<128x128xf32, #tpu.memory_space<vmem>>) target(%dma_start3A_365 : memref<10240x128xf32, #tpu.memory_space<vmem_shared>>) offsets(%dma_start3A_362 : memref<128xi32, #tpu.memory_space<vmem>>) semaphore(%run_scoped3A : memref<!tpu.dma_semaphore, #tpu.memory_space<semaphore_mem>>) {add = true}
        %dma_wait3A_366 = arith.constant 0 : i32
        %dma_wait3A_367 = tpu.memref_slice %arg11[%add3A_300, %dma_wait3A_366] : memref<80x128xi32, #tpu.memory_space<vmem>> -> memref<1x128xi32, #tpu.memory_space<vmem>>
        %dma_wait3A_368 = tpu.memref_squeeze %dma_wait3A_367 : memref<1x128xi32, #tpu.memory_space<vmem>> -> memref<128xi32, #tpu.memory_space<vmem>>
        %dma_wait3A_369 = arith.constant 0 : i32
        %dma_wait3A_370 = arith.constant 0 : i32
        %dma_wait3A_371 = tpu.memref_slice %arg16[%dma_wait3A_369, %dma_wait3A_370] : memref<10240x128xf32, #tpu.memory_space<vmem_shared>> -> memref<10240x128xf32, #tpu.memory_space<vmem_shared>>
        tpu.wait_indirect_dma semaphore(%run_scoped3A : memref<!tpu.dma_semaphore, #tpu.memory_space<semaphore_mem>>) src(%arg13 : memref<128x128xf32, #tpu.memory_space<vmem>>) dst(%dma_wait3A_371 : memref<10240x128xf32, #tpu.memory_space<vmem_shared>>)
        tpu.yield
      }) : () -> ()
      %dma_start3A_308 = arith.constant 7 : i32
      %dma_start3A_309 = arith.constant 0 : i32
      %dma_start3A_310 = tpu.memref_slice %arg8[%dma_start3A_308, %dma_start3A_309] : memref<8x128xi32, #tpu.memory_space<vmem>> -> memref<1x128xi32, #tpu.memory_space<vmem>>
      %dma_start3A_311 = tpu.memref_squeeze %dma_start3A_310 : memref<1x128xi32, #tpu.memory_space<vmem>> -> memref<128xi32, #tpu.memory_space<vmem>>
      %dma_start3A_312 = arith.constant 0 : i32
      %dma_start3A_313 = arith.constant 0 : i32
      %dma_start3A_314 = tpu.memref_slice %arg2[%dma_start3A_312, %dma_start3A_313] : memref<10000x128xf32, #tpu.memory_space<hbm>> -> memref<10000x128xf32, #tpu.memory_space<hbm>>
      tpu.enqueue_indirect_dma source(%dma_start3A_314 : memref<10000x128xf32, #tpu.memory_space<hbm>>) target(%arg13 : memref<128x128xf32, #tpu.memory_space<vmem>>) offsets(%dma_start3A_311 : memref<128xi32, #tpu.memory_space<vmem>>) semaphore(%arg15 : memref<!tpu.dma_semaphore, #tpu.memory_space<semaphore_mem>>)
      %mul3A_315 = arith.constant 16 : i32
      %mul3A_316 = arith.muli %mul3A_315, %scan3A_47 : i32
      %add3A_317 = arith.constant 14 : i32
      %add3A_318 = arith.addi %mul3A_316, %add3A_317 : i32
      %dma_wait3A_319 = arith.constant 6 : i32
      %dma_wait3A_320 = arith.constant 0 : i32
      %dma_wait3A_321 = tpu.memref_slice %arg8[%dma_wait3A_319, %dma_wait3A_320] : memref<8x128xi32, #tpu.memory_space<vmem>> -> memref<1x128xi32, #tpu.memory_space<vmem>>
      %dma_wait3A_322 = tpu.memref_squeeze %dma_wait3A_321 : memref<1x128xi32, #tpu.memory_space<vmem>> -> memref<128xi32, #tpu.memory_space<vmem>>
      %dma_wait3A_323 = arith.constant 0 : i32
      %dma_wait3A_324 = arith.constant 0 : i32
      %dma_wait3A_325 = tpu.memref_slice %arg2[%dma_wait3A_323, %dma_wait3A_324] : memref<10000x128xf32, #tpu.memory_space<hbm>> -> memref<10000x128xf32, #tpu.memory_space<hbm>>
      tpu.wait_indirect_dma semaphore(%arg14 : memref<!tpu.dma_semaphore, #tpu.memory_space<semaphore_mem>>) src(%dma_wait3A_325 : memref<10000x128xf32, #tpu.memory_space<hbm>>) dst(%arg12 : memref<128x128xf32, #tpu.memory_space<vmem>>)
      "tpu.region"() ({
        %run_scoped3A = tpu.sem_alloc : memref<!tpu.dma_semaphore, #tpu.memory_space<semaphore_mem>>
        %dma_start3A_360 = arith.constant 0 : i32
        %dma_start3A_361 = tpu.memref_slice %arg11[%add3A_318, %dma_start3A_360] : memref<80x128xi32, #tpu.memory_space<vmem>> -> memref<1x128xi32, #tpu.memory_space<vmem>>
        %dma_start3A_362 = tpu.memref_squeeze %dma_start3A_361 : memref<1x128xi32, #tpu.memory_space<vmem>> -> memref<128xi32, #tpu.memory_space<vmem>>
        %dma_start3A_363 = arith.constant 0 : i32
        %dma_start3A_364 = arith.constant 0 : i32
        %dma_start3A_365 = tpu.memref_slice %arg16[%dma_start3A_363, %dma_start3A_364] : memref<10240x128xf32, #tpu.memory_space<vmem_shared>> -> memref<10240x128xf32, #tpu.memory_space<vmem_shared>>
        tpu.enqueue_indirect_dma source(%arg12 : memref<128x128xf32, #tpu.memory_space<vmem>>) target(%dma_start3A_365 : memref<10240x128xf32, #tpu.memory_space<vmem_shared>>) offsets(%dma_start3A_362 : memref<128xi32, #tpu.memory_space<vmem>>) semaphore(%run_scoped3A : memref<!tpu.dma_semaphore, #tpu.memory_space<semaphore_mem>>) {add = true}
        %dma_wait3A_366 = arith.constant 0 : i32
        %dma_wait3A_367 = tpu.memref_slice %arg11[%add3A_318, %dma_wait3A_366] : memref<80x128xi32, #tpu.memory_space<vmem>> -> memref<1x128xi32, #tpu.memory_space<vmem>>
        %dma_wait3A_368 = tpu.memref_squeeze %dma_wait3A_367 : memref<1x128xi32, #tpu.memory_space<vmem>> -> memref<128xi32, #tpu.memory_space<vmem>>
        %dma_wait3A_369 = arith.constant 0 : i32
        %dma_wait3A_370 = arith.constant 0 : i32
        %dma_wait3A_371 = tpu.memref_slice %arg16[%dma_wait3A_369, %dma_wait3A_370] : memref<10240x128xf32, #tpu.memory_space<vmem_shared>> -> memref<10240x128xf32, #tpu.memory_space<vmem_shared>>
        tpu.wait_indirect_dma semaphore(%run_scoped3A : memref<!tpu.dma_semaphore, #tpu.memory_space<semaphore_mem>>) src(%arg12 : memref<128x128xf32, #tpu.memory_space<vmem>>) dst(%dma_wait3A_371 : memref<10240x128xf32, #tpu.memory_space<vmem_shared>>)
        tpu.yield
      }) : () -> ()
      %add3A_326 = arith.constant 2 : i32
      %add3A_327 = arith.addi %add3A_318, %add3A_326 : i32
      %lt3A_328 = arith.constant 80 : i32
      %lt3A_329 = arith.cmpi slt, %add3A_327, %lt3A_328 : i32
      %convert_element_type3A_330 = arith.extui %lt3A_329 : i1 to i32
      %cond3A_331 = arith.constant 0 : i32
      %cond3A_332 = arith.cmpi ne, %convert_element_type3A_330, %cond3A_331 : i32
      scf.if %cond3A_332 {
        %mul3A_360 = arith.constant 2 : i32
        %mul3A_361 = arith.muli %mul3A_360, %scan3A_47 : i32
        %add3A_362 = arith.constant 2 : i32
        %add3A_363 = arith.addi %mul3A_361, %add3A_362 : i32
        %lt3A_364 = arith.constant 10 : i32
        %lt3A_365 = arith.cmpi slt, %add3A_363, %lt3A_364 : i32
        %convert_element_type3A_366 = arith.extui %lt3A_365 : i1 to i32
        %cond3A_367 = arith.constant 0 : i32
        %cond3A_368 = arith.cmpi ne, %convert_element_type3A_366, %cond3A_367 : i32
        scf.if %cond3A_368 {
          %mul3A_376 = arith.constant 2 : i32
          %mul3A_377 = arith.muli %mul3A_376, %scan3A_47 : i32
          %add3A_378 = arith.constant 2 : i32
          %add3A_379 = arith.addi %mul3A_377, %add3A_378 : i32
          %mul3A_380 = arith.constant 8 : i32
          %mul3A_381 = arith.muli %add3A_379, %mul3A_380 : i32
          %add3A_382 = arith.addi %mul3A_6, %mul3A_381 : i32
          %dma_wait3A_383 = arith.constant 0 : i32
          %dma_wait3A_384 = tpu.memref_slice %arg3[%add3A_382, %dma_wait3A_383] : memref<2560x128xi32, #tpu.memory_space<hbm>> -> memref<8x128xi32, #tpu.memory_space<hbm>>
          %dma_wait3A_385 = arith.constant 0 : i32
          %dma_wait3A_386 = tpu.memref_slice %arg3[%add3A_382, %dma_wait3A_385] : memref<2560x128xi32, #tpu.memory_space<hbm>> -> memref<8x128xi32, #tpu.memory_space<hbm>>
          tpu.wait_dma2 semaphore(%arg9 : memref<!tpu.dma_semaphore, #tpu.memory_space<semaphore_mem>>) src(%dma_wait3A_386 : memref<8x128xi32, #tpu.memory_space<hbm>>) dst(%arg7 : memref<8x128xi32, #tpu.memory_space<vmem>>)
        } else {
        }
        %dma_start3A_369 = arith.constant 0 : i32
        %dma_start3A_370 = arith.constant 0 : i32
        %dma_start3A_371 = tpu.memref_slice %arg7[%dma_start3A_369, %dma_start3A_370] : memref<8x128xi32, #tpu.memory_space<vmem>> -> memref<1x128xi32, #tpu.memory_space<vmem>>
        %dma_start3A_372 = tpu.memref_squeeze %dma_start3A_371 : memref<1x128xi32, #tpu.memory_space<vmem>> -> memref<128xi32, #tpu.memory_space<vmem>>
        %dma_start3A_373 = arith.constant 0 : i32
        %dma_start3A_374 = arith.constant 0 : i32
        %dma_start3A_375 = tpu.memref_slice %arg2[%dma_start3A_373, %dma_start3A_374] : memref<10000x128xf32, #tpu.memory_space<hbm>> -> memref<10000x128xf32, #tpu.memory_space<hbm>>
        tpu.enqueue_indirect_dma source(%dma_start3A_375 : memref<10000x128xf32, #tpu.memory_space<hbm>>) target(%arg12 : memref<128x128xf32, #tpu.memory_space<vmem>>) offsets(%dma_start3A_372 : memref<128xi32, #tpu.memory_space<vmem>>) semaphore(%arg14 : memref<!tpu.dma_semaphore, #tpu.memory_space<semaphore_mem>>)
      } else {
      }
      %mul3A_333 = arith.constant 16 : i32
      %mul3A_334 = arith.muli %mul3A_333, %scan3A_47 : i32
      %add3A_335 = arith.constant 15 : i32
      %add3A_336 = arith.addi %mul3A_334, %add3A_335 : i32
      %dma_wait3A_337 = arith.constant 7 : i32
      %dma_wait3A_338 = arith.constant 0 : i32
      %dma_wait3A_339 = tpu.memref_slice %arg8[%dma_wait3A_337, %dma_wait3A_338] : memref<8x128xi32, #tpu.memory_space<vmem>> -> memref<1x128xi32, #tpu.memory_space<vmem>>
      %dma_wait3A_340 = tpu.memref_squeeze %dma_wait3A_339 : memref<1x128xi32, #tpu.memory_space<vmem>> -> memref<128xi32, #tpu.memory_space<vmem>>
      %dma_wait3A_341 = arith.constant 0 : i32
      %dma_wait3A_342 = arith.constant 0 : i32
      %dma_wait3A_343 = tpu.memref_slice %arg2[%dma_wait3A_341, %dma_wait3A_342] : memref<10000x128xf32, #tpu.memory_space<hbm>> -> memref<10000x128xf32, #tpu.memory_space<hbm>>
      tpu.wait_indirect_dma semaphore(%arg15 : memref<!tpu.dma_semaphore, #tpu.memory_space<semaphore_mem>>) src(%dma_wait3A_343 : memref<10000x128xf32, #tpu.memory_space<hbm>>) dst(%arg13 : memref<128x128xf32, #tpu.memory_space<vmem>>)
      "tpu.region"() ({
        %run_scoped3A = tpu.sem_alloc : memref<!tpu.dma_semaphore, #tpu.memory_space<semaphore_mem>>
        %dma_start3A_360 = arith.constant 0 : i32
        %dma_start3A_361 = tpu.memref_slice %arg11[%add3A_336, %dma_start3A_360] : memref<80x128xi32, #tpu.memory_space<vmem>> -> memref<1x128xi32, #tpu.memory_space<vmem>>
        %dma_start3A_362 = tpu.memref_squeeze %dma_start3A_361 : memref<1x128xi32, #tpu.memory_space<vmem>> -> memref<128xi32, #tpu.memory_space<vmem>>
        %dma_start3A_363 = arith.constant 0 : i32
        %dma_start3A_364 = arith.constant 0 : i32
        %dma_start3A_365 = tpu.memref_slice %arg16[%dma_start3A_363, %dma_start3A_364] : memref<10240x128xf32, #tpu.memory_space<vmem_shared>> -> memref<10240x128xf32, #tpu.memory_space<vmem_shared>>
        tpu.enqueue_indirect_dma source(%arg13 : memref<128x128xf32, #tpu.memory_space<vmem>>) target(%dma_start3A_365 : memref<10240x128xf32, #tpu.memory_space<vmem_shared>>) offsets(%dma_start3A_362 : memref<128xi32, #tpu.memory_space<vmem>>) semaphore(%run_scoped3A : memref<!tpu.dma_semaphore, #tpu.memory_space<semaphore_mem>>) {add = true}
        %dma_wait3A_366 = arith.constant 0 : i32
        %dma_wait3A_367 = tpu.memref_slice %arg11[%add3A_336, %dma_wait3A_366] : memref<80x128xi32, #tpu.memory_space<vmem>> -> memref<1x128xi32, #tpu.memory_space<vmem>>
        %dma_wait3A_368 = tpu.memref_squeeze %dma_wait3A_367 : memref<1x128xi32, #tpu.memory_space<vmem>> -> memref<128xi32, #tpu.memory_space<vmem>>
        %dma_wait3A_369 = arith.constant 0 : i32
        %dma_wait3A_370 = arith.constant 0 : i32
        %dma_wait3A_371 = tpu.memref_slice %arg16[%dma_wait3A_369, %dma_wait3A_370] : memref<10240x128xf32, #tpu.memory_space<vmem_shared>> -> memref<10240x128xf32, #tpu.memory_space<vmem_shared>>
        tpu.wait_indirect_dma semaphore(%run_scoped3A : memref<!tpu.dma_semaphore, #tpu.memory_space<semaphore_mem>>) src(%arg13 : memref<128x128xf32, #tpu.memory_space<vmem>>) dst(%dma_wait3A_371 : memref<10240x128xf32, #tpu.memory_space<vmem_shared>>)
        tpu.yield
      }) : () -> ()
      %add3A_344 = arith.constant 2 : i32
      %add3A_345 = arith.addi %add3A_336, %add3A_344 : i32
      %lt3A_346 = arith.constant 80 : i32
      %lt3A_347 = arith.cmpi slt, %add3A_345, %lt3A_346 : i32
      %convert_element_type3A_348 = arith.extui %lt3A_347 : i1 to i32
      %cond3A_349 = arith.constant 0 : i32
      %cond3A_350 = arith.cmpi ne, %convert_element_type3A_348, %cond3A_349 : i32
      scf.if %cond3A_350 {
        %dma_start3A_360 = arith.constant 1 : i32
        %dma_start3A_361 = arith.constant 0 : i32
        %dma_start3A_362 = tpu.memref_slice %arg7[%dma_start3A_360, %dma_start3A_361] : memref<8x128xi32, #tpu.memory_space<vmem>> -> memref<1x128xi32, #tpu.memory_space<vmem>>
        %dma_start3A_363 = tpu.memref_squeeze %dma_start3A_362 : memref<1x128xi32, #tpu.memory_space<vmem>> -> memref<128xi32, #tpu.memory_space<vmem>>
        %dma_start3A_364 = arith.constant 0 : i32
        %dma_start3A_365 = arith.constant 0 : i32
        %dma_start3A_366 = tpu.memref_slice %arg2[%dma_start3A_364, %dma_start3A_365] : memref<10000x128xf32, #tpu.memory_space<hbm>> -> memref<10000x128xf32, #tpu.memory_space<hbm>>
        tpu.enqueue_indirect_dma source(%dma_start3A_366 : memref<10000x128xf32, #tpu.memory_space<hbm>>) target(%arg13 : memref<128x128xf32, #tpu.memory_space<vmem>>) offsets(%dma_start3A_363 : memref<128xi32, #tpu.memory_space<vmem>>) semaphore(%arg15 : memref<!tpu.dma_semaphore, #tpu.memory_space<semaphore_mem>>)
      } else {
      }
      %mul3A_351 = arith.constant 2 : i32
      %mul3A_352 = arith.muli %mul3A_351, %scan3A_47 : i32
      %add3A_353 = arith.constant 3 : i32
      %add3A_354 = arith.addi %mul3A_352, %add3A_353 : i32
      %lt3A_355 = arith.constant 10 : i32
      %lt3A_356 = arith.cmpi slt, %add3A_354, %lt3A_355 : i32
      %convert_element_type3A_357 = arith.extui %lt3A_356 : i1 to i32
      %cond3A_358 = arith.constant 0 : i32
      %cond3A_359 = arith.cmpi ne, %convert_element_type3A_357, %cond3A_358 : i32
      scf.if %cond3A_359 {
        %mul3A_360 = arith.constant 2 : i32
        %mul3A_361 = arith.muli %mul3A_360, %scan3A_47 : i32
        %add3A_362 = arith.constant 3 : i32
        %add3A_363 = arith.addi %mul3A_361, %add3A_362 : i32
        %mul3A_364 = arith.constant 8 : i32
        %mul3A_365 = arith.muli %add3A_363, %mul3A_364 : i32
        %add3A_366 = arith.addi %mul3A_6, %mul3A_365 : i32
        %dma_start3A_367 = arith.constant 0 : i32
        %dma_start3A_368 = tpu.memref_slice %arg3[%add3A_366, %dma_start3A_367] : memref<2560x128xi32, #tpu.memory_space<hbm>> -> memref<8x128xi32, #tpu.memory_space<hbm>>
        %dma_start3A_369 = arith.constant 0 : i32
        %dma_start3A_370 = tpu.memref_slice %arg3[%add3A_366, %dma_start3A_369] : memref<2560x128xi32, #tpu.memory_space<hbm>> -> memref<8x128xi32, #tpu.memory_space<hbm>>
        tpu.enqueue_dma source(%dma_start3A_370 : memref<8x128xi32, #tpu.memory_space<hbm>>) target(%arg8 : memref<8x128xi32, #tpu.memory_space<vmem>>) target_semaphore(%arg10 : memref<!tpu.dma_semaphore, #tpu.memory_space<semaphore_mem>>)
      } else {
      }
    }
    %scan3A_41 = arith.constant 5 : i32
    %barrier3A_42 = arith.constant 0 : index
    tpu.barrier barrier_id(%barrier3A_42)
    %mul3A_43 = arith.constant 640 : i32
    %mul3A_44 = arith.muli %arg1, %mul3A_43 : i32
    %mul3A_45 = arith.constant 640 : i32
    %mul3A_46 = arith.muli %arg1, %mul3A_45 : i32
    "tpu.region"() ({
      %run_scoped3A = tpu.sem_alloc : memref<!tpu.dma_semaphore, #tpu.memory_space<semaphore_mem>>
      %dma_start3A_47 = arith.constant 0 : i32
      %dma_start3A_48 = tpu.memref_slice %arg6[%arg0, %mul3A_46, %dma_start3A_47] : memref<2x10240x128xf32, #tpu.memory_space<hbm>> -> memref<1x640x128xf32, #tpu.memory_space<hbm>>
      %dma_start3A_49 = tpu.memref_squeeze %dma_start3A_48 : memref<1x640x128xf32, #tpu.memory_space<hbm>> -> memref<640x128xf32, #tpu.memory_space<hbm>>
      %dma_start3A_50 = arith.constant 0 : i32
      %dma_start3A_51 = tpu.memref_slice %arg16[%mul3A_44, %dma_start3A_50] : memref<10240x128xf32, #tpu.memory_space<vmem_shared>> -> memref<640x128xf32, #tpu.memory_space<vmem_shared>>
      tpu.enqueue_dma source(%dma_start3A_51 : memref<640x128xf32, #tpu.memory_space<vmem_shared>>) target(%dma_start3A_49 : memref<640x128xf32, #tpu.memory_space<hbm>>) target_semaphore(%run_scoped3A : memref<!tpu.dma_semaphore, #tpu.memory_space<semaphore_mem>>)
      %dma_wait3A_52 = arith.constant 0 : i32
      %dma_wait3A_53 = tpu.memref_slice %arg6[%arg0, %mul3A_46, %dma_wait3A_52] : memref<2x10240x128xf32, #tpu.memory_space<hbm>> -> memref<1x640x128xf32, #tpu.memory_space<hbm>>
      %dma_wait3A_54 = tpu.memref_squeeze %dma_wait3A_53 : memref<1x640x128xf32, #tpu.memory_space<hbm>> -> memref<640x128xf32, #tpu.memory_space<hbm>>
      %dma_wait3A_55 = arith.constant 0 : i32
      %dma_wait3A_56 = tpu.memref_slice %arg16[%mul3A_44, %dma_wait3A_55] : memref<10240x128xf32, #tpu.memory_space<vmem_shared>> -> memref<640x128xf32, #tpu.memory_space<vmem_shared>>
      tpu.wait_dma2 semaphore(%run_scoped3A : memref<!tpu.dma_semaphore, #tpu.memory_space<semaphore_mem>>) src(%dma_wait3A_56 : memref<640x128xf32, #tpu.memory_space<vmem_shared>>) dst(%dma_wait3A_54 : memref<640x128xf32, #tpu.memory_space<hbm>>)
      tpu.yield
    }) : () -> ()
    return
  }
}

#map = affine_map<(d0, d1) -> (0, 0)>
#map1 = affine_map<(d0, d1) -> (0, 0, 0)>
module attributes {stable_mosaic.version = 14 : i64} {
  func.func @_scatter_body(%arg0: i32, %arg1: i32, %arg2: memref<10000x128xf32, #tpu.memory_space<hbm>>, %arg3: memref<2560x128xi32, #tpu.memory_space<hbm>>, %arg4: memref<2560x128xi32, #tpu.memory_space<hbm>>, %arg5: memref<640x128xf32, #tpu.memory_space<hbm>>, %arg6: memref<2x10240x128xf32, #tpu.memory_space<hbm>>, %arg7: memref<8x128xi32, #tpu.memory_space<vmem>>, %arg8: memref<8x128xi32, #tpu.memory_space<vmem>>, %arg9: memref<!tpu.dma_semaphore, #tpu.memory_space<semaphore_mem>>, %arg10: memref<!tpu.dma_semaphore, #tpu.memory_space<semaphore_mem>>, %arg11: memref<80x128xi32, #tpu.memory_space<vmem>>, %arg12: memref<128x128xf32, #tpu.memory_space<vmem>>, %arg13: memref<128x128xf32, #tpu.memory_space<vmem>>, %arg14: memref<!tpu.dma_semaphore, #tpu.memory_space<semaphore_mem>>, %arg15: memref<!tpu.dma_semaphore, #tpu.memory_space<semaphore_mem>>, %arg16: memref<10240x128xf32, #tpu.memory_space<vmem_shared>>) attributes {dimension_semantics = [#tpu.dimension_semantics<core_parallel>, #tpu.dimension_semantics<subcore_parallel>], iteration_bounds = array<i64: 2, 16>, scalar_prefetch = 0 : i64, scratch_operands = 10 : i64, tpu.core_type = #tpu.core_type<sc_vector_subcore>, window_params = [{transform_indices = #map}, {transform_indices = #map}, {transform_indices = #map}, {transform_indices = #map}, {transform_indices = #map1}]} {
    %mul3A = arith.constant 2 : i32
    %mul3A_0 = arith.muli %arg1, %mul3A : i32
    %add3A = arith.addi %mul3A_0, %arg0 : i32
    %mul3A_1 = arith.constant 640 : i32
    %mul3A_2 = arith.muli %arg1, %mul3A_1 : i32
    "tpu.region"() ({
      %run_scoped3A = tpu.sem_alloc : memref<!tpu.dma_semaphore, #tpu.memory_space<semaphore_mem>>
      %dma_start3A_47 = arith.constant 0 : i32
      %dma_start3A_48 = tpu.memref_slice %arg16[%mul3A_2, %dma_start3A_47] : memref<10240x128xf32, #tpu.memory_space<vmem_shared>> -> memref<640x128xf32, #tpu.memory_space<vmem_shared>>
      tpu.enqueue_dma source(%arg5 : memref<640x128xf32, #tpu.memory_space<hbm>>) target(%dma_start3A_48 : memref<640x128xf32, #tpu.memory_space<vmem_shared>>) target_semaphore(%run_scoped3A : memref<!tpu.dma_semaphore, #tpu.memory_space<semaphore_mem>>)
      %dma_wait3A_49 = arith.constant 0 : i32
      %dma_wait3A_50 = tpu.memref_slice %arg16[%mul3A_2, %dma_wait3A_49] : memref<10240x128xf32, #tpu.memory_space<vmem_shared>> -> memref<640x128xf32, #tpu.memory_space<vmem_shared>>
      tpu.wait_dma2 semaphore(%run_scoped3A : memref<!tpu.dma_semaphore, #tpu.memory_space<semaphore_mem>>) src(%arg5 : memref<640x128xf32, #tpu.memory_space<hbm>>) dst(%dma_wait3A_50 : memref<640x128xf32, #tpu.memory_space<vmem_shared>>)
      tpu.yield
    }) : () -> ()
    %mul3A_3 = arith.constant 80 : i32
    %mul3A_4 = arith.muli %add3A, %mul3A_3 : i32
    "tpu.region"() ({
      %run_scoped3A = tpu.sem_alloc : memref<!tpu.dma_semaphore, #tpu.memory_space<semaphore_mem>>
      %dma_start3A_47 = arith.constant 0 : i32
      %dma_start3A_48 = tpu.memref_slice %arg4[%mul3A_4, %dma_start3A_47] : memref<2560x128xi32, #tpu.memory_space<hbm>> -> memref<80x128xi32, #tpu.memory_space<hbm>>
      %dma_start3A_49 = arith.constant 0 : i32
      %dma_start3A_50 = tpu.memref_slice %arg4[%mul3A_4, %dma_start3A_49] : memref<2560x128xi32, #tpu.memory_space<hbm>> -> memref<80x128xi32, #tpu.memory_space<hbm>>
      tpu.enqueue_dma source(%dma_start3A_50 : memref<80x128xi32, #tpu.memory_space<hbm>>) target(%arg11 : memref<80x128xi32, #tpu.memory_space<vmem>>) target_semaphore(%run_scoped3A : memref<!tpu.dma_semaphore, #tpu.memory_space<semaphore_mem>>)
      %dma_wait3A_51 = arith.constant 0 : i32
      %dma_wait3A_52 = tpu.memref_slice %arg4[%mul3A_4, %dma_wait3A_51] : memref<2560x128xi32, #tpu.memory_space<hbm>> -> memref<80x128xi32, #tpu.memory_space<hbm>>
      %dma_wait3A_53 = arith.constant 0 : i32
      %dma_wait3A_54 = tpu.memref_slice %arg4[%mul3A_4, %dma_wait3A_53] : memref<2560x128xi32, #tpu.memory_space<hbm>> -> memref<80x128xi32, #tpu.memory_space<hbm>>
      tpu.wait_dma2 semaphore(%run_scoped3A : memref<!tpu.dma_semaphore, #tpu.memory_space<semaphore_mem>>) src(%dma_wait3A_54 : memref<80x128xi32, #tpu.memory_space<hbm>>) dst(%arg11 : memref<80x128xi32, #tpu.memory_space<vmem>>)
      tpu.yield
    }) : () -> ()
    %barrier3A = arith.constant 0 : index
    tpu.barrier barrier_id(%barrier3A)
    %mul3A_5 = arith.constant 80 : i32
    %mul3A_6 = arith.muli %add3A, %mul3A_5 : i32
    %add3A_7 = arith.constant 0 : i32
    %add3A_8 = arith.addi %mul3A_6, %add3A_7 : i32
    %dma_start3A = arith.constant 0 : i32
    %dma_start3A_9 = tpu.memref_slice %arg3[%add3A_8, %dma_start3A] : memref<2560x128xi32, #tpu.memory_space<hbm>> -> memref<8x128xi32, #tpu.memory_space<hbm>>
    %dma_start3A_10 = arith.constant 0 : i32
    %dma_start3A_11 = tpu.memref_slice %arg3[%add3A_8, %dma_start3A_10] : memref<2560x128xi32, #tpu.memory_space<hbm>> -> memref<8x128xi32, #tpu.memory_space<hbm>>
    tpu.enqueue_dma source(%dma_start3A_11 : memref<8x128xi32, #tpu.memory_space<hbm>>) target(%arg7 : memref<8x128xi32, #tpu.memory_space<vmem>>) target_semaphore(%arg9 : memref<!tpu.dma_semaphore, #tpu.memory_space<semaphore_mem>>)
    %add3A_12 = arith.constant 0 : i32
    %add3A_13 = arith.addi %mul3A_6, %add3A_12 : i32
    %dma_wait3A = arith.constant 0 : i32
    %dma_wait3A_14 = tpu.memref_slice %arg3[%add3A_13, %dma_wait3A] : memref<2560x128xi32, #tpu.memory_space<hbm>> -> memref<8x128xi32, #tpu.memory_space<hbm>>
    %dma_wait3A_15 = arith.constant 0 : i32
    %dma_wait3A_16 = tpu.memref_slice %arg3[%add3A_13, %dma_wait3A_15] : memref<2560x128xi32, #tpu.memory_space<hbm>> -> memref<8x128xi32, #tpu.memory_space<hbm>>
    tpu.wait_dma2 semaphore(%arg9 : memref<!tpu.dma_semaphore, #tpu.memory_space<semaphore_mem>>) src(%dma_wait3A_16 : memref<8x128xi32, #tpu.memory_space<hbm>>) dst(%arg7 : memref<8x128xi32, #tpu.memory_space<vmem>>)
    %add3A_17 = arith.constant 8 : i32
    %add3A_18 = arith.addi %mul3A_6, %add3A_17 : i32
    %dma_start3A_19 = arith.constant 0 : i32
    %dma_start3A_20 = tpu.memref_slice %arg3[%add3A_18, %dma_start3A_19] : memref<2560x128xi32, #tpu.memory_space<hbm>> -> memref<8x128xi32, #tpu.memory_space<hbm>>
    %dma_start3A_21 = arith.constant 0 : i32
    %dma_start3A_22 = tpu.memref_slice %arg3[%add3A_18, %dma_start3A_21] : memref<2560x128xi32, #tpu.memory_space<hbm>> -> memref<8x128xi32, #tpu.memory_space<hbm>>
    tpu.enqueue_dma source(%dma_start3A_22 : memref<8x128xi32, #tpu.memory_space<hbm>>) target(%arg8 : memref<8x128xi32, #tpu.memory_space<vmem>>) target_semaphore(%arg10 : memref<!tpu.dma_semaphore, #tpu.memory_space<semaphore_mem>>)
    %dma_start3A_23 = arith.constant 0 : i32
    %dma_start3A_24 = arith.constant 0 : i32
    %dma_start3A_25 = tpu.memref_slice %arg7[%dma_start3A_23, %dma_start3A_24] : memref<8x128xi32, #tpu.memory_space<vmem>> -> memref<1x128xi32, #tpu.memory_space<vmem>>
    %dma_start3A_26 = tpu.memref_squeeze %dma_start3A_25 : memref<1x128xi32, #tpu.memory_space<vmem>> -> memref<128xi32, #tpu.memory_space<vmem>>
    %dma_start3A_27 = arith.constant 0 : i32
    %dma_start3A_28 = arith.constant 0 : i32
    %dma_start3A_29 = tpu.memref_slice %arg2[%dma_start3A_27, %dma_start3A_28] : memref<10000x128xf32, #tpu.memory_space<hbm>> -> memref<10000x128xf32, #tpu.memory_space<hbm>>
    tpu.enqueue_indirect_dma source(%dma_start3A_29 : memref<10000x128xf32, #tpu.memory_space<hbm>>) target(%arg12 : memref<128x128xf32, #tpu.memory_space<vmem>>) offsets(%dma_start3A_26 : memref<128xi32, #tpu.memory_space<vmem>>) semaphore(%arg14 : memref<!tpu.dma_semaphore, #tpu.memory_space<semaphore_mem>>)
    %dma_start3A_30 = arith.constant 1 : i32
    %dma_start3A_31 = arith.constant 0 : i32
    %dma_start3A_32 = tpu.memref_slice %arg7[%dma_start3A_30, %dma_start3A_31] : memref<8x128xi32, #tpu.memory_space<vmem>> -> memref<1x128xi32, #tpu.memory_space<vmem>>
    %dma_start3A_33 = tpu.memref_squeeze %dma_start3A_32 : memref<1x128xi32, #tpu.memory_space<vmem>> -> memref<128xi32, #tpu.memory_space<vmem>>
    %dma_start3A_34 = arith.constant 0 : i32
    %dma_start3A_35 = arith.constant 0 : i32
    %dma_start3A_36 = tpu.memref_slice %arg2[%dma_start3A_34, %dma_start3A_35] : memref<10000x128xf32, #tpu.memory_space<hbm>> -> memref<10000x128xf32, #tpu.memory_space<hbm>>
    tpu.enqueue_indirect_dma source(%dma_start3A_36 : memref<10000x128xf32, #tpu.memory_space<hbm>>) target(%arg13 : memref<128x128xf32, #tpu.memory_space<vmem>>) offsets(%dma_start3A_33 : memref<128xi32, #tpu.memory_space<vmem>>) semaphore(%arg15 : memref<!tpu.dma_semaphore, #tpu.memory_space<semaphore_mem>>)
    %scan3A = arith.constant 0 : i32
    %scan3A_37 = arith.constant 0 : i32
    %scan3A_38 = arith.constant 5 : i32
    %scan3A_39 = arith.addi %scan3A_37, %scan3A_38 : i32
    %scan3A_40 = arith.constant 1 : i32
    scf.for %scan3A_47 = %scan3A_37 to %scan3A_39 step %scan3A_40  : i32 {
      %mul3A_48 = arith.constant 16 : i32
      %mul3A_49 = arith.muli %mul3A_48, %scan3A_47 : i32
      %add3A_50 = arith.constant 0 : i32
      %add3A_51 = arith.addi %mul3A_49, %add3A_50 : i32
      %dma_wait3A_52 = arith.constant 0 : i32
      %dma_wait3A_53 = arith.constant 0 : i32
      %dma_wait3A_54 = tpu.memref_slice %arg7[%dma_wait3A_52, %dma_wait3A_53] : memref<8x128xi32, #tpu.memory_space<vmem>> -> memref<1x128xi32, #tpu.memory_space<vmem>>
      %dma_wait3A_55 = tpu.memref_squeeze %dma_wait3A_54 : memref<1x128xi32, #tpu.memory_space<vmem>> -> memref<128xi32, #tpu.memory_space<vmem>>
      %dma_wait3A_56 = arith.constant 0 : i32
      %dma_wait3A_57 = arith.constant 0 : i32
      %dma_wait3A_58 = tpu.memref_slice %arg2[%dma_wait3A_56, %dma_wait3A_57] : memref<10000x128xf32, #tpu.memory_space<hbm>> -> memref<10000x128xf32, #tpu.memory_space<hbm>>
      tpu.wait_indirect_dma semaphore(%arg14 : memref<!tpu.dma_semaphore, #tpu.memory_space<semaphore_mem>>) src(%dma_wait3A_58 : memref<10000x128xf32, #tpu.memory_space<hbm>>) dst(%arg12 : memref<128x128xf32, #tpu.memory_space<vmem>>)
      "tpu.region"() ({
        %run_scoped3A = tpu.sem_alloc : memref<!tpu.dma_semaphore, #tpu.memory_space<semaphore_mem>>
        %dma_start3A_360 = arith.constant 0 : i32
        %dma_start3A_361 = tpu.memref_slice %arg11[%add3A_51, %dma_start3A_360] : memref<80x128xi32, #tpu.memory_space<vmem>> -> memref<1x128xi32, #tpu.memory_space<vmem>>
        %dma_start3A_362 = tpu.memref_squeeze %dma_start3A_361 : memref<1x128xi32, #tpu.memory_space<vmem>> -> memref<128xi32, #tpu.memory_space<vmem>>
        %dma_start3A_363 = arith.constant 0 : i32
        %dma_start3A_364 = arith.constant 0 : i32
        %dma_start3A_365 = tpu.memref_slice %arg16[%dma_start3A_363, %dma_start3A_364] : memref<10240x128xf32, #tpu.memory_space<vmem_shared>> -> memref<10240x128xf32, #tpu.memory_space<vmem_shared>>
        tpu.enqueue_indirect_dma source(%arg12 : memref<128x128xf32, #tpu.memory_space<vmem>>) target(%dma_start3A_365 : memref<10240x128xf32, #tpu.memory_space<vmem_shared>>) offsets(%dma_start3A_362 : memref<128xi32, #tpu.memory_space<vmem>>) semaphore(%run_scoped3A : memref<!tpu.dma_semaphore, #tpu.memory_space<semaphore_mem>>) {add = true}
        %dma_wait3A_366 = arith.constant 0 : i32
        %dma_wait3A_367 = tpu.memref_slice %arg11[%add3A_51, %dma_wait3A_366] : memref<80x128xi32, #tpu.memory_space<vmem>> -> memref<1x128xi32, #tpu.memory_space<vmem>>
        %dma_wait3A_368 = tpu.memref_squeeze %dma_wait3A_367 : memref<1x128xi32, #tpu.memory_space<vmem>> -> memref<128xi32, #tpu.memory_space<vmem>>
        %dma_wait3A_369 = arith.constant 0 : i32
        %dma_wait3A_370 = arith.constant 0 : i32
        %dma_wait3A_371 = tpu.memref_slice %arg16[%dma_wait3A_369, %dma_wait3A_370] : memref<10240x128xf32, #tpu.memory_space<vmem_shared>> -> memref<10240x128xf32, #tpu.memory_space<vmem_shared>>
        tpu.wait_indirect_dma semaphore(%run_scoped3A : memref<!tpu.dma_semaphore, #tpu.memory_space<semaphore_mem>>) src(%arg12 : memref<128x128xf32, #tpu.memory_space<vmem>>) dst(%dma_wait3A_371 : memref<10240x128xf32, #tpu.memory_space<vmem_shared>>)
        tpu.yield
      }) : () -> ()
      %dma_start3A_59 = arith.constant 2 : i32
      %dma_start3A_60 = arith.constant 0 : i32
      %dma_start3A_61 = tpu.memref_slice %arg7[%dma_start3A_59, %dma_start3A_60] : memref<8x128xi32, #tpu.memory_space<vmem>> -> memref<1x128xi32, #tpu.memory_space<vmem>>
      %dma_start3A_62 = tpu.memref_squeeze %dma_start3A_61 : memref<1x128xi32, #tpu.memory_space<vmem>> -> memref<128xi32, #tpu.memory_space<vmem>>
      %dma_start3A_63 = arith.constant 0 : i32
      %dma_start3A_64 = arith.constant 0 : i32
      %dma_start3A_65 = tpu.memref_slice %arg2[%dma_start3A_63, %dma_start3A_64] : memref<10000x128xf32, #tpu.memory_space<hbm>> -> memref<10000x128xf32, #tpu.memory_space<hbm>>
      tpu.enqueue_indirect_dma source(%dma_start3A_65 : memref<10000x128xf32, #tpu.memory_space<hbm>>) target(%arg12 : memref<128x128xf32, #tpu.memory_space<vmem>>) offsets(%dma_start3A_62 : memref<128xi32, #tpu.memory_space<vmem>>) semaphore(%arg14 : memref<!tpu.dma_semaphore, #tpu.memory_space<semaphore_mem>>)
      %mul3A_66 = arith.constant 16 : i32
      %mul3A_67 = arith.muli %mul3A_66, %scan3A_47 : i32
      %add3A_68 = arith.constant 1 : i32
      %add3A_69 = arith.addi %mul3A_67, %add3A_68 : i32
      %dma_wait3A_70 = arith.constant 1 : i32
      %dma_wait3A_71 = arith.constant 0 : i32
      %dma_wait3A_72 = tpu.memref_slice %arg7[%dma_wait3A_70, %dma_wait3A_71] : memref<8x128xi32, #tpu.memory_space<vmem>> -> memref<1x128xi32, #tpu.memory_space<vmem>>
      %dma_wait3A_73 = tpu.memref_squeeze %dma_wait3A_72 : memref<1x128xi32, #tpu.memory_space<vmem>> -> memref<128xi32, #tpu.memory_space<vmem>>
      %dma_wait3A_74 = arith.constant 0 : i32
      %dma_wait3A_75 = arith.constant 0 : i32
      %dma_wait3A_76 = tpu.memref_slice %arg2[%dma_wait3A_74, %dma_wait3A_75] : memref<10000x128xf32, #tpu.memory_space<hbm>> -> memref<10000x128xf32, #tpu.memory_space<hbm>>
      tpu.wait_indirect_dma semaphore(%arg15 : memref<!tpu.dma_semaphore, #tpu.memory_space<semaphore_mem>>) src(%dma_wait3A_76 : memref<10000x128xf32, #tpu.memory_space<hbm>>) dst(%arg13 : memref<128x128xf32, #tpu.memory_space<vmem>>)
      "tpu.region"() ({
        %run_scoped3A = tpu.sem_alloc : memref<!tpu.dma_semaphore, #tpu.memory_space<semaphore_mem>>
        %dma_start3A_360 = arith.constant 0 : i32
        %dma_start3A_361 = tpu.memref_slice %arg11[%add3A_69, %dma_start3A_360] : memref<80x128xi32, #tpu.memory_space<vmem>> -> memref<1x128xi32, #tpu.memory_space<vmem>>
        %dma_start3A_362 = tpu.memref_squeeze %dma_start3A_361 : memref<1x128xi32, #tpu.memory_space<vmem>> -> memref<128xi32, #tpu.memory_space<vmem>>
        %dma_start3A_363 = arith.constant 0 : i32
        %dma_start3A_364 = arith.constant 0 : i32
        %dma_start3A_365 = tpu.memref_slice %arg16[%dma_start3A_363, %dma_start3A_364] : memref<10240x128xf32, #tpu.memory_space<vmem_shared>> -> memref<10240x128xf32, #tpu.memory_space<vmem_shared>>
        tpu.enqueue_indirect_dma source(%arg13 : memref<128x128xf32, #tpu.memory_space<vmem>>) target(%dma_start3A_365 : memref<10240x128xf32, #tpu.memory_space<vmem_shared>>) offsets(%dma_start3A_362 : memref<128xi32, #tpu.memory_space<vmem>>) semaphore(%run_scoped3A : memref<!tpu.dma_semaphore, #tpu.memory_space<semaphore_mem>>) {add = true}
        %dma_wait3A_366 = arith.constant 0 : i32
        %dma_wait3A_367 = tpu.memref_slice %arg11[%add3A_69, %dma_wait3A_366] : memref<80x128xi32, #tpu.memory_space<vmem>> -> memref<1x128xi32, #tpu.memory_space<vmem>>
        %dma_wait3A_368 = tpu.memref_squeeze %dma_wait3A_367 : memref<1x128xi32, #tpu.memory_space<vmem>> -> memref<128xi32, #tpu.memory_space<vmem>>
        %dma_wait3A_369 = arith.constant 0 : i32
        %dma_wait3A_370 = arith.constant 0 : i32
        %dma_wait3A_371 = tpu.memref_slice %arg16[%dma_wait3A_369, %dma_wait3A_370] : memref<10240x128xf32, #tpu.memory_space<vmem_shared>> -> memref<10240x128xf32, #tpu.memory_space<vmem_shared>>
        tpu.wait_indirect_dma semaphore(%run_scoped3A : memref<!tpu.dma_semaphore, #tpu.memory_space<semaphore_mem>>) src(%arg13 : memref<128x128xf32, #tpu.memory_space<vmem>>) dst(%dma_wait3A_371 : memref<10240x128xf32, #tpu.memory_space<vmem_shared>>)
        tpu.yield
      }) : () -> ()
      %dma_start3A_77 = arith.constant 3 : i32
      %dma_start3A_78 = arith.constant 0 : i32
      %dma_start3A_79 = tpu.memref_slice %arg7[%dma_start3A_77, %dma_start3A_78] : memref<8x128xi32, #tpu.memory_space<vmem>> -> memref<1x128xi32, #tpu.memory_space<vmem>>
      %dma_start3A_80 = tpu.memref_squeeze %dma_start3A_79 : memref<1x128xi32, #tpu.memory_space<vmem>> -> memref<128xi32, #tpu.memory_space<vmem>>
      %dma_start3A_81 = arith.constant 0 : i32
      %dma_start3A_82 = arith.constant 0 : i32
      %dma_start3A_83 = tpu.memref_slice %arg2[%dma_start3A_81, %dma_start3A_82] : memref<10000x128xf32, #tpu.memory_space<hbm>> -> memref<10000x128xf32, #tpu.memory_space<hbm>>
      tpu.enqueue_indirect_dma source(%dma_start3A_83 : memref<10000x128xf32, #tpu.memory_space<hbm>>) target(%arg13 : memref<128x128xf32, #tpu.memory_space<vmem>>) offsets(%dma_start3A_80 : memref<128xi32, #tpu.memory_space<vmem>>) semaphore(%arg15 : memref<!tpu.dma_semaphore, #tpu.memory_space<semaphore_mem>>)
      %mul3A_84 = arith.constant 16 : i32
      %mul3A_85 = arith.muli %mul3A_84, %scan3A_47 : i32
      %add3A_86 = arith.constant 2 : i32
      %add3A_87 = arith.addi %mul3A_85, %add3A_86 : i32
      %dma_wait3A_88 = arith.constant 2 : i32
      %dma_wait3A_89 = arith.constant 0 : i32
      %dma_wait3A_90 = tpu.memref_slice %arg7[%dma_wait3A_88, %dma_wait3A_89] : memref<8x128xi32, #tpu.memory_space<vmem>> -> memref<1x128xi32, #tpu.memory_space<vmem>>
      %dma_wait3A_91 = tpu.memref_squeeze %dma_wait3A_90 : memref<1x128xi32, #tpu.memory_space<vmem>> -> memref<128xi32, #tpu.memory_space<vmem>>
      %dma_wait3A_92 = arith.constant 0 : i32
      %dma_wait3A_93 = arith.constant 0 : i32
      %dma_wait3A_94 = tpu.memref_slice %arg2[%dma_wait3A_92, %dma_wait3A_93] : memref<10000x128xf32, #tpu.memory_space<hbm>> -> memref<10000x128xf32, #tpu.memory_space<hbm>>
      tpu.wait_indirect_dma semaphore(%arg14 : memref<!tpu.dma_semaphore, #tpu.memory_space<semaphore_mem>>) src(%dma_wait3A_94 : memref<10000x128xf32, #tpu.memory_space<hbm>>) dst(%arg12 : memref<128x128xf32, #tpu.memory_space<vmem>>)
      "tpu.region"() ({
        %run_scoped3A = tpu.sem_alloc : memref<!tpu.dma_semaphore, #tpu.memory_space<semaphore_mem>>
        %dma_start3A_360 = arith.constant 0 : i32
        %dma_start3A_361 = tpu.memref_slice %arg11[%add3A_87, %dma_start3A_360] : memref<80x128xi32, #tpu.memory_space<vmem>> -> memref<1x128xi32, #tpu.memory_space<vmem>>
        %dma_start3A_362 = tpu.memref_squeeze %dma_start3A_361 : memref<1x128xi32, #tpu.memory_space<vmem>> -> memref<128xi32, #tpu.memory_space<vmem>>
        %dma_start3A_363 = arith.constant 0 : i32
        %dma_start3A_364 = arith.constant 0 : i32
        %dma_start3A_365 = tpu.memref_slice %arg16[%dma_start3A_363, %dma_start3A_364] : memref<10240x128xf32, #tpu.memory_space<vmem_shared>> -> memref<10240x128xf32, #tpu.memory_space<vmem_shared>>
        tpu.enqueue_indirect_dma source(%arg12 : memref<128x128xf32, #tpu.memory_space<vmem>>) target(%dma_start3A_365 : memref<10240x128xf32, #tpu.memory_space<vmem_shared>>) offsets(%dma_start3A_362 : memref<128xi32, #tpu.memory_space<vmem>>) semaphore(%run_scoped3A : memref<!tpu.dma_semaphore, #tpu.memory_space<semaphore_mem>>) {add = true}
        %dma_wait3A_366 = arith.constant 0 : i32
        %dma_wait3A_367 = tpu.memref_slice %arg11[%add3A_87, %dma_wait3A_366] : memref<80x128xi32, #tpu.memory_space<vmem>> -> memref<1x128xi32, #tpu.memory_space<vmem>>
        %dma_wait3A_368 = tpu.memref_squeeze %dma_wait3A_367 : memref<1x128xi32, #tpu.memory_space<vmem>> -> memref<128xi32, #tpu.memory_space<vmem>>
        %dma_wait3A_369 = arith.constant 0 : i32
        %dma_wait3A_370 = arith.constant 0 : i32
        %dma_wait3A_371 = tpu.memref_slice %arg16[%dma_wait3A_369, %dma_wait3A_370] : memref<10240x128xf32, #tpu.memory_space<vmem_shared>> -> memref<10240x128xf32, #tpu.memory_space<vmem_shared>>
        tpu.wait_indirect_dma semaphore(%run_scoped3A : memref<!tpu.dma_semaphore, #tpu.memory_space<semaphore_mem>>) src(%arg12 : memref<128x128xf32, #tpu.memory_space<vmem>>) dst(%dma_wait3A_371 : memref<10240x128xf32, #tpu.memory_space<vmem_shared>>)
        tpu.yield
      }) : () -> ()
      %dma_start3A_95 = arith.constant 4 : i32
      %dma_start3A_96 = arith.constant 0 : i32
      %dma_start3A_97 = tpu.memref_slice %arg7[%dma_start3A_95, %dma_start3A_96] : memref<8x128xi32, #tpu.memory_space<vmem>> -> memref<1x128xi32, #tpu.memory_space<vmem>>
      %dma_start3A_98 = tpu.memref_squeeze %dma_start3A_97 : memref<1x128xi32, #tpu.memory_space<vmem>> -> memref<128xi32, #tpu.memory_space<vmem>>
      %dma_start3A_99 = arith.constant 0 : i32
      %dma_start3A_100 = arith.constant 0 : i32
      %dma_start3A_101 = tpu.memref_slice %arg2[%dma_start3A_99, %dma_start3A_100] : memref<10000x128xf32, #tpu.memory_space<hbm>> -> memref<10000x128xf32, #tpu.memory_space<hbm>>
      tpu.enqueue_indirect_dma source(%dma_start3A_101 : memref<10000x128xf32, #tpu.memory_space<hbm>>) target(%arg12 : memref<128x128xf32, #tpu.memory_space<vmem>>) offsets(%dma_start3A_98 : memref<128xi32, #tpu.memory_space<vmem>>) semaphore(%arg14 : memref<!tpu.dma_semaphore, #tpu.memory_space<semaphore_mem>>)
      %mul3A_102 = arith.constant 16 : i32
      %mul3A_103 = arith.muli %mul3A_102, %scan3A_47 : i32
      %add3A_104 = arith.constant 3 : i32
      %add3A_105 = arith.addi %mul3A_103, %add3A_104 : i32
      %dma_wait3A_106 = arith.constant 3 : i32
      %dma_wait3A_107 = arith.constant 0 : i32
      %dma_wait3A_108 = tpu.memref_slice %arg7[%dma_wait3A_106, %dma_wait3A_107] : memref<8x128xi32, #tpu.memory_space<vmem>> -> memref<1x128xi32, #tpu.memory_space<vmem>>
      %dma_wait3A_109 = tpu.memref_squeeze %dma_wait3A_108 : memref<1x128xi32, #tpu.memory_space<vmem>> -> memref<128xi32, #tpu.memory_space<vmem>>
      %dma_wait3A_110 = arith.constant 0 : i32
      %dma_wait3A_111 = arith.constant 0 : i32
      %dma_wait3A_112 = tpu.memref_slice %arg2[%dma_wait3A_110, %dma_wait3A_111] : memref<10000x128xf32, #tpu.memory_space<hbm>> -> memref<10000x128xf32, #tpu.memory_space<hbm>>
      tpu.wait_indirect_dma semaphore(%arg15 : memref<!tpu.dma_semaphore, #tpu.memory_space<semaphore_mem>>) src(%dma_wait3A_112 : memref<10000x128xf32, #tpu.memory_space<hbm>>) dst(%arg13 : memref<128x128xf32, #tpu.memory_space<vmem>>)
      "tpu.region"() ({
        %run_scoped3A = tpu.sem_alloc : memref<!tpu.dma_semaphore, #tpu.memory_space<semaphore_mem>>
        %dma_start3A_360 = arith.constant 0 : i32
        %dma_start3A_361 = tpu.memref_slice %arg11[%add3A_105, %dma_start3A_360] : memref<80x128xi32, #tpu.memory_space<vmem>> -> memref<1x128xi32, #tpu.memory_space<vmem>>
        %dma_start3A_362 = tpu.memref_squeeze %dma_start3A_361 : memref<1x128xi32, #tpu.memory_space<vmem>> -> memref<128xi32, #tpu.memory_space<vmem>>
        %dma_start3A_363 = arith.constant 0 : i32
        %dma_start3A_364 = arith.constant 0 : i32
        %dma_start3A_365 = tpu.memref_slice %arg16[%dma_start3A_363, %dma_start3A_364] : memref<10240x128xf32, #tpu.memory_space<vmem_shared>> -> memref<10240x128xf32, #tpu.memory_space<vmem_shared>>
        tpu.enqueue_indirect_dma source(%arg13 : memref<128x128xf32, #tpu.memory_space<vmem>>) target(%dma_start3A_365 : memref<10240x128xf32, #tpu.memory_space<vmem_shared>>) offsets(%dma_start3A_362 : memref<128xi32, #tpu.memory_space<vmem>>) semaphore(%run_scoped3A : memref<!tpu.dma_semaphore, #tpu.memory_space<semaphore_mem>>) {add = true}
        %dma_wait3A_366 = arith.constant 0 : i32
        %dma_wait3A_367 = tpu.memref_slice %arg11[%add3A_105, %dma_wait3A_366] : memref<80x128xi32, #tpu.memory_space<vmem>> -> memref<1x128xi32, #tpu.memory_space<vmem>>
        %dma_wait3A_368 = tpu.memref_squeeze %dma_wait3A_367 : memref<1x128xi32, #tpu.memory_space<vmem>> -> memref<128xi32, #tpu.memory_space<vmem>>
        %dma_wait3A_369 = arith.constant 0 : i32
        %dma_wait3A_370 = arith.constant 0 : i32
        %dma_wait3A_371 = tpu.memref_slice %arg16[%dma_wait3A_369, %dma_wait3A_370] : memref<10240x128xf32, #tpu.memory_space<vmem_shared>> -> memref<10240x128xf32, #tpu.memory_space<vmem_shared>>
        tpu.wait_indirect_dma semaphore(%run_scoped3A : memref<!tpu.dma_semaphore, #tpu.memory_space<semaphore_mem>>) src(%arg13 : memref<128x128xf32, #tpu.memory_space<vmem>>) dst(%dma_wait3A_371 : memref<10240x128xf32, #tpu.memory_space<vmem_shared>>)
        tpu.yield
      }) : () -> ()
      %dma_start3A_113 = arith.constant 5 : i32
      %dma_start3A_114 = arith.constant 0 : i32
      %dma_start3A_115 = tpu.memref_slice %arg7[%dma_start3A_113, %dma_start3A_114] : memref<8x128xi32, #tpu.memory_space<vmem>> -> memref<1x128xi32, #tpu.memory_space<vmem>>
      %dma_start3A_116 = tpu.memref_squeeze %dma_start3A_115 : memref<1x128xi32, #tpu.memory_space<vmem>> -> memref<128xi32, #tpu.memory_space<vmem>>
      %dma_start3A_117 = arith.constant 0 : i32
      %dma_start3A_118 = arith.constant 0 : i32
      %dma_start3A_119 = tpu.memref_slice %arg2[%dma_start3A_117, %dma_start3A_118] : memref<10000x128xf32, #tpu.memory_space<hbm>> -> memref<10000x128xf32, #tpu.memory_space<hbm>>
      tpu.enqueue_indirect_dma source(%dma_start3A_119 : memref<10000x128xf32, #tpu.memory_space<hbm>>) target(%arg13 : memref<128x128xf32, #tpu.memory_space<vmem>>) offsets(%dma_start3A_116 : memref<128xi32, #tpu.memory_space<vmem>>) semaphore(%arg15 : memref<!tpu.dma_semaphore, #tpu.memory_space<semaphore_mem>>)
      %mul3A_120 = arith.constant 16 : i32
      %mul3A_121 = arith.muli %mul3A_120, %scan3A_47 : i32
      %add3A_122 = arith.constant 4 : i32
      %add3A_123 = arith.addi %mul3A_121, %add3A_122 : i32
      %dma_wait3A_124 = arith.constant 4 : i32
      %dma_wait3A_125 = arith.constant 0 : i32
      %dma_wait3A_126 = tpu.memref_slice %arg7[%dma_wait3A_124, %dma_wait3A_125] : memref<8x128xi32, #tpu.memory_space<vmem>> -> memref<1x128xi32, #tpu.memory_space<vmem>>
      %dma_wait3A_127 = tpu.memref_squeeze %dma_wait3A_126 : memref<1x128xi32, #tpu.memory_space<vmem>> -> memref<128xi32, #tpu.memory_space<vmem>>
      %dma_wait3A_128 = arith.constant 0 : i32
      %dma_wait3A_129 = arith.constant 0 : i32
      %dma_wait3A_130 = tpu.memref_slice %arg2[%dma_wait3A_128, %dma_wait3A_129] : memref<10000x128xf32, #tpu.memory_space<hbm>> -> memref<10000x128xf32, #tpu.memory_space<hbm>>
      tpu.wait_indirect_dma semaphore(%arg14 : memref<!tpu.dma_semaphore, #tpu.memory_space<semaphore_mem>>) src(%dma_wait3A_130 : memref<10000x128xf32, #tpu.memory_space<hbm>>) dst(%arg12 : memref<128x128xf32, #tpu.memory_space<vmem>>)
      "tpu.region"() ({
        %run_scoped3A = tpu.sem_alloc : memref<!tpu.dma_semaphore, #tpu.memory_space<semaphore_mem>>
        %dma_start3A_360 = arith.constant 0 : i32
        %dma_start3A_361 = tpu.memref_slice %arg11[%add3A_123, %dma_start3A_360] : memref<80x128xi32, #tpu.memory_space<vmem>> -> memref<1x128xi32, #tpu.memory_space<vmem>>
        %dma_start3A_362 = tpu.memref_squeeze %dma_start3A_361 : memref<1x128xi32, #tpu.memory_space<vmem>> -> memref<128xi32, #tpu.memory_space<vmem>>
        %dma_start3A_363 = arith.constant 0 : i32
        %dma_start3A_364 = arith.constant 0 : i32
        %dma_start3A_365 = tpu.memref_slice %arg16[%dma_start3A_363, %dma_start3A_364] : memref<10240x128xf32, #tpu.memory_space<vmem_shared>> -> memref<10240x128xf32, #tpu.memory_space<vmem_shared>>
        tpu.enqueue_indirect_dma source(%arg12 : memref<128x128xf32, #tpu.memory_space<vmem>>) target(%dma_start3A_365 : memref<10240x128xf32, #tpu.memory_space<vmem_shared>>) offsets(%dma_start3A_362 : memref<128xi32, #tpu.memory_space<vmem>>) semaphore(%run_scoped3A : memref<!tpu.dma_semaphore, #tpu.memory_space<semaphore_mem>>) {add = true}
        %dma_wait3A_366 = arith.constant 0 : i32
        %dma_wait3A_367 = tpu.memref_slice %arg11[%add3A_123, %dma_wait3A_366] : memref<80x128xi32, #tpu.memory_space<vmem>> -> memref<1x128xi32, #tpu.memory_space<vmem>>
        %dma_wait3A_368 = tpu.memref_squeeze %dma_wait3A_367 : memref<1x128xi32, #tpu.memory_space<vmem>> -> memref<128xi32, #tpu.memory_space<vmem>>
        %dma_wait3A_369 = arith.constant 0 : i32
        %dma_wait3A_370 = arith.constant 0 : i32
        %dma_wait3A_371 = tpu.memref_slice %arg16[%dma_wait3A_369, %dma_wait3A_370] : memref<10240x128xf32, #tpu.memory_space<vmem_shared>> -> memref<10240x128xf32, #tpu.memory_space<vmem_shared>>
        tpu.wait_indirect_dma semaphore(%run_scoped3A : memref<!tpu.dma_semaphore, #tpu.memory_space<semaphore_mem>>) src(%arg12 : memref<128x128xf32, #tpu.memory_space<vmem>>) dst(%dma_wait3A_371 : memref<10240x128xf32, #tpu.memory_space<vmem_shared>>)
        tpu.yield
      }) : () -> ()
      %dma_start3A_131 = arith.constant 6 : i32
      %dma_start3A_132 = arith.constant 0 : i32
      %dma_start3A_133 = tpu.memref_slice %arg7[%dma_start3A_131, %dma_start3A_132] : memref<8x128xi32, #tpu.memory_space<vmem>> -> memref<1x128xi32, #tpu.memory_space<vmem>>
      %dma_start3A_134 = tpu.memref_squeeze %dma_start3A_133 : memref<1x128xi32, #tpu.memory_space<vmem>> -> memref<128xi32, #tpu.memory_space<vmem>>
      %dma_start3A_135 = arith.constant 0 : i32
      %dma_start3A_136 = arith.constant 0 : i32
      %dma_start3A_137 = tpu.memref_slice %arg2[%dma_start3A_135, %dma_start3A_136] : memref<10000x128xf32, #tpu.memory_space<hbm>> -> memref<10000x128xf32, #tpu.memory_space<hbm>>
      tpu.enqueue_indirect_dma source(%dma_start3A_137 : memref<10000x128xf32, #tpu.memory_space<hbm>>) target(%arg12 : memref<128x128xf32, #tpu.memory_space<vmem>>) offsets(%dma_start3A_134 : memref<128xi32, #tpu.memory_space<vmem>>) semaphore(%arg14 : memref<!tpu.dma_semaphore, #tpu.memory_space<semaphore_mem>>)
      %mul3A_138 = arith.constant 16 : i32
      %mul3A_139 = arith.muli %mul3A_138, %scan3A_47 : i32
      %add3A_140 = arith.constant 5 : i32
      %add3A_141 = arith.addi %mul3A_139, %add3A_140 : i32
      %dma_wait3A_142 = arith.constant 5 : i32
      %dma_wait3A_143 = arith.constant 0 : i32
      %dma_wait3A_144 = tpu.memref_slice %arg7[%dma_wait3A_142, %dma_wait3A_143] : memref<8x128xi32, #tpu.memory_space<vmem>> -> memref<1x128xi32, #tpu.memory_space<vmem>>
      %dma_wait3A_145 = tpu.memref_squeeze %dma_wait3A_144 : memref<1x128xi32, #tpu.memory_space<vmem>> -> memref<128xi32, #tpu.memory_space<vmem>>
      %dma_wait3A_146 = arith.constant 0 : i32
      %dma_wait3A_147 = arith.constant 0 : i32
      %dma_wait3A_148 = tpu.memref_slice %arg2[%dma_wait3A_146, %dma_wait3A_147] : memref<10000x128xf32, #tpu.memory_space<hbm>> -> memref<10000x128xf32, #tpu.memory_space<hbm>>
      tpu.wait_indirect_dma semaphore(%arg15 : memref<!tpu.dma_semaphore, #tpu.memory_space<semaphore_mem>>) src(%dma_wait3A_148 : memref<10000x128xf32, #tpu.memory_space<hbm>>) dst(%arg13 : memref<128x128xf32, #tpu.memory_space<vmem>>)
      "tpu.region"() ({
        %run_scoped3A = tpu.sem_alloc : memref<!tpu.dma_semaphore, #tpu.memory_space<semaphore_mem>>
        %dma_start3A_360 = arith.constant 0 : i32
        %dma_start3A_361 = tpu.memref_slice %arg11[%add3A_141, %dma_start3A_360] : memref<80x128xi32, #tpu.memory_space<vmem>> -> memref<1x128xi32, #tpu.memory_space<vmem>>
        %dma_start3A_362 = tpu.memref_squeeze %dma_start3A_361 : memref<1x128xi32, #tpu.memory_space<vmem>> -> memref<128xi32, #tpu.memory_space<vmem>>
        %dma_start3A_363 = arith.constant 0 : i32
        %dma_start3A_364 = arith.constant 0 : i32
        %dma_start3A_365 = tpu.memref_slice %arg16[%dma_start3A_363, %dma_start3A_364] : memref<10240x128xf32, #tpu.memory_space<vmem_shared>> -> memref<10240x128xf32, #tpu.memory_space<vmem_shared>>
        tpu.enqueue_indirect_dma source(%arg13 : memref<128x128xf32, #tpu.memory_space<vmem>>) target(%dma_start3A_365 : memref<10240x128xf32, #tpu.memory_space<vmem_shared>>) offsets(%dma_start3A_362 : memref<128xi32, #tpu.memory_space<vmem>>) semaphore(%run_scoped3A : memref<!tpu.dma_semaphore, #tpu.memory_space<semaphore_mem>>) {add = true}
        %dma_wait3A_366 = arith.constant 0 : i32
        %dma_wait3A_367 = tpu.memref_slice %arg11[%add3A_141, %dma_wait3A_366] : memref<80x128xi32, #tpu.memory_space<vmem>> -> memref<1x128xi32, #tpu.memory_space<vmem>>
        %dma_wait3A_368 = tpu.memref_squeeze %dma_wait3A_367 : memref<1x128xi32, #tpu.memory_space<vmem>> -> memref<128xi32, #tpu.memory_space<vmem>>
        %dma_wait3A_369 = arith.constant 0 : i32
        %dma_wait3A_370 = arith.constant 0 : i32
        %dma_wait3A_371 = tpu.memref_slice %arg16[%dma_wait3A_369, %dma_wait3A_370] : memref<10240x128xf32, #tpu.memory_space<vmem_shared>> -> memref<10240x128xf32, #tpu.memory_space<vmem_shared>>
        tpu.wait_indirect_dma semaphore(%run_scoped3A : memref<!tpu.dma_semaphore, #tpu.memory_space<semaphore_mem>>) src(%arg13 : memref<128x128xf32, #tpu.memory_space<vmem>>) dst(%dma_wait3A_371 : memref<10240x128xf32, #tpu.memory_space<vmem_shared>>)
        tpu.yield
      }) : () -> ()
      %dma_start3A_149 = arith.constant 7 : i32
      %dma_start3A_150 = arith.constant 0 : i32
      %dma_start3A_151 = tpu.memref_slice %arg7[%dma_start3A_149, %dma_start3A_150] : memref<8x128xi32, #tpu.memory_space<vmem>> -> memref<1x128xi32, #tpu.memory_space<vmem>>
      %dma_start3A_152 = tpu.memref_squeeze %dma_start3A_151 : memref<1x128xi32, #tpu.memory_space<vmem>> -> memref<128xi32, #tpu.memory_space<vmem>>
      %dma_start3A_153 = arith.constant 0 : i32
      %dma_start3A_154 = arith.constant 0 : i32
      %dma_start3A_155 = tpu.memref_slice %arg2[%dma_start3A_153, %dma_start3A_154] : memref<10000x128xf32, #tpu.memory_space<hbm>> -> memref<10000x128xf32, #tpu.memory_space<hbm>>
      tpu.enqueue_indirect_dma source(%dma_start3A_155 : memref<10000x128xf32, #tpu.memory_space<hbm>>) target(%arg13 : memref<128x128xf32, #tpu.memory_space<vmem>>) offsets(%dma_start3A_152 : memref<128xi32, #tpu.memory_space<vmem>>) semaphore(%arg15 : memref<!tpu.dma_semaphore, #tpu.memory_space<semaphore_mem>>)
      %mul3A_156 = arith.constant 16 : i32
      %mul3A_157 = arith.muli %mul3A_156, %scan3A_47 : i32
      %add3A_158 = arith.constant 6 : i32
      %add3A_159 = arith.addi %mul3A_157, %add3A_158 : i32
      %dma_wait3A_160 = arith.constant 6 : i32
      %dma_wait3A_161 = arith.constant 0 : i32
      %dma_wait3A_162 = tpu.memref_slice %arg7[%dma_wait3A_160, %dma_wait3A_161] : memref<8x128xi32, #tpu.memory_space<vmem>> -> memref<1x128xi32, #tpu.memory_space<vmem>>
      %dma_wait3A_163 = tpu.memref_squeeze %dma_wait3A_162 : memref<1x128xi32, #tpu.memory_space<vmem>> -> memref<128xi32, #tpu.memory_space<vmem>>
      %dma_wait3A_164 = arith.constant 0 : i32
      %dma_wait3A_165 = arith.constant 0 : i32
      %dma_wait3A_166 = tpu.memref_slice %arg2[%dma_wait3A_164, %dma_wait3A_165] : memref<10000x128xf32, #tpu.memory_space<hbm>> -> memref<10000x128xf32, #tpu.memory_space<hbm>>
      tpu.wait_indirect_dma semaphore(%arg14 : memref<!tpu.dma_semaphore, #tpu.memory_space<semaphore_mem>>) src(%dma_wait3A_166 : memref<10000x128xf32, #tpu.memory_space<hbm>>) dst(%arg12 : memref<128x128xf32, #tpu.memory_space<vmem>>)
      "tpu.region"() ({
        %run_scoped3A = tpu.sem_alloc : memref<!tpu.dma_semaphore, #tpu.memory_space<semaphore_mem>>
        %dma_start3A_360 = arith.constant 0 : i32
        %dma_start3A_361 = tpu.memref_slice %arg11[%add3A_159, %dma_start3A_360] : memref<80x128xi32, #tpu.memory_space<vmem>> -> memref<1x128xi32, #tpu.memory_space<vmem>>
        %dma_start3A_362 = tpu.memref_squeeze %dma_start3A_361 : memref<1x128xi32, #tpu.memory_space<vmem>> -> memref<128xi32, #tpu.memory_space<vmem>>
        %dma_start3A_363 = arith.constant 0 : i32
        %dma_start3A_364 = arith.constant 0 : i32
        %dma_start3A_365 = tpu.memref_slice %arg16[%dma_start3A_363, %dma_start3A_364] : memref<10240x128xf32, #tpu.memory_space<vmem_shared>> -> memref<10240x128xf32, #tpu.memory_space<vmem_shared>>
        tpu.enqueue_indirect_dma source(%arg12 : memref<128x128xf32, #tpu.memory_space<vmem>>) target(%dma_start3A_365 : memref<10240x128xf32, #tpu.memory_space<vmem_shared>>) offsets(%dma_start3A_362 : memref<128xi32, #tpu.memory_space<vmem>>) semaphore(%run_scoped3A : memref<!tpu.dma_semaphore, #tpu.memory_space<semaphore_mem>>) {add = true}
        %dma_wait3A_366 = arith.constant 0 : i32
        %dma_wait3A_367 = tpu.memref_slice %arg11[%add3A_159, %dma_wait3A_366] : memref<80x128xi32, #tpu.memory_space<vmem>> -> memref<1x128xi32, #tpu.memory_space<vmem>>
        %dma_wait3A_368 = tpu.memref_squeeze %dma_wait3A_367 : memref<1x128xi32, #tpu.memory_space<vmem>> -> memref<128xi32, #tpu.memory_space<vmem>>
        %dma_wait3A_369 = arith.constant 0 : i32
        %dma_wait3A_370 = arith.constant 0 : i32
        %dma_wait3A_371 = tpu.memref_slice %arg16[%dma_wait3A_369, %dma_wait3A_370] : memref<10240x128xf32, #tpu.memory_space<vmem_shared>> -> memref<10240x128xf32, #tpu.memory_space<vmem_shared>>
        tpu.wait_indirect_dma semaphore(%run_scoped3A : memref<!tpu.dma_semaphore, #tpu.memory_space<semaphore_mem>>) src(%arg12 : memref<128x128xf32, #tpu.memory_space<vmem>>) dst(%dma_wait3A_371 : memref<10240x128xf32, #tpu.memory_space<vmem_shared>>)
        tpu.yield
      }) : () -> ()
      %mul3A_167 = arith.constant 2 : i32
      %mul3A_168 = arith.muli %mul3A_167, %scan3A_47 : i32
      %add3A_169 = arith.constant 1 : i32
      %add3A_170 = arith.addi %mul3A_168, %add3A_169 : i32
      %lt3A = arith.constant 10 : i32
      %lt3A_171 = arith.cmpi slt, %add3A_170, %lt3A : i32
      %convert_element_type3A = arith.extui %lt3A_171 : i1 to i32
      %cond3A = arith.constant 0 : i32
      %cond3A_172 = arith.cmpi ne, %convert_element_type3A, %cond3A : i32
      scf.if %cond3A_172 {
        %mul3A_360 = arith.constant 2 : i32
        %mul3A_361 = arith.muli %mul3A_360, %scan3A_47 : i32
        %add3A_362 = arith.constant 1 : i32
        %add3A_363 = arith.addi %mul3A_361, %add3A_362 : i32
        %mul3A_364 = arith.constant 8 : i32
        %mul3A_365 = arith.muli %add3A_363, %mul3A_364 : i32
        %add3A_366 = arith.addi %mul3A_6, %mul3A_365 : i32
        %dma_wait3A_367 = arith.constant 0 : i32
        %dma_wait3A_368 = tpu.memref_slice %arg3[%add3A_366, %dma_wait3A_367] : memref<2560x128xi32, #tpu.memory_space<hbm>> -> memref<8x128xi32, #tpu.memory_space<hbm>>
        %dma_wait3A_369 = arith.constant 0 : i32
        %dma_wait3A_370 = tpu.memref_slice %arg3[%add3A_366, %dma_wait3A_369] : memref<2560x128xi32, #tpu.memory_space<hbm>> -> memref<8x128xi32, #tpu.memory_space<hbm>>
        tpu.wait_dma2 semaphore(%arg10 : memref<!tpu.dma_semaphore, #tpu.memory_space<semaphore_mem>>) src(%dma_wait3A_370 : memref<8x128xi32, #tpu.memory_space<hbm>>) dst(%arg8 : memref<8x128xi32, #tpu.memory_space<vmem>>)
      } else {
      }
      %dma_start3A_173 = arith.constant 0 : i32
      %dma_start3A_174 = arith.constant 0 : i32
      %dma_start3A_175 = tpu.memref_slice %arg8[%dma_start3A_173, %dma_start3A_174] : memref<8x128xi32, #tpu.memory_space<vmem>> -> memref<1x128xi32, #tpu.memory_space<vmem>>
      %dma_start3A_176 = tpu.memref_squeeze %dma_start3A_175 : memref<1x128xi32, #tpu.memory_space<vmem>> -> memref<128xi32, #tpu.memory_space<vmem>>
      %dma_start3A_177 = arith.constant 0 : i32
      %dma_start3A_178 = arith.constant 0 : i32
      %dma_start3A_179 = tpu.memref_slice %arg2[%dma_start3A_177, %dma_start3A_178] : memref<10000x128xf32, #tpu.memory_space<hbm>> -> memref<10000x128xf32, #tpu.memory_space<hbm>>
      tpu.enqueue_indirect_dma source(%dma_start3A_179 : memref<10000x128xf32, #tpu.memory_space<hbm>>) target(%arg12 : memref<128x128xf32, #tpu.memory_space<vmem>>) offsets(%dma_start3A_176 : memref<128xi32, #tpu.memory_space<vmem>>) semaphore(%arg14 : memref<!tpu.dma_semaphore, #tpu.memory_space<semaphore_mem>>)
      %mul3A_180 = arith.constant 16 : i32
      %mul3A_181 = arith.muli %mul3A_180, %scan3A_47 : i32
      %add3A_182 = arith.constant 7 : i32
      %add3A_183 = arith.addi %mul3A_181, %add3A_182 : i32
      %dma_wait3A_184 = arith.constant 7 : i32
      %dma_wait3A_185 = arith.constant 0 : i32
      %dma_wait3A_186 = tpu.memref_slice %arg7[%dma_wait3A_184, %dma_wait3A_185] : memref<8x128xi32, #tpu.memory_space<vmem>> -> memref<1x128xi32, #tpu.memory_space<vmem>>
      %dma_wait3A_187 = tpu.memref_squeeze %dma_wait3A_186 : memref<1x128xi32, #tpu.memory_space<vmem>> -> memref<128xi32, #tpu.memory_space<vmem>>
      %dma_wait3A_188 = arith.constant 0 : i32
      %dma_wait3A_189 = arith.constant 0 : i32
      %dma_wait3A_190 = tpu.memref_slice %arg2[%dma_wait3A_188, %dma_wait3A_189] : memref<10000x128xf32, #tpu.memory_space<hbm>> -> memref<10000x128xf32, #tpu.memory_space<hbm>>
      tpu.wait_indirect_dma semaphore(%arg15 : memref<!tpu.dma_semaphore, #tpu.memory_space<semaphore_mem>>) src(%dma_wait3A_190 : memref<10000x128xf32, #tpu.memory_space<hbm>>) dst(%arg13 : memref<128x128xf32, #tpu.memory_space<vmem>>)
      "tpu.region"() ({
        %run_scoped3A = tpu.sem_alloc : memref<!tpu.dma_semaphore, #tpu.memory_space<semaphore_mem>>
        %dma_start3A_360 = arith.constant 0 : i32
        %dma_start3A_361 = tpu.memref_slice %arg11[%add3A_183, %dma_start3A_360] : memref<80x128xi32, #tpu.memory_space<vmem>> -> memref<1x128xi32, #tpu.memory_space<vmem>>
        %dma_start3A_362 = tpu.memref_squeeze %dma_start3A_361 : memref<1x128xi32, #tpu.memory_space<vmem>> -> memref<128xi32, #tpu.memory_space<vmem>>
        %dma_start3A_363 = arith.constant 0 : i32
        %dma_start3A_364 = arith.constant 0 : i32
        %dma_start3A_365 = tpu.memref_slice %arg16[%dma_start3A_363, %dma_start3A_364] : memref<10240x128xf32, #tpu.memory_space<vmem_shared>> -> memref<10240x128xf32, #tpu.memory_space<vmem_shared>>
        tpu.enqueue_indirect_dma source(%arg13 : memref<128x128xf32, #tpu.memory_space<vmem>>) target(%dma_start3A_365 : memref<10240x128xf32, #tpu.memory_space<vmem_shared>>) offsets(%dma_start3A_362 : memref<128xi32, #tpu.memory_space<vmem>>) semaphore(%run_scoped3A : memref<!tpu.dma_semaphore, #tpu.memory_space<semaphore_mem>>) {add = true}
        %dma_wait3A_366 = arith.constant 0 : i32
        %dma_wait3A_367 = tpu.memref_slice %arg11[%add3A_183, %dma_wait3A_366] : memref<80x128xi32, #tpu.memory_space<vmem>> -> memref<1x128xi32, #tpu.memory_space<vmem>>
        %dma_wait3A_368 = tpu.memref_squeeze %dma_wait3A_367 : memref<1x128xi32, #tpu.memory_space<vmem>> -> memref<128xi32, #tpu.memory_space<vmem>>
        %dma_wait3A_369 = arith.constant 0 : i32
        %dma_wait3A_370 = arith.constant 0 : i32
        %dma_wait3A_371 = tpu.memref_slice %arg16[%dma_wait3A_369, %dma_wait3A_370] : memref<10240x128xf32, #tpu.memory_space<vmem_shared>> -> memref<10240x128xf32, #tpu.memory_space<vmem_shared>>
        tpu.wait_indirect_dma semaphore(%run_scoped3A : memref<!tpu.dma_semaphore, #tpu.memory_space<semaphore_mem>>) src(%arg13 : memref<128x128xf32, #tpu.memory_space<vmem>>) dst(%dma_wait3A_371 : memref<10240x128xf32, #tpu.memory_space<vmem_shared>>)
        tpu.yield
      }) : () -> ()
      %dma_start3A_191 = arith.constant 1 : i32
      %dma_start3A_192 = arith.constant 0 : i32
      %dma_start3A_193 = tpu.memref_slice %arg8[%dma_start3A_191, %dma_start3A_192] : memref<8x128xi32, #tpu.memory_space<vmem>> -> memref<1x128xi32, #tpu.memory_space<vmem>>
      %dma_start3A_194 = tpu.memref_squeeze %dma_start3A_193 : memref<1x128xi32, #tpu.memory_space<vmem>> -> memref<128xi32, #tpu.memory_space<vmem>>
      %dma_start3A_195 = arith.constant 0 : i32
      %dma_start3A_196 = arith.constant 0 : i32
      %dma_start3A_197 = tpu.memref_slice %arg2[%dma_start3A_195, %dma_start3A_196] : memref<10000x128xf32, #tpu.memory_space<hbm>> -> memref<10000x128xf32, #tpu.memory_space<hbm>>
      tpu.enqueue_indirect_dma source(%dma_start3A_197 : memref<10000x128xf32, #tpu.memory_space<hbm>>) target(%arg13 : memref<128x128xf32, #tpu.memory_space<vmem>>) offsets(%dma_start3A_194 : memref<128xi32, #tpu.memory_space<vmem>>) semaphore(%arg15 : memref<!tpu.dma_semaphore, #tpu.memory_space<semaphore_mem>>)
      %mul3A_198 = arith.constant 2 : i32
      %mul3A_199 = arith.muli %mul3A_198, %scan3A_47 : i32
      %add3A_200 = arith.constant 2 : i32
      %add3A_201 = arith.addi %mul3A_199, %add3A_200 : i32
      %lt3A_202 = arith.constant 10 : i32
      %lt3A_203 = arith.cmpi slt, %add3A_201, %lt3A_202 : i32
      %convert_element_type3A_204 = arith.extui %lt3A_203 : i1 to i32
      %cond3A_205 = arith.constant 0 : i32
      %cond3A_206 = arith.cmpi ne, %convert_element_type3A_204, %cond3A_205 : i32
      scf.if %cond3A_206 {
        %mul3A_360 = arith.constant 2 : i32
        %mul3A_361 = arith.muli %mul3A_360, %scan3A_47 : i32
        %add3A_362 = arith.constant 2 : i32
        %add3A_363 = arith.addi %mul3A_361, %add3A_362 : i32
        %mul3A_364 = arith.constant 8 : i32
        %mul3A_365 = arith.muli %add3A_363, %mul3A_364 : i32
        %add3A_366 = arith.addi %mul3A_6, %mul3A_365 : i32
        %dma_start3A_367 = arith.constant 0 : i32
        %dma_start3A_368 = tpu.memref_slice %arg3[%add3A_366, %dma_start3A_367] : memref<2560x128xi32, #tpu.memory_space<hbm>> -> memref<8x128xi32, #tpu.memory_space<hbm>>
        %dma_start3A_369 = arith.constant 0 : i32
        %dma_start3A_370 = tpu.memref_slice %arg3[%add3A_366, %dma_start3A_369] : memref<2560x128xi32, #tpu.memory_space<hbm>> -> memref<8x128xi32, #tpu.memory_space<hbm>>
        tpu.enqueue_dma source(%dma_start3A_370 : memref<8x128xi32, #tpu.memory_space<hbm>>) target(%arg7 : memref<8x128xi32, #tpu.memory_space<vmem>>) target_semaphore(%arg9 : memref<!tpu.dma_semaphore, #tpu.memory_space<semaphore_mem>>)
      } else {
      }
      %mul3A_207 = arith.constant 16 : i32
      %mul3A_208 = arith.muli %mul3A_207, %scan3A_47 : i32
      %add3A_209 = arith.constant 8 : i32
      %add3A_210 = arith.addi %mul3A_208, %add3A_209 : i32
      %dma_wait3A_211 = arith.constant 0 : i32
      %dma_wait3A_212 = arith.constant 0 : i32
      %dma_wait3A_213 = tpu.memref_slice %arg8[%dma_wait3A_211, %dma_wait3A_212] : memref<8x128xi32, #tpu.memory_space<vmem>> -> memref<1x128xi32, #tpu.memory_space<vmem>>
      %dma_wait3A_214 = tpu.memref_squeeze %dma_wait3A_213 : memref<1x128xi32, #tpu.memory_space<vmem>> -> memref<128xi32, #tpu.memory_space<vmem>>
      %dma_wait3A_215 = arith.constant 0 : i32
      %dma_wait3A_216 = arith.constant 0 : i32
      %dma_wait3A_217 = tpu.memref_slice %arg2[%dma_wait3A_215, %dma_wait3A_216] : memref<10000x128xf32, #tpu.memory_space<hbm>> -> memref<10000x128xf32, #tpu.memory_space<hbm>>
      tpu.wait_indirect_dma semaphore(%arg14 : memref<!tpu.dma_semaphore, #tpu.memory_space<semaphore_mem>>) src(%dma_wait3A_217 : memref<10000x128xf32, #tpu.memory_space<hbm>>) dst(%arg12 : memref<128x128xf32, #tpu.memory_space<vmem>>)
      "tpu.region"() ({
        %run_scoped3A = tpu.sem_alloc : memref<!tpu.dma_semaphore, #tpu.memory_space<semaphore_mem>>
        %dma_start3A_360 = arith.constant 0 : i32
        %dma_start3A_361 = tpu.memref_slice %arg11[%add3A_210, %dma_start3A_360] : memref<80x128xi32, #tpu.memory_space<vmem>> -> memref<1x128xi32, #tpu.memory_space<vmem>>
        %dma_start3A_362 = tpu.memref_squeeze %dma_start3A_361 : memref<1x128xi32, #tpu.memory_space<vmem>> -> memref<128xi32, #tpu.memory_space<vmem>>
        %dma_start3A_363 = arith.constant 0 : i32
        %dma_start3A_364 = arith.constant 0 : i32
        %dma_start3A_365 = tpu.memref_slice %arg16[%dma_start3A_363, %dma_start3A_364] : memref<10240x128xf32, #tpu.memory_space<vmem_shared>> -> memref<10240x128xf32, #tpu.memory_space<vmem_shared>>
        tpu.enqueue_indirect_dma source(%arg12 : memref<128x128xf32, #tpu.memory_space<vmem>>) target(%dma_start3A_365 : memref<10240x128xf32, #tpu.memory_space<vmem_shared>>) offsets(%dma_start3A_362 : memref<128xi32, #tpu.memory_space<vmem>>) semaphore(%run_scoped3A : memref<!tpu.dma_semaphore, #tpu.memory_space<semaphore_mem>>) {add = true}
        %dma_wait3A_366 = arith.constant 0 : i32
        %dma_wait3A_367 = tpu.memref_slice %arg11[%add3A_210, %dma_wait3A_366] : memref<80x128xi32, #tpu.memory_space<vmem>> -> memref<1x128xi32, #tpu.memory_space<vmem>>
        %dma_wait3A_368 = tpu.memref_squeeze %dma_wait3A_367 : memref<1x128xi32, #tpu.memory_space<vmem>> -> memref<128xi32, #tpu.memory_space<vmem>>
        %dma_wait3A_369 = arith.constant 0 : i32
        %dma_wait3A_370 = arith.constant 0 : i32
        %dma_wait3A_371 = tpu.memref_slice %arg16[%dma_wait3A_369, %dma_wait3A_370] : memref<10240x128xf32, #tpu.memory_space<vmem_shared>> -> memref<10240x128xf32, #tpu.memory_space<vmem_shared>>
        tpu.wait_indirect_dma semaphore(%run_scoped3A : memref<!tpu.dma_semaphore, #tpu.memory_space<semaphore_mem>>) src(%arg12 : memref<128x128xf32, #tpu.memory_space<vmem>>) dst(%dma_wait3A_371 : memref<10240x128xf32, #tpu.memory_space<vmem_shared>>)
        tpu.yield
      }) : () -> ()
      %dma_start3A_218 = arith.constant 2 : i32
      %dma_start3A_219 = arith.constant 0 : i32
      %dma_start3A_220 = tpu.memref_slice %arg8[%dma_start3A_218, %dma_start3A_219] : memref<8x128xi32, #tpu.memory_space<vmem>> -> memref<1x128xi32, #tpu.memory_space<vmem>>
      %dma_start3A_221 = tpu.memref_squeeze %dma_start3A_220 : memref<1x128xi32, #tpu.memory_space<vmem>> -> memref<128xi32, #tpu.memory_space<vmem>>
      %dma_start3A_222 = arith.constant 0 : i32
      %dma_start3A_223 = arith.constant 0 : i32
      %dma_start3A_224 = tpu.memref_slice %arg2[%dma_start3A_222, %dma_start3A_223] : memref<10000x128xf32, #tpu.memory_space<hbm>> -> memref<10000x128xf32, #tpu.memory_space<hbm>>
      tpu.enqueue_indirect_dma source(%dma_start3A_224 : memref<10000x128xf32, #tpu.memory_space<hbm>>) target(%arg12 : memref<128x128xf32, #tpu.memory_space<vmem>>) offsets(%dma_start3A_221 : memref<128xi32, #tpu.memory_space<vmem>>) semaphore(%arg14 : memref<!tpu.dma_semaphore, #tpu.memory_space<semaphore_mem>>)
      %mul3A_225 = arith.constant 16 : i32
      %mul3A_226 = arith.muli %mul3A_225, %scan3A_47 : i32
      %add3A_227 = arith.constant 9 : i32
      %add3A_228 = arith.addi %mul3A_226, %add3A_227 : i32
      %dma_wait3A_229 = arith.constant 1 : i32
      %dma_wait3A_230 = arith.constant 0 : i32
      %dma_wait3A_231 = tpu.memref_slice %arg8[%dma_wait3A_229, %dma_wait3A_230] : memref<8x128xi32, #tpu.memory_space<vmem>> -> memref<1x128xi32, #tpu.memory_space<vmem>>
      %dma_wait3A_232 = tpu.memref_squeeze %dma_wait3A_231 : memref<1x128xi32, #tpu.memory_space<vmem>> -> memref<128xi32, #tpu.memory_space<vmem>>
      %dma_wait3A_233 = arith.constant 0 : i32
      %dma_wait3A_234 = arith.constant 0 : i32
      %dma_wait3A_235 = tpu.memref_slice %arg2[%dma_wait3A_233, %dma_wait3A_234] : memref<10000x128xf32, #tpu.memory_space<hbm>> -> memref<10000x128xf32, #tpu.memory_space<hbm>>
      tpu.wait_indirect_dma semaphore(%arg15 : memref<!tpu.dma_semaphore, #tpu.memory_space<semaphore_mem>>) src(%dma_wait3A_235 : memref<10000x128xf32, #tpu.memory_space<hbm>>) dst(%arg13 : memref<128x128xf32, #tpu.memory_space<vmem>>)
      "tpu.region"() ({
        %run_scoped3A = tpu.sem_alloc : memref<!tpu.dma_semaphore, #tpu.memory_space<semaphore_mem>>
        %dma_start3A_360 = arith.constant 0 : i32
        %dma_start3A_361 = tpu.memref_slice %arg11[%add3A_228, %dma_start3A_360] : memref<80x128xi32, #tpu.memory_space<vmem>> -> memref<1x128xi32, #tpu.memory_space<vmem>>
        %dma_start3A_362 = tpu.memref_squeeze %dma_start3A_361 : memref<1x128xi32, #tpu.memory_space<vmem>> -> memref<128xi32, #tpu.memory_space<vmem>>
        %dma_start3A_363 = arith.constant 0 : i32
        %dma_start3A_364 = arith.constant 0 : i32
        %dma_start3A_365 = tpu.memref_slice %arg16[%dma_start3A_363, %dma_start3A_364] : memref<10240x128xf32, #tpu.memory_space<vmem_shared>> -> memref<10240x128xf32, #tpu.memory_space<vmem_shared>>
        tpu.enqueue_indirect_dma source(%arg13 : memref<128x128xf32, #tpu.memory_space<vmem>>) target(%dma_start3A_365 : memref<10240x128xf32, #tpu.memory_space<vmem_shared>>) offsets(%dma_start3A_362 : memref<128xi32, #tpu.memory_space<vmem>>) semaphore(%run_scoped3A : memref<!tpu.dma_semaphore, #tpu.memory_space<semaphore_mem>>) {add = true}
        %dma_wait3A_366 = arith.constant 0 : i32
        %dma_wait3A_367 = tpu.memref_slice %arg11[%add3A_228, %dma_wait3A_366] : memref<80x128xi32, #tpu.memory_space<vmem>> -> memref<1x128xi32, #tpu.memory_space<vmem>>
        %dma_wait3A_368 = tpu.memref_squeeze %dma_wait3A_367 : memref<1x128xi32, #tpu.memory_space<vmem>> -> memref<128xi32, #tpu.memory_space<vmem>>
        %dma_wait3A_369 = arith.constant 0 : i32
        %dma_wait3A_370 = arith.constant 0 : i32
        %dma_wait3A_371 = tpu.memref_slice %arg16[%dma_wait3A_369, %dma_wait3A_370] : memref<10240x128xf32, #tpu.memory_space<vmem_shared>> -> memref<10240x128xf32, #tpu.memory_space<vmem_shared>>
        tpu.wait_indirect_dma semaphore(%run_scoped3A : memref<!tpu.dma_semaphore, #tpu.memory_space<semaphore_mem>>) src(%arg13 : memref<128x128xf32, #tpu.memory_space<vmem>>) dst(%dma_wait3A_371 : memref<10240x128xf32, #tpu.memory_space<vmem_shared>>)
        tpu.yield
      }) : () -> ()
      %dma_start3A_236 = arith.constant 3 : i32
      %dma_start3A_237 = arith.constant 0 : i32
      %dma_start3A_238 = tpu.memref_slice %arg8[%dma_start3A_236, %dma_start3A_237] : memref<8x128xi32, #tpu.memory_space<vmem>> -> memref<1x128xi32, #tpu.memory_space<vmem>>
      %dma_start3A_239 = tpu.memref_squeeze %dma_start3A_238 : memref<1x128xi32, #tpu.memory_space<vmem>> -> memref<128xi32, #tpu.memory_space<vmem>>
      %dma_start3A_240 = arith.constant 0 : i32
      %dma_start3A_241 = arith.constant 0 : i32
      %dma_start3A_242 = tpu.memref_slice %arg2[%dma_start3A_240, %dma_start3A_241] : memref<10000x128xf32, #tpu.memory_space<hbm>> -> memref<10000x128xf32, #tpu.memory_space<hbm>>
      tpu.enqueue_indirect_dma source(%dma_start3A_242 : memref<10000x128xf32, #tpu.memory_space<hbm>>) target(%arg13 : memref<128x128xf32, #tpu.memory_space<vmem>>) offsets(%dma_start3A_239 : memref<128xi32, #tpu.memory_space<vmem>>) semaphore(%arg15 : memref<!tpu.dma_semaphore, #tpu.memory_space<semaphore_mem>>)
      %mul3A_243 = arith.constant 16 : i32
      %mul3A_244 = arith.muli %mul3A_243, %scan3A_47 : i32
      %add3A_245 = arith.constant 10 : i32
      %add3A_246 = arith.addi %mul3A_244, %add3A_245 : i32
      %dma_wait3A_247 = arith.constant 2 : i32
      %dma_wait3A_248 = arith.constant 0 : i32
      %dma_wait3A_249 = tpu.memref_slice %arg8[%dma_wait3A_247, %dma_wait3A_248] : memref<8x128xi32, #tpu.memory_space<vmem>> -> memref<1x128xi32, #tpu.memory_space<vmem>>
      %dma_wait3A_250 = tpu.memref_squeeze %dma_wait3A_249 : memref<1x128xi32, #tpu.memory_space<vmem>> -> memref<128xi32, #tpu.memory_space<vmem>>
      %dma_wait3A_251 = arith.constant 0 : i32
      %dma_wait3A_252 = arith.constant 0 : i32
      %dma_wait3A_253 = tpu.memref_slice %arg2[%dma_wait3A_251, %dma_wait3A_252] : memref<10000x128xf32, #tpu.memory_space<hbm>> -> memref<10000x128xf32, #tpu.memory_space<hbm>>
      tpu.wait_indirect_dma semaphore(%arg14 : memref<!tpu.dma_semaphore, #tpu.memory_space<semaphore_mem>>) src(%dma_wait3A_253 : memref<10000x128xf32, #tpu.memory_space<hbm>>) dst(%arg12 : memref<128x128xf32, #tpu.memory_space<vmem>>)
      "tpu.region"() ({
        %run_scoped3A = tpu.sem_alloc : memref<!tpu.dma_semaphore, #tpu.memory_space<semaphore_mem>>
        %dma_start3A_360 = arith.constant 0 : i32
        %dma_start3A_361 = tpu.memref_slice %arg11[%add3A_246, %dma_start3A_360] : memref<80x128xi32, #tpu.memory_space<vmem>> -> memref<1x128xi32, #tpu.memory_space<vmem>>
        %dma_start3A_362 = tpu.memref_squeeze %dma_start3A_361 : memref<1x128xi32, #tpu.memory_space<vmem>> -> memref<128xi32, #tpu.memory_space<vmem>>
        %dma_start3A_363 = arith.constant 0 : i32
        %dma_start3A_364 = arith.constant 0 : i32
        %dma_start3A_365 = tpu.memref_slice %arg16[%dma_start3A_363, %dma_start3A_364] : memref<10240x128xf32, #tpu.memory_space<vmem_shared>> -> memref<10240x128xf32, #tpu.memory_space<vmem_shared>>
        tpu.enqueue_indirect_dma source(%arg12 : memref<128x128xf32, #tpu.memory_space<vmem>>) target(%dma_start3A_365 : memref<10240x128xf32, #tpu.memory_space<vmem_shared>>) offsets(%dma_start3A_362 : memref<128xi32, #tpu.memory_space<vmem>>) semaphore(%run_scoped3A : memref<!tpu.dma_semaphore, #tpu.memory_space<semaphore_mem>>) {add = true}
        %dma_wait3A_366 = arith.constant 0 : i32
        %dma_wait3A_367 = tpu.memref_slice %arg11[%add3A_246, %dma_wait3A_366] : memref<80x128xi32, #tpu.memory_space<vmem>> -> memref<1x128xi32, #tpu.memory_space<vmem>>
        %dma_wait3A_368 = tpu.memref_squeeze %dma_wait3A_367 : memref<1x128xi32, #tpu.memory_space<vmem>> -> memref<128xi32, #tpu.memory_space<vmem>>
        %dma_wait3A_369 = arith.constant 0 : i32
        %dma_wait3A_370 = arith.constant 0 : i32
        %dma_wait3A_371 = tpu.memref_slice %arg16[%dma_wait3A_369, %dma_wait3A_370] : memref<10240x128xf32, #tpu.memory_space<vmem_shared>> -> memref<10240x128xf32, #tpu.memory_space<vmem_shared>>
        tpu.wait_indirect_dma semaphore(%run_scoped3A : memref<!tpu.dma_semaphore, #tpu.memory_space<semaphore_mem>>) src(%arg12 : memref<128x128xf32, #tpu.memory_space<vmem>>) dst(%dma_wait3A_371 : memref<10240x128xf32, #tpu.memory_space<vmem_shared>>)
        tpu.yield
      }) : () -> ()
      %dma_start3A_254 = arith.constant 4 : i32
      %dma_start3A_255 = arith.constant 0 : i32
      %dma_start3A_256 = tpu.memref_slice %arg8[%dma_start3A_254, %dma_start3A_255] : memref<8x128xi32, #tpu.memory_space<vmem>> -> memref<1x128xi32, #tpu.memory_space<vmem>>
      %dma_start3A_257 = tpu.memref_squeeze %dma_start3A_256 : memref<1x128xi32, #tpu.memory_space<vmem>> -> memref<128xi32, #tpu.memory_space<vmem>>
      %dma_start3A_258 = arith.constant 0 : i32
      %dma_start3A_259 = arith.constant 0 : i32
      %dma_start3A_260 = tpu.memref_slice %arg2[%dma_start3A_258, %dma_start3A_259] : memref<10000x128xf32, #tpu.memory_space<hbm>> -> memref<10000x128xf32, #tpu.memory_space<hbm>>
      tpu.enqueue_indirect_dma source(%dma_start3A_260 : memref<10000x128xf32, #tpu.memory_space<hbm>>) target(%arg12 : memref<128x128xf32, #tpu.memory_space<vmem>>) offsets(%dma_start3A_257 : memref<128xi32, #tpu.memory_space<vmem>>) semaphore(%arg14 : memref<!tpu.dma_semaphore, #tpu.memory_space<semaphore_mem>>)
      %mul3A_261 = arith.constant 16 : i32
      %mul3A_262 = arith.muli %mul3A_261, %scan3A_47 : i32
      %add3A_263 = arith.constant 11 : i32
      %add3A_264 = arith.addi %mul3A_262, %add3A_263 : i32
      %dma_wait3A_265 = arith.constant 3 : i32
      %dma_wait3A_266 = arith.constant 0 : i32
      %dma_wait3A_267 = tpu.memref_slice %arg8[%dma_wait3A_265, %dma_wait3A_266] : memref<8x128xi32, #tpu.memory_space<vmem>> -> memref<1x128xi32, #tpu.memory_space<vmem>>
      %dma_wait3A_268 = tpu.memref_squeeze %dma_wait3A_267 : memref<1x128xi32, #tpu.memory_space<vmem>> -> memref<128xi32, #tpu.memory_space<vmem>>
      %dma_wait3A_269 = arith.constant 0 : i32
      %dma_wait3A_270 = arith.constant 0 : i32
      %dma_wait3A_271 = tpu.memref_slice %arg2[%dma_wait3A_269, %dma_wait3A_270] : memref<10000x128xf32, #tpu.memory_space<hbm>> -> memref<10000x128xf32, #tpu.memory_space<hbm>>
      tpu.wait_indirect_dma semaphore(%arg15 : memref<!tpu.dma_semaphore, #tpu.memory_space<semaphore_mem>>) src(%dma_wait3A_271 : memref<10000x128xf32, #tpu.memory_space<hbm>>) dst(%arg13 : memref<128x128xf32, #tpu.memory_space<vmem>>)
      "tpu.region"() ({
        %run_scoped3A = tpu.sem_alloc : memref<!tpu.dma_semaphore, #tpu.memory_space<semaphore_mem>>
        %dma_start3A_360 = arith.constant 0 : i32
        %dma_start3A_361 = tpu.memref_slice %arg11[%add3A_264, %dma_start3A_360] : memref<80x128xi32, #tpu.memory_space<vmem>> -> memref<1x128xi32, #tpu.memory_space<vmem>>
        %dma_start3A_362 = tpu.memref_squeeze %dma_start3A_361 : memref<1x128xi32, #tpu.memory_space<vmem>> -> memref<128xi32, #tpu.memory_space<vmem>>
        %dma_start3A_363 = arith.constant 0 : i32
        %dma_start3A_364 = arith.constant 0 : i32
        %dma_start3A_365 = tpu.memref_slice %arg16[%dma_start3A_363, %dma_start3A_364] : memref<10240x128xf32, #tpu.memory_space<vmem_shared>> -> memref<10240x128xf32, #tpu.memory_space<vmem_shared>>
        tpu.enqueue_indirect_dma source(%arg13 : memref<128x128xf32, #tpu.memory_space<vmem>>) target(%dma_start3A_365 : memref<10240x128xf32, #tpu.memory_space<vmem_shared>>) offsets(%dma_start3A_362 : memref<128xi32, #tpu.memory_space<vmem>>) semaphore(%run_scoped3A : memref<!tpu.dma_semaphore, #tpu.memory_space<semaphore_mem>>) {add = true}
        %dma_wait3A_366 = arith.constant 0 : i32
        %dma_wait3A_367 = tpu.memref_slice %arg11[%add3A_264, %dma_wait3A_366] : memref<80x128xi32, #tpu.memory_space<vmem>> -> memref<1x128xi32, #tpu.memory_space<vmem>>
        %dma_wait3A_368 = tpu.memref_squeeze %dma_wait3A_367 : memref<1x128xi32, #tpu.memory_space<vmem>> -> memref<128xi32, #tpu.memory_space<vmem>>
        %dma_wait3A_369 = arith.constant 0 : i32
        %dma_wait3A_370 = arith.constant 0 : i32
        %dma_wait3A_371 = tpu.memref_slice %arg16[%dma_wait3A_369, %dma_wait3A_370] : memref<10240x128xf32, #tpu.memory_space<vmem_shared>> -> memref<10240x128xf32, #tpu.memory_space<vmem_shared>>
        tpu.wait_indirect_dma semaphore(%run_scoped3A : memref<!tpu.dma_semaphore, #tpu.memory_space<semaphore_mem>>) src(%arg13 : memref<128x128xf32, #tpu.memory_space<vmem>>) dst(%dma_wait3A_371 : memref<10240x128xf32, #tpu.memory_space<vmem_shared>>)
        tpu.yield
      }) : () -> ()
      %dma_start3A_272 = arith.constant 5 : i32
      %dma_start3A_273 = arith.constant 0 : i32
      %dma_start3A_274 = tpu.memref_slice %arg8[%dma_start3A_272, %dma_start3A_273] : memref<8x128xi32, #tpu.memory_space<vmem>> -> memref<1x128xi32, #tpu.memory_space<vmem>>
      %dma_start3A_275 = tpu.memref_squeeze %dma_start3A_274 : memref<1x128xi32, #tpu.memory_space<vmem>> -> memref<128xi32, #tpu.memory_space<vmem>>
      %dma_start3A_276 = arith.constant 0 : i32
      %dma_start3A_277 = arith.constant 0 : i32
      %dma_start3A_278 = tpu.memref_slice %arg2[%dma_start3A_276, %dma_start3A_277] : memref<10000x128xf32, #tpu.memory_space<hbm>> -> memref<10000x128xf32, #tpu.memory_space<hbm>>
      tpu.enqueue_indirect_dma source(%dma_start3A_278 : memref<10000x128xf32, #tpu.memory_space<hbm>>) target(%arg13 : memref<128x128xf32, #tpu.memory_space<vmem>>) offsets(%dma_start3A_275 : memref<128xi32, #tpu.memory_space<vmem>>) semaphore(%arg15 : memref<!tpu.dma_semaphore, #tpu.memory_space<semaphore_mem>>)
      %mul3A_279 = arith.constant 16 : i32
      %mul3A_280 = arith.muli %mul3A_279, %scan3A_47 : i32
      %add3A_281 = arith.constant 12 : i32
      %add3A_282 = arith.addi %mul3A_280, %add3A_281 : i32
      %dma_wait3A_283 = arith.constant 4 : i32
      %dma_wait3A_284 = arith.constant 0 : i32
      %dma_wait3A_285 = tpu.memref_slice %arg8[%dma_wait3A_283, %dma_wait3A_284] : memref<8x128xi32, #tpu.memory_space<vmem>> -> memref<1x128xi32, #tpu.memory_space<vmem>>
      %dma_wait3A_286 = tpu.memref_squeeze %dma_wait3A_285 : memref<1x128xi32, #tpu.memory_space<vmem>> -> memref<128xi32, #tpu.memory_space<vmem>>
      %dma_wait3A_287 = arith.constant 0 : i32
      %dma_wait3A_288 = arith.constant 0 : i32
      %dma_wait3A_289 = tpu.memref_slice %arg2[%dma_wait3A_287, %dma_wait3A_288] : memref<10000x128xf32, #tpu.memory_space<hbm>> -> memref<10000x128xf32, #tpu.memory_space<hbm>>
      tpu.wait_indirect_dma semaphore(%arg14 : memref<!tpu.dma_semaphore, #tpu.memory_space<semaphore_mem>>) src(%dma_wait3A_289 : memref<10000x128xf32, #tpu.memory_space<hbm>>) dst(%arg12 : memref<128x128xf32, #tpu.memory_space<vmem>>)
      "tpu.region"() ({
        %run_scoped3A = tpu.sem_alloc : memref<!tpu.dma_semaphore, #tpu.memory_space<semaphore_mem>>
        %dma_start3A_360 = arith.constant 0 : i32
        %dma_start3A_361 = tpu.memref_slice %arg11[%add3A_282, %dma_start3A_360] : memref<80x128xi32, #tpu.memory_space<vmem>> -> memref<1x128xi32, #tpu.memory_space<vmem>>
        %dma_start3A_362 = tpu.memref_squeeze %dma_start3A_361 : memref<1x128xi32, #tpu.memory_space<vmem>> -> memref<128xi32, #tpu.memory_space<vmem>>
        %dma_start3A_363 = arith.constant 0 : i32
        %dma_start3A_364 = arith.constant 0 : i32
        %dma_start3A_365 = tpu.memref_slice %arg16[%dma_start3A_363, %dma_start3A_364] : memref<10240x128xf32, #tpu.memory_space<vmem_shared>> -> memref<10240x128xf32, #tpu.memory_space<vmem_shared>>
        tpu.enqueue_indirect_dma source(%arg12 : memref<128x128xf32, #tpu.memory_space<vmem>>) target(%dma_start3A_365 : memref<10240x128xf32, #tpu.memory_space<vmem_shared>>) offsets(%dma_start3A_362 : memref<128xi32, #tpu.memory_space<vmem>>) semaphore(%run_scoped3A : memref<!tpu.dma_semaphore, #tpu.memory_space<semaphore_mem>>) {add = true}
        %dma_wait3A_366 = arith.constant 0 : i32
        %dma_wait3A_367 = tpu.memref_slice %arg11[%add3A_282, %dma_wait3A_366] : memref<80x128xi32, #tpu.memory_space<vmem>> -> memref<1x128xi32, #tpu.memory_space<vmem>>
        %dma_wait3A_368 = tpu.memref_squeeze %dma_wait3A_367 : memref<1x128xi32, #tpu.memory_space<vmem>> -> memref<128xi32, #tpu.memory_space<vmem>>
        %dma_wait3A_369 = arith.constant 0 : i32
        %dma_wait3A_370 = arith.constant 0 : i32
        %dma_wait3A_371 = tpu.memref_slice %arg16[%dma_wait3A_369, %dma_wait3A_370] : memref<10240x128xf32, #tpu.memory_space<vmem_shared>> -> memref<10240x128xf32, #tpu.memory_space<vmem_shared>>
        tpu.wait_indirect_dma semaphore(%run_scoped3A : memref<!tpu.dma_semaphore, #tpu.memory_space<semaphore_mem>>) src(%arg12 : memref<128x128xf32, #tpu.memory_space<vmem>>) dst(%dma_wait3A_371 : memref<10240x128xf32, #tpu.memory_space<vmem_shared>>)
        tpu.yield
      }) : () -> ()
      %dma_start3A_290 = arith.constant 6 : i32
      %dma_start3A_291 = arith.constant 0 : i32
      %dma_start3A_292 = tpu.memref_slice %arg8[%dma_start3A_290, %dma_start3A_291] : memref<8x128xi32, #tpu.memory_space<vmem>> -> memref<1x128xi32, #tpu.memory_space<vmem>>
      %dma_start3A_293 = tpu.memref_squeeze %dma_start3A_292 : memref<1x128xi32, #tpu.memory_space<vmem>> -> memref<128xi32, #tpu.memory_space<vmem>>
      %dma_start3A_294 = arith.constant 0 : i32
      %dma_start3A_295 = arith.constant 0 : i32
      %dma_start3A_296 = tpu.memref_slice %arg2[%dma_start3A_294, %dma_start3A_295] : memref<10000x128xf32, #tpu.memory_space<hbm>> -> memref<10000x128xf32, #tpu.memory_space<hbm>>
      tpu.enqueue_indirect_dma source(%dma_start3A_296 : memref<10000x128xf32, #tpu.memory_space<hbm>>) target(%arg12 : memref<128x128xf32, #tpu.memory_space<vmem>>) offsets(%dma_start3A_293 : memref<128xi32, #tpu.memory_space<vmem>>) semaphore(%arg14 : memref<!tpu.dma_semaphore, #tpu.memory_space<semaphore_mem>>)
      %mul3A_297 = arith.constant 16 : i32
      %mul3A_298 = arith.muli %mul3A_297, %scan3A_47 : i32
      %add3A_299 = arith.constant 13 : i32
      %add3A_300 = arith.addi %mul3A_298, %add3A_299 : i32
      %dma_wait3A_301 = arith.constant 5 : i32
      %dma_wait3A_302 = arith.constant 0 : i32
      %dma_wait3A_303 = tpu.memref_slice %arg8[%dma_wait3A_301, %dma_wait3A_302] : memref<8x128xi32, #tpu.memory_space<vmem>> -> memref<1x128xi32, #tpu.memory_space<vmem>>
      %dma_wait3A_304 = tpu.memref_squeeze %dma_wait3A_303 : memref<1x128xi32, #tpu.memory_space<vmem>> -> memref<128xi32, #tpu.memory_space<vmem>>
      %dma_wait3A_305 = arith.constant 0 : i32
      %dma_wait3A_306 = arith.constant 0 : i32
      %dma_wait3A_307 = tpu.memref_slice %arg2[%dma_wait3A_305, %dma_wait3A_306] : memref<10000x128xf32, #tpu.memory_space<hbm>> -> memref<10000x128xf32, #tpu.memory_space<hbm>>
      tpu.wait_indirect_dma semaphore(%arg15 : memref<!tpu.dma_semaphore, #tpu.memory_space<semaphore_mem>>) src(%dma_wait3A_307 : memref<10000x128xf32, #tpu.memory_space<hbm>>) dst(%arg13 : memref<128x128xf32, #tpu.memory_space<vmem>>)
      "tpu.region"() ({
        %run_scoped3A = tpu.sem_alloc : memref<!tpu.dma_semaphore, #tpu.memory_space<semaphore_mem>>
        %dma_start3A_360 = arith.constant 0 : i32
        %dma_start3A_361 = tpu.memref_slice %arg11[%add3A_300, %dma_start3A_360] : memref<80x128xi32, #tpu.memory_space<vmem>> -> memref<1x128xi32, #tpu.memory_space<vmem>>
        %dma_start3A_362 = tpu.memref_squeeze %dma_start3A_361 : memref<1x128xi32, #tpu.memory_space<vmem>> -> memref<128xi32, #tpu.memory_space<vmem>>
        %dma_start3A_363 = arith.constant 0 : i32
        %dma_start3A_364 = arith.constant 0 : i32
        %dma_start3A_365 = tpu.memref_slice %arg16[%dma_start3A_363, %dma_start3A_364] : memref<10240x128xf32, #tpu.memory_space<vmem_shared>> -> memref<10240x128xf32, #tpu.memory_space<vmem_shared>>
        tpu.enqueue_indirect_dma source(%arg13 : memref<128x128xf32, #tpu.memory_space<vmem>>) target(%dma_start3A_365 : memref<10240x128xf32, #tpu.memory_space<vmem_shared>>) offsets(%dma_start3A_362 : memref<128xi32, #tpu.memory_space<vmem>>) semaphore(%run_scoped3A : memref<!tpu.dma_semaphore, #tpu.memory_space<semaphore_mem>>) {add = true}
        %dma_wait3A_366 = arith.constant 0 : i32
        %dma_wait3A_367 = tpu.memref_slice %arg11[%add3A_300, %dma_wait3A_366] : memref<80x128xi32, #tpu.memory_space<vmem>> -> memref<1x128xi32, #tpu.memory_space<vmem>>
        %dma_wait3A_368 = tpu.memref_squeeze %dma_wait3A_367 : memref<1x128xi32, #tpu.memory_space<vmem>> -> memref<128xi32, #tpu.memory_space<vmem>>
        %dma_wait3A_369 = arith.constant 0 : i32
        %dma_wait3A_370 = arith.constant 0 : i32
        %dma_wait3A_371 = tpu.memref_slice %arg16[%dma_wait3A_369, %dma_wait3A_370] : memref<10240x128xf32, #tpu.memory_space<vmem_shared>> -> memref<10240x128xf32, #tpu.memory_space<vmem_shared>>
        tpu.wait_indirect_dma semaphore(%run_scoped3A : memref<!tpu.dma_semaphore, #tpu.memory_space<semaphore_mem>>) src(%arg13 : memref<128x128xf32, #tpu.memory_space<vmem>>) dst(%dma_wait3A_371 : memref<10240x128xf32, #tpu.memory_space<vmem_shared>>)
        tpu.yield
      }) : () -> ()
      %dma_start3A_308 = arith.constant 7 : i32
      %dma_start3A_309 = arith.constant 0 : i32
      %dma_start3A_310 = tpu.memref_slice %arg8[%dma_start3A_308, %dma_start3A_309] : memref<8x128xi32, #tpu.memory_space<vmem>> -> memref<1x128xi32, #tpu.memory_space<vmem>>
      %dma_start3A_311 = tpu.memref_squeeze %dma_start3A_310 : memref<1x128xi32, #tpu.memory_space<vmem>> -> memref<128xi32, #tpu.memory_space<vmem>>
      %dma_start3A_312 = arith.constant 0 : i32
      %dma_start3A_313 = arith.constant 0 : i32
      %dma_start3A_314 = tpu.memref_slice %arg2[%dma_start3A_312, %dma_start3A_313] : memref<10000x128xf32, #tpu.memory_space<hbm>> -> memref<10000x128xf32, #tpu.memory_space<hbm>>
      tpu.enqueue_indirect_dma source(%dma_start3A_314 : memref<10000x128xf32, #tpu.memory_space<hbm>>) target(%arg13 : memref<128x128xf32, #tpu.memory_space<vmem>>) offsets(%dma_start3A_311 : memref<128xi32, #tpu.memory_space<vmem>>) semaphore(%arg15 : memref<!tpu.dma_semaphore, #tpu.memory_space<semaphore_mem>>)
      %mul3A_315 = arith.constant 16 : i32
      %mul3A_316 = arith.muli %mul3A_315, %scan3A_47 : i32
      %add3A_317 = arith.constant 14 : i32
      %add3A_318 = arith.addi %mul3A_316, %add3A_317 : i32
      %dma_wait3A_319 = arith.constant 6 : i32
      %dma_wait3A_320 = arith.constant 0 : i32
      %dma_wait3A_321 = tpu.memref_slice %arg8[%dma_wait3A_319, %dma_wait3A_320] : memref<8x128xi32, #tpu.memory_space<vmem>> -> memref<1x128xi32, #tpu.memory_space<vmem>>
      %dma_wait3A_322 = tpu.memref_squeeze %dma_wait3A_321 : memref<1x128xi32, #tpu.memory_space<vmem>> -> memref<128xi32, #tpu.memory_space<vmem>>
      %dma_wait3A_323 = arith.constant 0 : i32
      %dma_wait3A_324 = arith.constant 0 : i32
      %dma_wait3A_325 = tpu.memref_slice %arg2[%dma_wait3A_323, %dma_wait3A_324] : memref<10000x128xf32, #tpu.memory_space<hbm>> -> memref<10000x128xf32, #tpu.memory_space<hbm>>
      tpu.wait_indirect_dma semaphore(%arg14 : memref<!tpu.dma_semaphore, #tpu.memory_space<semaphore_mem>>) src(%dma_wait3A_325 : memref<10000x128xf32, #tpu.memory_space<hbm>>) dst(%arg12 : memref<128x128xf32, #tpu.memory_space<vmem>>)
      "tpu.region"() ({
        %run_scoped3A = tpu.sem_alloc : memref<!tpu.dma_semaphore, #tpu.memory_space<semaphore_mem>>
        %dma_start3A_360 = arith.constant 0 : i32
        %dma_start3A_361 = tpu.memref_slice %arg11[%add3A_318, %dma_start3A_360] : memref<80x128xi32, #tpu.memory_space<vmem>> -> memref<1x128xi32, #tpu.memory_space<vmem>>
        %dma_start3A_362 = tpu.memref_squeeze %dma_start3A_361 : memref<1x128xi32, #tpu.memory_space<vmem>> -> memref<128xi32, #tpu.memory_space<vmem>>
        %dma_start3A_363 = arith.constant 0 : i32
        %dma_start3A_364 = arith.constant 0 : i32
        %dma_start3A_365 = tpu.memref_slice %arg16[%dma_start3A_363, %dma_start3A_364] : memref<10240x128xf32, #tpu.memory_space<vmem_shared>> -> memref<10240x128xf32, #tpu.memory_space<vmem_shared>>
        tpu.enqueue_indirect_dma source(%arg12 : memref<128x128xf32, #tpu.memory_space<vmem>>) target(%dma_start3A_365 : memref<10240x128xf32, #tpu.memory_space<vmem_shared>>) offsets(%dma_start3A_362 : memref<128xi32, #tpu.memory_space<vmem>>) semaphore(%run_scoped3A : memref<!tpu.dma_semaphore, #tpu.memory_space<semaphore_mem>>) {add = true}
        %dma_wait3A_366 = arith.constant 0 : i32
        %dma_wait3A_367 = tpu.memref_slice %arg11[%add3A_318, %dma_wait3A_366] : memref<80x128xi32, #tpu.memory_space<vmem>> -> memref<1x128xi32, #tpu.memory_space<vmem>>
        %dma_wait3A_368 = tpu.memref_squeeze %dma_wait3A_367 : memref<1x128xi32, #tpu.memory_space<vmem>> -> memref<128xi32, #tpu.memory_space<vmem>>
        %dma_wait3A_369 = arith.constant 0 : i32
        %dma_wait3A_370 = arith.constant 0 : i32
        %dma_wait3A_371 = tpu.memref_slice %arg16[%dma_wait3A_369, %dma_wait3A_370] : memref<10240x128xf32, #tpu.memory_space<vmem_shared>> -> memref<10240x128xf32, #tpu.memory_space<vmem_shared>>
        tpu.wait_indirect_dma semaphore(%run_scoped3A : memref<!tpu.dma_semaphore, #tpu.memory_space<semaphore_mem>>) src(%arg12 : memref<128x128xf32, #tpu.memory_space<vmem>>) dst(%dma_wait3A_371 : memref<10240x128xf32, #tpu.memory_space<vmem_shared>>)
        tpu.yield
      }) : () -> ()
      %add3A_326 = arith.constant 2 : i32
      %add3A_327 = arith.addi %add3A_318, %add3A_326 : i32
      %lt3A_328 = arith.constant 80 : i32
      %lt3A_329 = arith.cmpi slt, %add3A_327, %lt3A_328 : i32
      %convert_element_type3A_330 = arith.extui %lt3A_329 : i1 to i32
      %cond3A_331 = arith.constant 0 : i32
      %cond3A_332 = arith.cmpi ne, %convert_element_type3A_330, %cond3A_331 : i32
      scf.if %cond3A_332 {
        %mul3A_360 = arith.constant 2 : i32
        %mul3A_361 = arith.muli %mul3A_360, %scan3A_47 : i32
        %add3A_362 = arith.constant 2 : i32
        %add3A_363 = arith.addi %mul3A_361, %add3A_362 : i32
        %lt3A_364 = arith.constant 10 : i32
        %lt3A_365 = arith.cmpi slt, %add3A_363, %lt3A_364 : i32
        %convert_element_type3A_366 = arith.extui %lt3A_365 : i1 to i32
        %cond3A_367 = arith.constant 0 : i32
        %cond3A_368 = arith.cmpi ne, %convert_element_type3A_366, %cond3A_367 : i32
        scf.if %cond3A_368 {
          %mul3A_376 = arith.constant 2 : i32
          %mul3A_377 = arith.muli %mul3A_376, %scan3A_47 : i32
          %add3A_378 = arith.constant 2 : i32
          %add3A_379 = arith.addi %mul3A_377, %add3A_378 : i32
          %mul3A_380 = arith.constant 8 : i32
          %mul3A_381 = arith.muli %add3A_379, %mul3A_380 : i32
          %add3A_382 = arith.addi %mul3A_6, %mul3A_381 : i32
          %dma_wait3A_383 = arith.constant 0 : i32
          %dma_wait3A_384 = tpu.memref_slice %arg3[%add3A_382, %dma_wait3A_383] : memref<2560x128xi32, #tpu.memory_space<hbm>> -> memref<8x128xi32, #tpu.memory_space<hbm>>
          %dma_wait3A_385 = arith.constant 0 : i32
          %dma_wait3A_386 = tpu.memref_slice %arg3[%add3A_382, %dma_wait3A_385] : memref<2560x128xi32, #tpu.memory_space<hbm>> -> memref<8x128xi32, #tpu.memory_space<hbm>>
          tpu.wait_dma2 semaphore(%arg9 : memref<!tpu.dma_semaphore, #tpu.memory_space<semaphore_mem>>) src(%dma_wait3A_386 : memref<8x128xi32, #tpu.memory_space<hbm>>) dst(%arg7 : memref<8x128xi32, #tpu.memory_space<vmem>>)
        } else {
        }
        %dma_start3A_369 = arith.constant 0 : i32
        %dma_start3A_370 = arith.constant 0 : i32
        %dma_start3A_371 = tpu.memref_slice %arg7[%dma_start3A_369, %dma_start3A_370] : memref<8x128xi32, #tpu.memory_space<vmem>> -> memref<1x128xi32, #tpu.memory_space<vmem>>
        %dma_start3A_372 = tpu.memref_squeeze %dma_start3A_371 : memref<1x128xi32, #tpu.memory_space<vmem>> -> memref<128xi32, #tpu.memory_space<vmem>>
        %dma_start3A_373 = arith.constant 0 : i32
        %dma_start3A_374 = arith.constant 0 : i32
        %dma_start3A_375 = tpu.memref_slice %arg2[%dma_start3A_373, %dma_start3A_374] : memref<10000x128xf32, #tpu.memory_space<hbm>> -> memref<10000x128xf32, #tpu.memory_space<hbm>>
        tpu.enqueue_indirect_dma source(%dma_start3A_375 : memref<10000x128xf32, #tpu.memory_space<hbm>>) target(%arg12 : memref<128x128xf32, #tpu.memory_space<vmem>>) offsets(%dma_start3A_372 : memref<128xi32, #tpu.memory_space<vmem>>) semaphore(%arg14 : memref<!tpu.dma_semaphore, #tpu.memory_space<semaphore_mem>>)
      } else {
      }
      %mul3A_333 = arith.constant 16 : i32
      %mul3A_334 = arith.muli %mul3A_333, %scan3A_47 : i32
      %add3A_335 = arith.constant 15 : i32
      %add3A_336 = arith.addi %mul3A_334, %add3A_335 : i32
      %dma_wait3A_337 = arith.constant 7 : i32
      %dma_wait3A_338 = arith.constant 0 : i32
      %dma_wait3A_339 = tpu.memref_slice %arg8[%dma_wait3A_337, %dma_wait3A_338] : memref<8x128xi32, #tpu.memory_space<vmem>> -> memref<1x128xi32, #tpu.memory_space<vmem>>
      %dma_wait3A_340 = tpu.memref_squeeze %dma_wait3A_339 : memref<1x128xi32, #tpu.memory_space<vmem>> -> memref<128xi32, #tpu.memory_space<vmem>>
      %dma_wait3A_341 = arith.constant 0 : i32
      %dma_wait3A_342 = arith.constant 0 : i32
      %dma_wait3A_343 = tpu.memref_slice %arg2[%dma_wait3A_341, %dma_wait3A_342] : memref<10000x128xf32, #tpu.memory_space<hbm>> -> memref<10000x128xf32, #tpu.memory_space<hbm>>
      tpu.wait_indirect_dma semaphore(%arg15 : memref<!tpu.dma_semaphore, #tpu.memory_space<semaphore_mem>>) src(%dma_wait3A_343 : memref<10000x128xf32, #tpu.memory_space<hbm>>) dst(%arg13 : memref<128x128xf32, #tpu.memory_space<vmem>>)
      "tpu.region"() ({
        %run_scoped3A = tpu.sem_alloc : memref<!tpu.dma_semaphore, #tpu.memory_space<semaphore_mem>>
        %dma_start3A_360 = arith.constant 0 : i32
        %dma_start3A_361 = tpu.memref_slice %arg11[%add3A_336, %dma_start3A_360] : memref<80x128xi32, #tpu.memory_space<vmem>> -> memref<1x128xi32, #tpu.memory_space<vmem>>
        %dma_start3A_362 = tpu.memref_squeeze %dma_start3A_361 : memref<1x128xi32, #tpu.memory_space<vmem>> -> memref<128xi32, #tpu.memory_space<vmem>>
        %dma_start3A_363 = arith.constant 0 : i32
        %dma_start3A_364 = arith.constant 0 : i32
        %dma_start3A_365 = tpu.memref_slice %arg16[%dma_start3A_363, %dma_start3A_364] : memref<10240x128xf32, #tpu.memory_space<vmem_shared>> -> memref<10240x128xf32, #tpu.memory_space<vmem_shared>>
        tpu.enqueue_indirect_dma source(%arg13 : memref<128x128xf32, #tpu.memory_space<vmem>>) target(%dma_start3A_365 : memref<10240x128xf32, #tpu.memory_space<vmem_shared>>) offsets(%dma_start3A_362 : memref<128xi32, #tpu.memory_space<vmem>>) semaphore(%run_scoped3A : memref<!tpu.dma_semaphore, #tpu.memory_space<semaphore_mem>>) {add = true}
        %dma_wait3A_366 = arith.constant 0 : i32
        %dma_wait3A_367 = tpu.memref_slice %arg11[%add3A_336, %dma_wait3A_366] : memref<80x128xi32, #tpu.memory_space<vmem>> -> memref<1x128xi32, #tpu.memory_space<vmem>>
        %dma_wait3A_368 = tpu.memref_squeeze %dma_wait3A_367 : memref<1x128xi32, #tpu.memory_space<vmem>> -> memref<128xi32, #tpu.memory_space<vmem>>
        %dma_wait3A_369 = arith.constant 0 : i32
        %dma_wait3A_370 = arith.constant 0 : i32
        %dma_wait3A_371 = tpu.memref_slice %arg16[%dma_wait3A_369, %dma_wait3A_370] : memref<10240x128xf32, #tpu.memory_space<vmem_shared>> -> memref<10240x128xf32, #tpu.memory_space<vmem_shared>>
        tpu.wait_indirect_dma semaphore(%run_scoped3A : memref<!tpu.dma_semaphore, #tpu.memory_space<semaphore_mem>>) src(%arg13 : memref<128x128xf32, #tpu.memory_space<vmem>>) dst(%dma_wait3A_371 : memref<10240x128xf32, #tpu.memory_space<vmem_shared>>)
        tpu.yield
      }) : () -> ()
      %add3A_344 = arith.constant 2 : i32
      %add3A_345 = arith.addi %add3A_336, %add3A_344 : i32
      %lt3A_346 = arith.constant 80 : i32
      %lt3A_347 = arith.cmpi slt, %add3A_345, %lt3A_346 : i32
      %convert_element_type3A_348 = arith.extui %lt3A_347 : i1 to i32
      %cond3A_349 = arith.constant 0 : i32
      %cond3A_350 = arith.cmpi ne, %convert_element_type3A_348, %cond3A_349 : i32
      scf.if %cond3A_350 {
        %dma_start3A_360 = arith.constant 1 : i32
        %dma_start3A_361 = arith.constant 0 : i32
        %dma_start3A_362 = tpu.memref_slice %arg7[%dma_start3A_360, %dma_start3A_361] : memref<8x128xi32, #tpu.memory_space<vmem>> -> memref<1x128xi32, #tpu.memory_space<vmem>>
        %dma_start3A_363 = tpu.memref_squeeze %dma_start3A_362 : memref<1x128xi32, #tpu.memory_space<vmem>> -> memref<128xi32, #tpu.memory_space<vmem>>
        %dma_start3A_364 = arith.constant 0 : i32
        %dma_start3A_365 = arith.constant 0 : i32
        %dma_start3A_366 = tpu.memref_slice %arg2[%dma_start3A_364, %dma_start3A_365] : memref<10000x128xf32, #tpu.memory_space<hbm>> -> memref<10000x128xf32, #tpu.memory_space<hbm>>
        tpu.enqueue_indirect_dma source(%dma_start3A_366 : memref<10000x128xf32, #tpu.memory_space<hbm>>) target(%arg13 : memref<128x128xf32, #tpu.memory_space<vmem>>) offsets(%dma_start3A_363 : memref<128xi32, #tpu.memory_space<vmem>>) semaphore(%arg15 : memref<!tpu.dma_semaphore, #tpu.memory_space<semaphore_mem>>)
      } else {
      }
      %mul3A_351 = arith.constant 2 : i32
      %mul3A_352 = arith.muli %mul3A_351, %scan3A_47 : i32
      %add3A_353 = arith.constant 3 : i32
      %add3A_354 = arith.addi %mul3A_352, %add3A_353 : i32
      %lt3A_355 = arith.constant 10 : i32
      %lt3A_356 = arith.cmpi slt, %add3A_354, %lt3A_355 : i32
      %convert_element_type3A_357 = arith.extui %lt3A_356 : i1 to i32
      %cond3A_358 = arith.constant 0 : i32
      %cond3A_359 = arith.cmpi ne, %convert_element_type3A_357, %cond3A_358 : i32
      scf.if %cond3A_359 {
        %mul3A_360 = arith.constant 2 : i32
        %mul3A_361 = arith.muli %mul3A_360, %scan3A_47 : i32
        %add3A_362 = arith.constant 3 : i32
        %add3A_363 = arith.addi %mul3A_361, %add3A_362 : i32
        %mul3A_364 = arith.constant 8 : i32
        %mul3A_365 = arith.muli %add3A_363, %mul3A_364 : i32
        %add3A_366 = arith.addi %mul3A_6, %mul3A_365 : i32
        %dma_start3A_367 = arith.constant 0 : i32
        %dma_start3A_368 = tpu.memref_slice %arg3[%add3A_366, %dma_start3A_367] : memref<2560x128xi32, #tpu.memory_space<hbm>> -> memref<8x128xi32, #tpu.memory_space<hbm>>
        %dma_start3A_369 = arith.constant 0 : i32
        %dma_start3A_370 = tpu.memref_slice %arg3[%add3A_366, %dma_start3A_369] : memref<2560x128xi32, #tpu.memory_space<hbm>> -> memref<8x128xi32, #tpu.memory_space<hbm>>
        tpu.enqueue_dma source(%dma_start3A_370 : memref<8x128xi32, #tpu.memory_space<hbm>>) target(%arg8 : memref<8x128xi32, #tpu.memory_space<vmem>>) target_semaphore(%arg10 : memref<!tpu.dma_semaphore, #tpu.memory_space<semaphore_mem>>)
      } else {
      }
    }
    %scan3A_41 = arith.constant 5 : i32
    %barrier3A_42 = arith.constant 0 : index
    tpu.barrier barrier_id(%barrier3A_42)
    %mul3A_43 = arith.constant 640 : i32
    %mul3A_44 = arith.muli %arg1, %mul3A_43 : i32
    %mul3A_45 = arith.constant 640 : i32
    %mul3A_46 = arith.muli %arg1, %mul3A_45 : i32
    "tpu.region"() ({
      %run_scoped3A = tpu.sem_alloc : memref<!tpu.dma_semaphore, #tpu.memory_space<semaphore_mem>>
      %dma_start3A_47 = arith.constant 0 : i32
      %dma_start3A_48 = tpu.memref_slice %arg6[%arg0, %mul3A_46, %dma_start3A_47] : memref<2x10240x128xf32, #tpu.memory_space<hbm>> -> memref<1x640x128xf32, #tpu.memory_space<hbm>>
      %dma_start3A_49 = tpu.memref_squeeze %dma_start3A_48 : memref<1x640x128xf32, #tpu.memory_space<hbm>> -> memref<640x128xf32, #tpu.memory_space<hbm>>
      %dma_start3A_50 = arith.constant 0 : i32
      %dma_start3A_51 = tpu.memref_slice %arg16[%mul3A_44, %dma_start3A_50] : memref<10240x128xf32, #tpu.memory_space<vmem_shared>> -> memref<640x128xf32, #tpu.memory_space<vmem_shared>>
      tpu.enqueue_dma source(%dma_start3A_51 : memref<640x128xf32, #tpu.memory_space<vmem_shared>>) target(%dma_start3A_49 : memref<640x128xf32, #tpu.memory_space<hbm>>) target_semaphore(%run_scoped3A : memref<!tpu.dma_semaphore, #tpu.memory_space<semaphore_mem>>)
      %dma_wait3A_52 = arith.constant 0 : i32
      %dma_wait3A_53 = tpu.memref_slice %arg6[%arg0, %mul3A_46, %dma_wait3A_52] : memref<2x10240x128xf32, #tpu.memory_space<hbm>> -> memref<1x640x128xf32, #tpu.memory_space<hbm>>
      %dma_wait3A_54 = tpu.memref_squeeze %dma_wait3A_53 : memref<1x640x128xf32, #tpu.memory_space<hbm>> -> memref<640x128xf32, #tpu.memory_space<hbm>>
      %dma_wait3A_55 = arith.constant 0 : i32
      %dma_wait3A_56 = tpu.memref_slice %arg16[%mul3A_44, %dma_wait3A_55] : memref<10240x128xf32, #tpu.memory_space<vmem_shared>> -> memref<640x128xf32, #tpu.memory_space<vmem_shared>>
      tpu.wait_dma2 semaphore(%run_scoped3A : memref<!tpu.dma_semaphore, #tpu.memory_space<semaphore_mem>>) src(%dma_wait3A_56 : memref<640x128xf32, #tpu.memory_space<vmem_shared>>) dst(%dma_wait3A_54 : memref<640x128xf32, #tpu.memory_space<hbm>>)
      tpu.yield
    }) : () -> ()
    return
  }
}

#map = affine_map<(d0, d1) -> (0, 0)>
#map1 = affine_map<(d0, d1) -> (0)>
module attributes {stable_mosaic.version = 14 : i64} {
  func.func @_degree_body(%arg0: i32, %arg1: i32, %arg2: memref<2560x128xi32, #tpu.memory_space<hbm>>, %arg3: memref<640xf32, #tpu.memory_space<hbm>>, %arg4: memref<2x10240xf32, #tpu.memory_space<hbm>>, %arg5: memref<128xf32, #tpu.memory_space<vmem>>, %arg6: memref<80x128xi32, #tpu.memory_space<vmem>>, %arg7: memref<10240xf32, #tpu.memory_space<vmem_shared>>) attributes {dimension_semantics = [#tpu.dimension_semantics<core_parallel>, #tpu.dimension_semantics<subcore_parallel>], iteration_bounds = array<i64: 2, 16>, scalar_prefetch = 0 : i64, scratch_operands = 3 : i64, tpu.core_type = #tpu.core_type<sc_vector_subcore>, window_params = [{transform_indices = #map}, {transform_indices = #map1}, {transform_indices = #map}]} {
    %mul3A = arith.constant 2 : i32
    %mul3A_0 = arith.muli %arg1, %mul3A : i32
    %add3A = arith.addi %mul3A_0, %arg0 : i32
    %mul3A_1 = arith.constant 640 : i32
    %mul3A_2 = arith.muli %arg1, %mul3A_1 : i32
    "tpu.region"() ({
      %run_scoped3A = tpu.sem_alloc : memref<!tpu.dma_semaphore, #tpu.memory_space<semaphore_mem>>
      %dma_start3A = tpu.memref_slice %arg7[%mul3A_2] : memref<10240xf32, #tpu.memory_space<vmem_shared>> -> memref<640xf32, #tpu.memory_space<vmem_shared>>
      tpu.enqueue_dma source(%arg3 : memref<640xf32, #tpu.memory_space<hbm>>) target(%dma_start3A : memref<640xf32, #tpu.memory_space<vmem_shared>>) target_semaphore(%run_scoped3A : memref<!tpu.dma_semaphore, #tpu.memory_space<semaphore_mem>>)
      %dma_wait3A = tpu.memref_slice %arg7[%mul3A_2] : memref<10240xf32, #tpu.memory_space<vmem_shared>> -> memref<640xf32, #tpu.memory_space<vmem_shared>>
      tpu.wait_dma2 semaphore(%run_scoped3A : memref<!tpu.dma_semaphore, #tpu.memory_space<semaphore_mem>>) src(%arg3 : memref<640xf32, #tpu.memory_space<hbm>>) dst(%dma_wait3A : memref<640xf32, #tpu.memory_space<vmem_shared>>)
      tpu.yield
    }) : () -> ()
    %mul3A_3 = arith.constant 80 : i32
    %mul3A_4 = arith.muli %add3A, %mul3A_3 : i32
    "tpu.region"() ({
      %run_scoped3A = tpu.sem_alloc : memref<!tpu.dma_semaphore, #tpu.memory_space<semaphore_mem>>
      %dma_start3A = arith.constant 0 : i32
      %dma_start3A_61 = tpu.memref_slice %arg2[%mul3A_4, %dma_start3A] : memref<2560x128xi32, #tpu.memory_space<hbm>> -> memref<80x128xi32, #tpu.memory_space<hbm>>
      %dma_start3A_62 = arith.constant 0 : i32
      %dma_start3A_63 = tpu.memref_slice %arg2[%mul3A_4, %dma_start3A_62] : memref<2560x128xi32, #tpu.memory_space<hbm>> -> memref<80x128xi32, #tpu.memory_space<hbm>>
      tpu.enqueue_dma source(%dma_start3A_63 : memref<80x128xi32, #tpu.memory_space<hbm>>) target(%arg6 : memref<80x128xi32, #tpu.memory_space<vmem>>) target_semaphore(%run_scoped3A : memref<!tpu.dma_semaphore, #tpu.memory_space<semaphore_mem>>)
      %dma_wait3A = arith.constant 0 : i32
      %dma_wait3A_64 = tpu.memref_slice %arg2[%mul3A_4, %dma_wait3A] : memref<2560x128xi32, #tpu.memory_space<hbm>> -> memref<80x128xi32, #tpu.memory_space<hbm>>
      %dma_wait3A_65 = arith.constant 0 : i32
      %dma_wait3A_66 = tpu.memref_slice %arg2[%mul3A_4, %dma_wait3A_65] : memref<2560x128xi32, #tpu.memory_space<hbm>> -> memref<80x128xi32, #tpu.memory_space<hbm>>
      tpu.wait_dma2 semaphore(%run_scoped3A : memref<!tpu.dma_semaphore, #tpu.memory_space<semaphore_mem>>) src(%dma_wait3A_66 : memref<80x128xi32, #tpu.memory_space<hbm>>) dst(%arg6 : memref<80x128xi32, #tpu.memory_space<vmem>>)
      tpu.yield
    }) : () -> ()
    %broadcast_in_dim3A = arith.constant 1.000000e+00 : f32
    %broadcast_in_dim3A_5 = vector.broadcast %broadcast_in_dim3A : f32 to vector<16xf32>
    %swap3A = arith.constant 0 : index
    %swap3A_6 = tpu.vector_load %arg5[%swap3A] {strides = array<i32>} : memref<128xf32, #tpu.memory_space<vmem>>, vector<16xf32>,
    %swap3A_7 = vector.shape_cast %swap3A_6 : vector<16xf32> to vector<16xf32>
    %swap3A_8 = vector.shape_cast %broadcast_in_dim3A_5 : vector<16xf32> to vector<16xf32>
    tpu.vector_store %arg5[%swap3A], %swap3A_8 {strides = array<i32>} : memref<128xf32, #tpu.memory_space<vmem>>, vector<16xf32>,
    %broadcast_in_dim3A_9 = arith.constant 1.000000e+00 : f32
    %broadcast_in_dim3A_10 = vector.broadcast %broadcast_in_dim3A_9 : f32 to vector<16xf32>
    %swap3A_11 = arith.constant 16 : index
    %swap3A_12 = tpu.vector_load %arg5[%swap3A_11] {strides = array<i32>} : memref<128xf32, #tpu.memory_space<vmem>>, vector<16xf32>,
    %swap3A_13 = vector.shape_cast %swap3A_12 : vector<16xf32> to vector<16xf32>
    %swap3A_14 = vector.shape_cast %broadcast_in_dim3A_10 : vector<16xf32> to vector<16xf32>
    tpu.vector_store %arg5[%swap3A_11], %swap3A_14 {strides = array<i32>} : memref<128xf32, #tpu.memory_space<vmem>>, vector<16xf32>,
    %broadcast_in_dim3A_15 = arith.constant 1.000000e+00 : f32
    %broadcast_in_dim3A_16 = vector.broadcast %broadcast_in_dim3A_15 : f32 to vector<16xf32>
    %swap3A_17 = arith.constant 32 : index
    %swap3A_18 = tpu.vector_load %arg5[%swap3A_17] {strides = array<i32>} : memref<128xf32, #tpu.memory_space<vmem>>, vector<16xf32>,
    %swap3A_19 = vector.shape_cast %swap3A_18 : vector<16xf32> to vector<16xf32>
    %swap3A_20 = vector.shape_cast %broadcast_in_dim3A_16 : vector<16xf32> to vector<16xf32>
    tpu.vector_store %arg5[%swap3A_17], %swap3A_20 {strides = array<i32>} : memref<128xf32, #tpu.memory_space<vmem>>, vector<16xf32>,
    %broadcast_in_dim3A_21 = arith.constant 1.000000e+00 : f32
    %broadcast_in_dim3A_22 = vector.broadcast %broadcast_in_dim3A_21 : f32 to vector<16xf32>
    %swap3A_23 = arith.constant 48 : index
    %swap3A_24 = tpu.vector_load %arg5[%swap3A_23] {strides = array<i32>} : memref<128xf32, #tpu.memory_space<vmem>>, vector<16xf32>,
    %swap3A_25 = vector.shape_cast %swap3A_24 : vector<16xf32> to vector<16xf32>
    %swap3A_26 = vector.shape_cast %broadcast_in_dim3A_22 : vector<16xf32> to vector<16xf32>
    tpu.vector_store %arg5[%swap3A_23], %swap3A_26 {strides = array<i32>} : memref<128xf32, #tpu.memory_space<vmem>>, vector<16xf32>,
    %broadcast_in_dim3A_27 = arith.constant 1.000000e+00 : f32
    %broadcast_in_dim3A_28 = vector.broadcast %broadcast_in_dim3A_27 : f32 to vector<16xf32>
    %swap3A_29 = arith.constant 64 : index
    %swap3A_30 = tpu.vector_load %arg5[%swap3A_29] {strides = array<i32>} : memref<128xf32, #tpu.memory_space<vmem>>, vector<16xf32>,
    %swap3A_31 = vector.shape_cast %swap3A_30 : vector<16xf32> to vector<16xf32>
    %swap3A_32 = vector.shape_cast %broadcast_in_dim3A_28 : vector<16xf32> to vector<16xf32>
    tpu.vector_store %arg5[%swap3A_29], %swap3A_32 {strides = array<i32>} : memref<128xf32, #tpu.memory_space<vmem>>, vector<16xf32>,
    %broadcast_in_dim3A_33 = arith.constant 1.000000e+00 : f32
    %broadcast_in_dim3A_34 = vector.broadcast %broadcast_in_dim3A_33 : f32 to vector<16xf32>
    %swap3A_35 = arith.constant 80 : index
    %swap3A_36 = tpu.vector_load %arg5[%swap3A_35] {strides = array<i32>} : memref<128xf32, #tpu.memory_space<vmem>>, vector<16xf32>,
    %swap3A_37 = vector.shape_cast %swap3A_36 : vector<16xf32> to vector<16xf32>
    %swap3A_38 = vector.shape_cast %broadcast_in_dim3A_34 : vector<16xf32> to vector<16xf32>
    tpu.vector_store %arg5[%swap3A_35], %swap3A_38 {strides = array<i32>} : memref<128xf32, #tpu.memory_space<vmem>>, vector<16xf32>,
    %broadcast_in_dim3A_39 = arith.constant 1.000000e+00 : f32
    %broadcast_in_dim3A_40 = vector.broadcast %broadcast_in_dim3A_39 : f32 to vector<16xf32>
    %swap3A_41 = arith.constant 96 : index
    %swap3A_42 = tpu.vector_load %arg5[%swap3A_41] {strides = array<i32>} : memref<128xf32, #tpu.memory_space<vmem>>, vector<16xf32>,
    %swap3A_43 = vector.shape_cast %swap3A_42 : vector<16xf32> to vector<16xf32>
    %swap3A_44 = vector.shape_cast %broadcast_in_dim3A_40 : vector<16xf32> to vector<16xf32>
    tpu.vector_store %arg5[%swap3A_41], %swap3A_44 {strides = array<i32>} : memref<128xf32, #tpu.memory_space<vmem>>, vector<16xf32>,
    %broadcast_in_dim3A_45 = arith.constant 1.000000e+00 : f32
    %broadcast_in_dim3A_46 = vector.broadcast %broadcast_in_dim3A_45 : f32 to vector<16xf32>
    %swap3A_47 = arith.constant 112 : index
    %swap3A_48 = tpu.vector_load %arg5[%swap3A_47] {strides = array<i32>} : memref<128xf32, #tpu.memory_space<vmem>>, vector<16xf32>,
    %swap3A_49 = vector.shape_cast %swap3A_48 : vector<16xf32> to vector<16xf32>
    %swap3A_50 = vector.shape_cast %broadcast_in_dim3A_46 : vector<16xf32> to vector<16xf32>
    tpu.vector_store %arg5[%swap3A_47], %swap3A_50 {strides = array<i32>} : memref<128xf32, #tpu.memory_space<vmem>>, vector<16xf32>,
    %barrier3A = arith.constant 0 : index
    tpu.barrier barrier_id(%barrier3A)
    %scan3A = arith.constant 0 : i32
    %scan3A_51 = arith.constant 0 : i32
    %scan3A_52 = arith.constant 80 : i32
    %scan3A_53 = arith.addi %scan3A_51, %scan3A_52 : i32
    %scan3A_54 = arith.constant 1 : i32
    scf.for %scan3A_61 = %scan3A_51 to %scan3A_53 step %scan3A_54  : i32 {
      "tpu.region"() ({
        %run_scoped3A = tpu.sem_alloc : memref<!tpu.dma_semaphore, #tpu.memory_space<semaphore_mem>>
        %dma_start3A = arith.constant 0 : i32
        %dma_start3A_62 = tpu.memref_slice %arg6[%scan3A_61, %dma_start3A] : memref<80x128xi32, #tpu.memory_space<vmem>> -> memref<1x128xi32, #tpu.memory_space<vmem>>
        %dma_start3A_63 = tpu.memref_squeeze %dma_start3A_62 : memref<1x128xi32, #tpu.memory_space<vmem>> -> memref<128xi32, #tpu.memory_space<vmem>>
        %dma_start3A_64 = arith.constant 0 : i32
        %dma_start3A_65 = tpu.memref_slice %arg7[%dma_start3A_64] : memref<10240xf32, #tpu.memory_space<vmem_shared>> -> memref<10240xf32, #tpu.memory_space<vmem_shared>>
        tpu.enqueue_indirect_dma source(%arg5 : memref<128xf32, #tpu.memory_space<vmem>>) target(%dma_start3A_65 : memref<10240xf32, #tpu.memory_space<vmem_shared>>) offsets(%dma_start3A_63 : memref<128xi32, #tpu.memory_space<vmem>>) semaphore(%run_scoped3A : memref<!tpu.dma_semaphore, #tpu.memory_space<semaphore_mem>>) {add = true}
        %dma_wait3A = arith.constant 0 : i32
        %dma_wait3A_66 = tpu.memref_slice %arg6[%scan3A_61, %dma_wait3A] : memref<80x128xi32, #tpu.memory_space<vmem>> -> memref<1x128xi32, #tpu.memory_space<vmem>>
        %dma_wait3A_67 = tpu.memref_squeeze %dma_wait3A_66 : memref<1x128xi32, #tpu.memory_space<vmem>> -> memref<128xi32, #tpu.memory_space<vmem>>
        %dma_wait3A_68 = arith.constant 0 : i32
        %dma_wait3A_69 = tpu.memref_slice %arg7[%dma_wait3A_68] : memref<10240xf32, #tpu.memory_space<vmem_shared>> -> memref<10240xf32, #tpu.memory_space<vmem_shared>>
        tpu.wait_indirect_dma semaphore(%run_scoped3A : memref<!tpu.dma_semaphore, #tpu.memory_space<semaphore_mem>>) src(%arg5 : memref<128xf32, #tpu.memory_space<vmem>>) dst(%dma_wait3A_69 : memref<10240xf32, #tpu.memory_space<vmem_shared>>)
        tpu.yield
      }) : () -> ()
    }
    %scan3A_55 = arith.constant 80 : i32
    %barrier3A_56 = arith.constant 0 : index
    tpu.barrier barrier_id(%barrier3A_56)
    %mul3A_57 = arith.constant 640 : i32
    %mul3A_58 = arith.muli %arg1, %mul3A_57 : i32
    %mul3A_59 = arith.constant 640 : i32
    %mul3A_60 = arith.muli %arg1, %mul3A_59 : i32
    "tpu.region"() ({
      %run_scoped3A = tpu.sem_alloc : memref<!tpu.dma_semaphore, #tpu.memory_space<semaphore_mem>>
      %dma_start3A = tpu.memref_slice %arg4[%arg0, %mul3A_60] : memref<2x10240xf32, #tpu.memory_space<hbm>> -> memref<1x640xf32, #tpu.memory_space<hbm>>
      %dma_start3A_61 = tpu.memref_squeeze %dma_start3A : memref<1x640xf32, #tpu.memory_space<hbm>> -> memref<640xf32, #tpu.memory_space<hbm>>
      %dma_start3A_62 = tpu.memref_slice %arg7[%mul3A_58] : memref<10240xf32, #tpu.memory_space<vmem_shared>> -> memref<640xf32, #tpu.memory_space<vmem_shared>>
      tpu.enqueue_dma source(%dma_start3A_62 : memref<640xf32, #tpu.memory_space<vmem_shared>>) target(%dma_start3A_61 : memref<640xf32, #tpu.memory_space<hbm>>) target_semaphore(%run_scoped3A : memref<!tpu.dma_semaphore, #tpu.memory_space<semaphore_mem>>)
      %dma_wait3A = tpu.memref_slice %arg4[%arg0, %mul3A_60] : memref<2x10240xf32, #tpu.memory_space<hbm>> -> memref<1x640xf32, #tpu.memory_space<hbm>>
      %dma_wait3A_63 = tpu.memref_squeeze %dma_wait3A : memref<1x640xf32, #tpu.memory_space<hbm>> -> memref<640xf32, #tpu.memory_space<hbm>>
      %dma_wait3A_64 = tpu.memref_slice %arg7[%mul3A_58] : memref<10240xf32, #tpu.memory_space<vmem_shared>> -> memref<640xf32, #tpu.memory_space<vmem_shared>>
      tpu.wait_dma2 semaphore(%run_scoped3A : memref<!tpu.dma_semaphore, #tpu.memory_space<semaphore_mem>>) src(%dma_wait3A_64 : memref<640xf32, #tpu.memory_space<vmem_shared>>) dst(%dma_wait3A_63 : memref<640xf32, #tpu.memory_space<hbm>>)
      tpu.yield
    }) : () -> ()
    return
  }
}

module attributes {stable_mosaic.version = 14 : i64} {
  func.func @_prepare_body(%arg0: memref<10000x128xf32, #tpu.memory_space<vmem>>, %arg1: memref<128x128xf32, #tpu.memory_space<vmem>>, %arg2: memref<2x10240xf32, #tpu.memory_space<vmem>>, %arg3: memref<10000x128xf32, #tpu.memory_space<vmem>>) attributes {dimension_semantics = [], scalar_prefetch = 0 : i64, scratch_operands = 0 : i64, tpu.core_type = #tpu.core_type<tc>} {
    %get3A = arith.constant 0 : index
    %get3A_0 = arith.constant 0 : index
    %get3A_1 = vector.load %arg0[%get3A, %get3A_0] : memref<10000x128xf32, #tpu.memory_space<vmem>>, vector<10000x128xf32>
    %get3A_2 = arith.constant 0 : index
    %get3A_3 = arith.constant 0 : index
    %get3A_4 = vector.load %arg1[%get3A_2, %get3A_3] : memref<128x128xf32, #tpu.memory_space<vmem>>, vector<128x128xf32>
    %dot_general3A = arith.constant dense<0.000000e+00> : vector<10000x128xf32>
    %dot_general3A_5 = tpu.matmul %get3A_1, %get3A_4, %dot_general3A {dimension_numbers = #tpu.dot_dimension_numbers<[1], [0], [0], [1], [0, 0, 1, 1], [], []>, transpose_lhs_hint = false} : vector<10000x128xf32>, vector<128x128xf32>, vector<10000x128xf32> -> vector<10000x128xf32>
    %get3A_6 = arith.constant 0 : index
    %get3A_7 = arith.constant 0 : index
    %get3A_8 = vector.load %arg2[%get3A_6, %get3A_7] : memref<2x10240xf32, #tpu.memory_space<vmem>>, vector<1x10000xf32>
    %get3A_9 = vector.shape_cast %get3A_8 : vector<1x10000xf32> to vector<10000xf32>
    %get3A_10 = arith.constant 1 : index
    %get3A_11 = arith.constant 0 : index
    %get3A_12 = vector.load %arg2[%get3A_10, %get3A_11] : memref<2x10240xf32, #tpu.memory_space<vmem>>, vector<1x10000xf32>
    %get3A_13 = vector.shape_cast %get3A_12 : vector<1x10000xf32> to vector<10000xf32>
    %add3A = arith.addf %get3A_9, %get3A_13 : vector<10000xf32>
    %add3A_14 = arith.constant 1.000000e+00 : f32
    %add3A_15 = vector.broadcast %add3A_14 : f32 to vector<10000xf32>
    %add3A_16 = arith.addf %add3A, %add3A_15 : vector<10000xf32>
    %rsqrt3A = math.rsqrt %add3A_16 : vector<10000xf32>
    %broadcast_in_dim3A = vector.shape_cast %rsqrt3A : vector<10000xf32> to vector<10000x1xf32>
    %mul3A = vector.broadcast %broadcast_in_dim3A : vector<10000x1xf32> to vector<10000x128xf32>
    %mul3A_17 = arith.mulf %dot_general3A_5, %mul3A : vector<10000x128xf32>
    %swap3A = arith.constant 0 : index
    %swap3A_18 = arith.constant 0 : index
    %swap3A_19 = vector.load %arg3[%swap3A, %swap3A_18] : memref<10000x128xf32, #tpu.memory_space<vmem>>, vector<10000x128xf32>
    tpu.vector_store %arg3[%swap3A, %swap3A_18], %mul3A_17 {strides = array<i32>} : memref<10000x128xf32, #tpu.memory_space<vmem>>, vector<10000x128xf32>,
    return
  }
}

module attributes {stable_mosaic.version = 14 : i64} {
  func.func @_mid_body(%arg0: memref<2x10240x128xf32, #tpu.memory_space<vmem>>, %arg1: memref<10000x128xf32, #tpu.memory_space<vmem>>, %arg2: memref<2x10240xf32, #tpu.memory_space<vmem>>, %arg3: memref<128xf32, #tpu.memory_space<vmem>>, %arg4: memref<128x128xf32, #tpu.memory_space<vmem>>, %arg5: memref<10000x128xf32, #tpu.memory_space<vmem>>) attributes {dimension_semantics = [], scalar_prefetch = 0 : i64, scratch_operands = 0 : i64, tpu.core_type = #tpu.core_type<tc>} {
    %get3A = arith.constant 0 : index
    %get3A_0 = arith.constant 0 : index
    %get3A_1 = vector.load %arg2[%get3A, %get3A_0] : memref<2x10240xf32, #tpu.memory_space<vmem>>, vector<1x10000xf32>
    %get3A_2 = vector.shape_cast %get3A_1 : vector<1x10000xf32> to vector<10000xf32>
    %get3A_3 = arith.constant 1 : index
    %get3A_4 = arith.constant 0 : index
    %get3A_5 = vector.load %arg2[%get3A_3, %get3A_4] : memref<2x10240xf32, #tpu.memory_space<vmem>>, vector<1x10000xf32>
    %get3A_6 = vector.shape_cast %get3A_5 : vector<1x10000xf32> to vector<10000xf32>
    %add3A = arith.addf %get3A_2, %get3A_6 : vector<10000xf32>
    %add3A_7 = arith.constant 1.000000e+00 : f32
    %add3A_8 = vector.broadcast %add3A_7 : f32 to vector<10000xf32>
    %add3A_9 = arith.addf %add3A, %add3A_8 : vector<10000xf32>
    %rsqrt3A = math.rsqrt %add3A_9 : vector<10000xf32>
    %broadcast_in_dim3A = vector.shape_cast %rsqrt3A : vector<10000xf32> to vector<10000x1xf32>
    %get3A_10 = arith.constant 0 : index
    %get3A_11 = arith.constant 0 : index
    %get3A_12 = arith.constant 0 : index
    %get3A_13 = vector.load %arg0[%get3A_10, %get3A_11, %get3A_12] : memref<2x10240x128xf32, #tpu.memory_space<vmem>>, vector<1x10000x128xf32>
    %get3A_14 = vector.shape_cast %get3A_13 : vector<1x10000x128xf32> to vector<10000x128xf32>
    %get3A_15 = arith.constant 1 : index
    %get3A_16 = arith.constant 0 : index
    %get3A_17 = arith.constant 0 : index
    %get3A_18 = vector.load %arg0[%get3A_15, %get3A_16, %get3A_17] : memref<2x10240x128xf32, #tpu.memory_space<vmem>>, vector<1x10000x128xf32>
    %get3A_19 = vector.shape_cast %get3A_18 : vector<1x10000x128xf32> to vector<10000x128xf32>
    %add3A_20 = arith.addf %get3A_14, %get3A_19 : vector<10000x128xf32>
    %get3A_21 = arith.constant 0 : index
    %get3A_22 = arith.constant 0 : index
    %get3A_23 = vector.load %arg1[%get3A_21, %get3A_22] : memref<10000x128xf32, #tpu.memory_space<vmem>>, vector<10000x128xf32>
    %add3A_24 = arith.addf %add3A_20, %get3A_23 : vector<10000x128xf32>
    %mul3A = vector.broadcast %broadcast_in_dim3A : vector<10000x1xf32> to vector<10000x128xf32>
    %mul3A_25 = arith.mulf %mul3A, %add3A_24 : vector<10000x128xf32>
    %get3A_26 = arith.constant 0 : index
    %get3A_27 = vector.load %arg3[%get3A_26] : memref<128xf32, #tpu.memory_space<vmem>>, vector<128xf32>
    %broadcast_in_dim3A_28 = vector.shape_cast %get3A_27 : vector<128xf32> to vector<1x128xf32>
    %add3A_29 = vector.broadcast %broadcast_in_dim3A_28 : vector<1x128xf32> to vector<10000x128xf32>
    %add3A_30 = arith.addf %mul3A_25, %add3A_29 : vector<10000x128xf32>
    %max3A = arith.constant 0.000000e+00 : f32
    %max3A_31 = vector.broadcast %max3A : f32 to vector<10000x128xf32>
    %max3A_32 = arith.maximumf %add3A_30, %max3A_31 : vector<10000x128xf32>
    %get3A_33 = arith.constant 0 : index
    %get3A_34 = arith.constant 0 : index
    %get3A_35 = vector.load %arg4[%get3A_33, %get3A_34] : memref<128x128xf32, #tpu.memory_space<vmem>>, vector<128x128xf32>
    %dot_general3A = arith.constant dense<0.000000e+00> : vector<10000x128xf32>
    %dot_general3A_36 = tpu.matmul %max3A_32, %get3A_35, %dot_general3A {dimension_numbers = #tpu.dot_dimension_numbers<[1], [0], [0], [1], [0, 0, 1, 1], [], []>, transpose_lhs_hint = false} : vector<10000x128xf32>, vector<128x128xf32>, vector<10000x128xf32> -> vector<10000x128xf32>
    %mul3A_37 = vector.broadcast %broadcast_in_dim3A : vector<10000x1xf32> to vector<10000x128xf32>
    %mul3A_38 = arith.mulf %dot_general3A_36, %mul3A_37 : vector<10000x128xf32>
    %swap3A = arith.constant 0 : index
    %swap3A_39 = arith.constant 0 : index
    %swap3A_40 = vector.load %arg5[%swap3A, %swap3A_39] : memref<10000x128xf32, #tpu.memory_space<vmem>>, vector<10000x128xf32>
    tpu.vector_store %arg5[%swap3A, %swap3A_39], %mul3A_38 {strides = array<i32>} : memref<10000x128xf32, #tpu.memory_space<vmem>>, vector<10000x128xf32>,
    return
  }
}

module attributes {stable_mosaic.version = 14 : i64} {
  func.func @_final_body(%arg0: memref<2x10240x128xf32, #tpu.memory_space<vmem>>, %arg1: memref<10000x128xf32, #tpu.memory_space<vmem>>, %arg2: memref<2x10240xf32, #tpu.memory_space<vmem>>, %arg3: memref<128xf32, #tpu.memory_space<vmem>>, %arg4: memref<128x1xf32, #tpu.memory_space<vmem>>, %arg5: memref<1xf32, #tpu.memory_space<vmem>>, %arg6: memref<10000x128xf32, #tpu.memory_space<vmem>>, %arg7: memref<10000xf32, #tpu.memory_space<vmem>>) attributes {dimension_semantics = [], scalar_prefetch = 0 : i64, scratch_operands = 0 : i64, tpu.core_type = #tpu.core_type<tc>} {
    %get3A = arith.constant 0 : index
    %get3A_0 = arith.constant 0 : index
    %get3A_1 = vector.load %arg2[%get3A, %get3A_0] : memref<2x10240xf32, #tpu.memory_space<vmem>>, vector<1x10000xf32>
    %get3A_2 = vector.shape_cast %get3A_1 : vector<1x10000xf32> to vector<10000xf32>
    %get3A_3 = arith.constant 1 : index
    %get3A_4 = arith.constant 0 : index
    %get3A_5 = vector.load %arg2[%get3A_3, %get3A_4] : memref<2x10240xf32, #tpu.memory_space<vmem>>, vector<1x10000xf32>
    %get3A_6 = vector.shape_cast %get3A_5 : vector<1x10000xf32> to vector<10000xf32>
    %add3A = arith.addf %get3A_2, %get3A_6 : vector<10000xf32>
    %add3A_7 = arith.constant 1.000000e+00 : f32
    %add3A_8 = vector.broadcast %add3A_7 : f32 to vector<10000xf32>
    %add3A_9 = arith.addf %add3A, %add3A_8 : vector<10000xf32>
    %rsqrt3A = math.rsqrt %add3A_9 : vector<10000xf32>
    %broadcast_in_dim3A = vector.shape_cast %rsqrt3A : vector<10000xf32> to vector<10000x1xf32>
    %get3A_10 = arith.constant 0 : index
    %get3A_11 = arith.constant 0 : index
    %get3A_12 = arith.constant 0 : index
    %get3A_13 = vector.load %arg0[%get3A_10, %get3A_11, %get3A_12] : memref<2x10240x128xf32, #tpu.memory_space<vmem>>, vector<1x10000x128xf32>
    %get3A_14 = vector.shape_cast %get3A_13 : vector<1x10000x128xf32> to vector<10000x128xf32>
    %get3A_15 = arith.constant 1 : index
    %get3A_16 = arith.constant 0 : index
    %get3A_17 = arith.constant 0 : index
    %get3A_18 = vector.load %arg0[%get3A_15, %get3A_16, %get3A_17] : memref<2x10240x128xf32, #tpu.memory_space<vmem>>, vector<1x10000x128xf32>
    %get3A_19 = vector.shape_cast %get3A_18 : vector<1x10000x128xf32> to vector<10000x128xf32>
    %add3A_20 = arith.addf %get3A_14, %get3A_19 : vector<10000x128xf32>
    %get3A_21 = arith.constant 0 : index
    %get3A_22 = arith.constant 0 : index
    %get3A_23 = vector.load %arg1[%get3A_21, %get3A_22] : memref<10000x128xf32, #tpu.memory_space<vmem>>, vector<10000x128xf32>
    %add3A_24 = arith.addf %add3A_20, %get3A_23 : vector<10000x128xf32>
    %mul3A = vector.broadcast %broadcast_in_dim3A : vector<10000x1xf32> to vector<10000x128xf32>
    %mul3A_25 = arith.mulf %mul3A, %add3A_24 : vector<10000x128xf32>
    %get3A_26 = arith.constant 0 : index
    %get3A_27 = vector.load %arg3[%get3A_26] : memref<128xf32, #tpu.memory_space<vmem>>, vector<128xf32>
    %broadcast_in_dim3A_28 = vector.shape_cast %get3A_27 : vector<128xf32> to vector<1x128xf32>
    %add3A_29 = vector.broadcast %broadcast_in_dim3A_28 : vector<1x128xf32> to vector<10000x128xf32>
    %add3A_30 = arith.addf %mul3A_25, %add3A_29 : vector<10000x128xf32>
    %max3A = arith.constant 0.000000e+00 : f32
    %max3A_31 = vector.broadcast %max3A : f32 to vector<10000x128xf32>
    %max3A_32 = arith.maximumf %add3A_30, %max3A_31 : vector<10000x128xf32>
    %swap3A = arith.constant 0 : index
    %swap3A_33 = arith.constant 0 : index
    %swap3A_34 = vector.load %arg6[%swap3A, %swap3A_33] : memref<10000x128xf32, #tpu.memory_space<vmem>>, vector<10000x128xf32>
    tpu.vector_store %arg6[%swap3A, %swap3A_33], %max3A_32 {strides = array<i32>} : memref<10000x128xf32, #tpu.memory_space<vmem>>, vector<10000x128xf32>,
    %get3A_35 = arith.constant 0 : index
    %get3A_36 = arith.constant 0 : index
    %get3A_37 = vector.load %arg4[%get3A_35, %get3A_36] : memref<128x1xf32, #tpu.memory_space<vmem>>, vector<128x1xf32>
    %dot_general3A = arith.constant dense<0.000000e+00> : vector<10000x1xf32>
    %dot_general3A_38 = tpu.matmul %max3A_32, %get3A_37, %dot_general3A {dimension_numbers = #tpu.dot_dimension_numbers<[1], [0], [0], [1], [0, 0, 1, 1], [], []>, transpose_lhs_hint = false} : vector<10000x128xf32>, vector<128x1xf32>, vector<10000x1xf32> -> vector<10000x1xf32>
    %squeeze3A = vector.shape_cast %dot_general3A_38 : vector<10000x1xf32> to vector<10000xf32>
    %get3A_39 = arith.constant 0 : index
    %get3A_40 = vector.load %arg5[%get3A_39] : memref<1xf32, #tpu.memory_space<vmem>>, vector<1xf32>
    %get3A_41 = vector.extract %get3A_40[0] : f32 from vector<1xf32>
    %add3A_42 = vector.broadcast %get3A_41 : f32 to vector<10000xf32>
    %add3A_43 = arith.addf %squeeze3A, %add3A_42 : vector<10000xf32>
    %swap3A_44 = arith.constant 0 : index
    %swap3A_45 = vector.load %arg7[%swap3A_44] : memref<10000xf32, #tpu.memory_space<vmem>>, vector<10000xf32>
    tpu.vector_store %arg7[%swap3A_44], %add3A_43 {strides = array<i32>} : memref<10000xf32, #tpu.memory_space<vmem>>, vector<10000xf32>,
    return
  }
}

</mosaic_0001>

<sc_bundles>
// kernel: kernel.11.cloned.1.call-start
scs
__scs_entry_jumppad:
0x0: {  	(pc) =	sbr.rel $0x88, $3  }
0x1: {  	(tag) =	ssettag $0x0;
	lr =	simm.s32 $0x1  }
0x2: {  	[smem:$0x3F99] =	sst lr;
	_ =	strace $0xD0000000  }
0x3: {  	_ = 	snop  }
0x4: {  	_ = 	snop  }
0x5: {  	_ = 	snop  }
0x6: {  	_ = 	snop  }
0x7: {  	_ = 	snop  }
__scs_overlays_trampoline_lowered:
0x8: {  	[smem:$0x3FA8] =	sst s0  }
0x9: {  	[smem:$0x3FA9] =	sst s1  }
0xa: {  	[smem:$0x3FAA] =	sst s2  }
0xb: {  	[smem:$0x3FAB] =	sst s3  }
0xc: {  	[smem:$0x3FAC] =	sst s4  }
0xd: {  	[smem:$0x3FAD] =	sst s5  }
0xe: {  	[smem:$0x3FAE] =	sst s6  }
0xf: {  	[smem:$0x3FAF] =	sst s7  }
0x10: {  	[smem:$0x3FB0] =	sst s8  }
0x11: {  	[smem:$0x3FB1] =	sst s9;
	s0 =	simm.s32 @!p0 $0x0  }
0x12: {  	s1 =	sld [smem:$0x3F97];
	s0 =	simm.s32 @p0 $0x1  }
0x13: {  	[smem:$0x3FB2] =	sst s0;
	s0 =	simm.s32 @!p1 $0x0  }
0x14: {  	s2 =	sld [smem:$0x3F96];
	s0 =	simm.s32 @p1 $0x1  }
0x15: {  	[smem:$0x3FB3] =	sst s0;
	s0 =	simm.s32 @!p2 $0x0  }
0x16: {  	s3 =	sld [smem:$0x3FDB];
	s0 =	simm.s32 @p2 $0x1  }
0x17: {  	s4 =	simm.s32 $0x1BF5;
	[smem:$0x3FB5] =	sst s0  }
0x18: {  	s0 =	sld [smem:$0x3F98];
	_ =	swait.ge [sflag:s4], $0x0  }
0x19: {  	s7 =	sld [smem:$0x3F99]  }
0x1a: {  	s8 =	sadd.s32 $0xFFFFE003, lr  }
0x1b: {  	s9 =	sadd.s32 $0xFFFFFEF7, lr;
	s5 =	simm.s32 $0xFFFFFFFF;
	p2 =	slt.u32 s8, $0xFFFFF086  }
0x1c: {  	p1 =	slt.u32 s9, $0xF7A;
	s5 =	simm.s32 @!p2 $0x0  }
0x1d: {  	s5 =	simm.s32 @p1 $0x1;
	p0 =	seq.s32 s7, s2  }
0x1e: {  	s7 =	smul.u32 @!p0 $0xF7A, s2;
	p2 =	seq.s32 @!p0 s5, $0x0  }
0x1f: {  	s9 =	smul.u32 $0xF7A, s1;
	s8 =	simm.s32 @!p0 $0x1BF5;
	p2 =	por !p2, p0  }
0x20: {  	[sflag:s8] =	ssyncset.s32 @!p0 $0xFFFFF086;
	s6 =	sadd.s32 @!p0 s3, s7;
	s7 =	simm.s32 @!p0 $0x108  }
0x21: {  	s3 =	sadd.s32 s3, s9;
	s6 =	sadd.s32 @!p0 $0x88, s6;
	s7 =	simm.s32 @p2 $0x1082  }
0x22: {  	[simem:s7], [sflag:s8] =	dma.local @!p0 [hbm:s6], $0xF7A  }
0x23: {  	s9 =	sor.u32 $0xD0000000, s2;
	s6 =	simm.s32 $0x108;
	_ =	swait.ge @!p0 [sflag:s8], $0x0  }
0x24: {  	s3 =	sadd.s32 $0x88, s3;
	s6 =	simm.s32 @!p1 $0x1082;
	[sflag:s4] =	ssyncset.s32 $0xFFFFF086  }
0x25: {  	[simem:s6], [sflag:s4] =	dma.local [hbm:s3], $0xF7A  }
0x26: {  	[smem:$0x3F99] =	sst s1;
	(tag) =	ssettag s2;
	_ =	strace s9  }
0x27: {  	s1 =	sld [smem:$0x3FA9]  }
0x28: {  	s2 =	sld [smem:$0x3FAA]  }
0x29: {  	s4 =	sld [smem:$0x3FAC]  }
0x2a: {  	p0 =	seq.s32 s5, $0x0;
	s5 =	sld [smem:$0x3FAD]  }
0x2b: {  	s6 =	sld [smem:$0x3FAE]  }
0x2c: {  	s7 =	sld [smem:$0x3FAF]  }
0x2d: {  	s3 =	simm.s32 $0x108;
	s8 =	sld [smem:$0x3FB0]  }
0x2e: {  	s3 =	simm.s32 @!p0 $0x1082;
	s9 =	sld [smem:$0x3FB1]  }
0x2f: {  	lr =	sadd.s32 s0, s3;
	s0 =	sld [smem:$0x3FA8]  }
0x30: {  	s3 =	sld [smem:$0x3FAB]  }
0x31: {  	[smem:$0x3FB4] =	sst s10  }
0x32: {  	s10 =	sld [smem:$0x3FB2];
	_ =	sdelay $0x3  }
0x33: {  	p0 =	seq.s32 s10, $0x1;
	s10 =	sld [smem:$0x3FB4];
	_ =	sdelay $0x3  }
0x34: {  	[smem:$0x3FB4] =	sst s10  }
0x35: {  	s10 =	sld [smem:$0x3FB3];
	_ =	sdelay $0x3  }
0x36: {  	p1 =	seq.s32 s10, $0x1;
	s10 =	sld [smem:$0x3FB4];
	_ =	sdelay $0x3  }
0x37: {  	[smem:$0x3FB4] =	sst s10  }
0x38: {  	s10 =	sld [smem:$0x3FB5]  }
0x39: {  	_ = 	snop;
	(pc) =	sbr.ind lr, $3  }
0x3a: {  	_ = 	snop  }
0x3b: {  	_ = 	snop  }
0x3c: {  	p2 =	seq.s32 s10, $0x1;
	s10 =	sld [smem:$0x3FB4]  }
0x3d: {  	_ =	shalt  }
0x3e: {  	_ =	shalt  }
0x3f: {  	_ =	shalt  }
0x40: {  	_ =	shalt  }
0x41: {  	_ =	shalt  }
0x42: {  	_ =	shalt  }
0x43: {  	_ =	shalt  }
0x44: {  	_ =	shalt  }
0x45: {  	_ =	shalt  }
0x46: {  	_ =	shalt  }
0x47: {  	_ =	shalt  }
0x48: {  	_ =	shalt  }
0x49: {  	_ =	shalt  }
0x4a: {  	_ =	shalt  }
0x4b: {  	_ =	shalt  }
0x4c: {  	_ =	shalt  }
0x4d: {  	_ =	shalt  }
0x4e: {  	_ =	shalt  }
0x4f: {  	_ =	shalt  }
0x50: {  	_ =	shalt  }
0x51: {  	_ =	shalt  }
0x52: {  	_ =	shalt  }
0x53: {  	_ =	shalt  }
0x54: {  	_ =	shalt  }
0x55: {  	_ =	shalt  }
0x56: {  	_ =	shalt  }
0x57: {  	_ =	shalt  }
0x58: {  	_ =	shalt  }
0x59: {  	_ =	shalt  }
0x5a: {  	_ =	shalt  }
0x5b: {  	_ =	shalt  }
0x5c: {  	_ =	shalt  }
0x5d: {  	_ =	shalt  }
0x5e: {  	_ =	shalt  }
0x5f: {  	_ =	shalt  }
0x60: {  	_ =	shalt  }
0x61: {  	_ =	shalt  }
0x62: {  	_ =	shalt  }
0x63: {  	_ =	shalt  }
0x64: {  	_ =	shalt  }
0x65: {  	_ =	shalt  }
0x66: {  	_ =	shalt  }
0x67: {  	_ =	shalt  }
0x68: {  	_ =	shalt  }
0x69: {  	_ =	shalt  }
0x6a: {  	_ =	shalt  }
0x6b: {  	_ =	shalt  }
0x6c: {  	_ =	shalt  }
0x6d: {  	_ =	shalt  }
0x6e: {  	_ =	shalt  }
0x6f: {  	_ =	shalt  }
0x70: {  	_ =	shalt  }
0x71: {  	_ =	shalt  }
0x72: {  	_ =	shalt  }
0x73: {  	_ =	shalt  }
0x74: {  	_ =	shalt  }
0x75: {  	_ =	shalt  }
0x76: {  	_ =	shalt  }
0x77: {  	_ =	shalt  }
0x78: {  	_ =	shalt  }
0x79: {  	_ =	shalt  }
0x7a: {  	_ =	shalt  }
0x7b: {  	_ =	shalt  }
0x7c: {  	_ =	shalt  }
0x7d: {  	_ =	shalt  }
0x7e: {  	_ =	shalt  }
0x7f: {  	_ =	shalt  }
0x80: {  	_ =	shalt  }
0x81: {  	_ =	shalt  }
0x82: {  	_ =	shalt  }
0x83: {  	_ =	shalt  }
0x84: {  	_ =	shalt  }
0x85: {  	_ =	shalt  }
0x86: {  	_ =	shalt  }
0x87: {  	_ =	shalt  }
.Lfunc_end0:
.L_simem_size_0:
called_computation.1_lowered:
.L_overlay_start_0:
0x88: {  	s2 =	sld [smem:$0x3FD9]  }
0x89: {  	s3 =	sld [smem:$0x3FFE];
	_ =	sdelay $0x1  }
0x8a: {  	s1 =	srdreg.scid  }
0x8b: {  	s0 =	sand.u32 $0x1, s1  }
0x8c: {  	s14 =	sshll.u32 s0, $0xA;
	s2 =	sadd.s32 s3, s2  }
0x8d: {  	s2 =	sadd.s32 s2, s14  }
0x8e: {  	[smem:$0x3FC0] =	sst s2  }
0x8f: {  	_ = 	snop  }
0x90: {  	s2 =	sld [smem:$0x3FD0];
	_ =	sdelay $0x2  }
0x91: {  	s15 =	simm.s32 $0xA;
	s4 =	simm.s32 $0x10  }
0x92: {  	[smem:s4], [sflag:s15] =	dma.local [hbm:s2], $0x1  }
0x93: {  	_ =	swait.eq [sflag:s15], $0x1  }
0x94: {  	[sflag:s15] =	ssyncset.done $0x0  }
0x95: {  	[sflag:s15] =	ssyncadd.s32 $0xFFFFFFFF  }
0x96: {  	s16 =	sld [smem:$0x10];
	(tm) =	ssettm $0x1  }
0x97: {  	s17 =	sld [smem:$0x3FFB];
	_ =	sdelay $0x3  }
0x98: {  	_ =	strace s17  }
0x99: {  	s3 =	sld [smem:$0x3FFC];
	_ =	sdelay $0x3  }
0x9a: {  	_ =	strace s3  }
0x9b: {  	s3 =	sld [smem:$0x3FFD];
	_ =	sdelay $0x3  }
0x9c: {  	_ =	strace s3  }
0x9d: {  	_ =	strace $0x8FFFFFFF  }
0x9e: {  	s18 =	sld [smem:$0x3FDB];
	_ =	sdelay $0x1  }
0x9f: {  	s19 =	simm.s32 $_scs_section_size  }
0xa0: {  	s5 =	simm.s32 $_size__tile_overlayer_lowered;
	s6 =	simm.s32 $_tile_overlayer_lowered  }
0xa1: {  	s22 =	simm.s32 $0x1BFF;
	s21 =	sshll.u32 s6, $0x1;
	s3 =	sadd.s32 s19, s18  }
0xa2: {  	s7 =	simm.s32 $0x0;
	s20 =	sshll.u32 s5, $0x1;
	s5 =	sadd.s32 s21, s3  }
0xa3: {  	[timem:s7], [sflag:s22] =	dma.local [hbm:s5], s20  }
0xa4: {  	_ =	swait.ge [sflag:s22], s20  }
0xa5: {  	s4 =	ssub.s32 $0x0, s20;
	[sflag:s22] =	ssyncset.done $0x0  }
0xa6: {  	[sflag:s22] =	ssyncadd.s32 s4;
	_ =	sdelay $0x1  }
0xa7: {  	s23 =	simm.s32 $0x1B8B  }
0xa8: {  	_ =	swait.ge [sflag:s23], $0x1  }
0xa9: {  	[sflag:s23] =	ssyncset.done $0x0  }
0xaa: {  	s25 =	simm.s32 $0x1B8E;
	s24 =	sld [smem:$0x3FFE];
	[sflag:s23] =	ssyncadd.s32 $0xFFFFFFFF  }
0xab: {  	s26 =	simm.s32 $execute0_lowered;
	[smem:$0x3FD2] =	sst s25  }
0xac: {  	s5 =	sshll.u32 s26, $0x1;
	_ =	strace $0x80000049;
	[dreg:$0x1] =	wrdreg $0xFFFFFFFF  }
0xad: {  	s28 =	simm.s32 $_size_execute0_lowered;
	s3 =	sadd.s32 s3, s5;
	[dreg:$0x0] =	wrdreg $0x0  }
0xae: {  	s5 =	sshll.u32 s28, $0x1;
	[dreg:$0x2] =	wrdreg s3  }
0xaf: {  	[dreg:$0x3] =	wrdreg s5  }
0xb0: {  	[dreg:$0x4] =	wrdreg $0xC0  }
0xb1: {  	_ =	task [dreg:s7], $0x5FFFF  }
0xb2: {  	[dreg:$0x1] =	wrdreg $0xFFFFFFFF  }
0xb3: {  	[dreg:$0x0] =	wrdreg $0x60  }
0xb4: {  	[dreg:$0x2] =	wrdreg s16  }
0xb5: {  	[dreg:$0x3] =	wrdreg s24  }
0xb6: {  	[dreg:$0x4] =	wrdreg $0xB0000  }
0xb7: {  	[dreg:$0x5] =	wrdreg $0x9  }
0xb8: {  	_ =	task.clear_ibuf [dreg:s7], $0x6FFFF;
	_ =	strace $0x90000049  }
0xb9: {  	s29 =	simm.s32 $0x9;
	_ =	strace $0x8000004B  }
0xba: {  	_ =	swait.ge [sflag:s29], $0x1  }
0xbb: {  	[sflag:s29] =	ssyncadd.s32 $0xFFFFFFFF  }
0xbc: {  	_ =	strace $0x9000004B  }
0xbd: {  	_ =	sfence  }
0xbe: {  	s30 =	sld [smem:$0x0];
	_ =	sdelay $0x2  }
0xbf: {  	s31 =	sshll.u32 s1, $0xD;
	s1 =	sshrl.u32 s1, $0x2  }
0xc0: {  	s3 =	sand.u32 $0x4000, s31;
	s1 =	sadd.s32 s1, s30  }
0xc1: {  	s0 =	sor.u32 s3, s0;
	s1 =	sshll.u32 s1, $0x11  }
0xc2: {  	s0 =	sor.u32 s1, s0  }
0xc3: {  	s0 =	sadd.s32 $0x8F2B, s0  }
0xc4: {  	[sflag:s0] =	ssyncadd.remote.s32 $0x1  }
0xc5: {  	_ =	sfence.sel $0xFFFF  }
0xc6: {  	[dreg:$0x0] =	wrdreg $0xFFFFFFFF;
	(pc) =	sbr.abs _section_cstart, $3  }
0xc7: {  	[dreg:$0x1] =	wrdreg $0xFFFFFFFF  }
0xc8: {  	_ =	task.clear_ibuf [dreg:s7], $0x2FFFF;
	_ =	strace $0x9FFFFFFF  }
0xc9: {  	(tm) =	ssettm $0x7FFFFFFF  }
tec
execute0_lowered:
.L_overlay_start_1:
0x0: {  	(tag) =	ssettag $0x1  }
0x1: {  	s0 =	srdreg.scid;
	s1 =	rddreg [dreg:$0x0]  }
0x2: {  	s12 =	stileid.u32;
	s5 =	rddreg [dreg:$0x1]  }
0x3: {  	s3 =	rddreg [dreg:$0x2];
	s4 =	simm.s32 $0x0;
	s28 =	simm.s32 $0x280  }
0x4: {  	s29 =	simm.s32 $0x300;
	s30 =	simm.s32 $0x380;
	s7 =	smul.u32 $0x14000, s12  }
0x5: {  	s31 =	simm.s32 $0x2;
	s0 =	sand.u32 $0x1, s0;
	s11 =	smul.u32 $0x50000, s12  }
0x6: {  	s2 =	sshll.u32 s12, $0x1;
	[smem:$0x7FF] =	sst s4;
	s19 =	smul.u32 $0x14, s12  }
0x7: {  	s8 =	sadd.s32 $0xD000, s5;
	s13 =	sadd.s32 $0x17000, s5;
	s22 =	smul.u32 $0xA00, s12  }
0x8: {  	s18 =	sshll.u32 s12, $0x6;
	s2 =	sor.u32 s0, s2;
	s6 =	smul.u32 $0x140000, s0  }
0x9: {  	_ =	strace $0x8000004A;
	s15 =	ssub.s32 $0x2, s0;
	s20 =	smul.u32 $0xA, s0  }
0xa: {  	[dreg:$0x4] =	wrdreg s13;
	s13 =	sor.u32 $0x1C05, s18;
	s0 =	smul.u32 $0x500, s0  }
0xb: {  	s18 =	simm.s32 $0x400;
	s2 =	smul.u32 $0x500, s2;
	s10 =	sshrl.u32 s15, $0x1  }
0xc: {  	s17 =	sshrl.u32 s11, $0x2;
	[dreg:$0x5] =	wrdreg s13;
	s6 =	sadd.s32 s7, s6  }
0xd: {  	s16 =	ssub.s32 s15, s10;
	s7 =	sadd.s32 s17, s3;
	s23 =	sadd.s32 s20, s19  }
0xe: {  	s15 =	simm.s32 $0x5;
	s17 =	simm.s32 $0x1;
	s19 =	simm.s32 $0x80  }
0xf: {  	s20 =	simm.s32 $0x3000;
	s10 =	simm.s32 $0x780;
	s9 =	sadd.s32 s2, s5  }
0x10: {  	s6 =	sshrl.u32 s6, $0x3;
	s21 =	sadd.s32 s8, s2;
	s2 =	sadd.s32 s22, s8  }
0x11: {  	s24 =	sshll.u32 s23, $0x7;
	s11 =	sshrl.u32 s7, $0x3;
	s22 =	simm.s32 $0x3  }
0x12: {  	s23 =	simm.s32 $0x100;
	s7 =	simm.s32 $0x680;
	s5 =	sadd.s32 s6, s5  }
0x13: {  	s9 =	sadd.s32 $0x3000, s9;
	[dreg:$0x7] =	wrdreg s21;
	s6 =	smax.u32 s16, $0x1  }
0x14: {  	s0 =	sadd.s32 s0, s2;
	s25 =	sadd.s32 s8, s24;
	[dreg:$0xd] =	wrdreg s11  }
0x15: {  	s24 =	simm.s32 $0x4;
	s2 =	simm.s32 $0x480;
	[dreg:$0x6] =	wrdreg s9  }
0x16: {  	s16 =	simm.s32 $0x580;
	s9 =	sadd.s32 $0x80, s21;
	[dreg:$0xa] =	wrdreg s6  }
.Ltmp0:
0x17: {  	s5 =	sadd.s32 $0x19800, s5;
	[dreg:$0x8] =	wrdreg s9;
	(pc) =	sbr.rel .LBB2_1-.Ltmp0, $4  }
0x18: {  	s8 =	simm.s32 $0x0;
	s0 =	sadd.s32 $0x180, s0;
	[dreg:$0x9] =	wrdreg s5  }
0x19: {  	s26 =	sadd.s32 $0x100, s25;
	s21 =	simm.s32 $0x7000;
	[dreg:$0xb] =	wrdreg s0  }
0x1a: {  	s25 =	simm.s32 $0x180;
	[dreg:$0xc] =	wrdreg s26;
	s26 =	simm.s32 $0x200  }
0x1b: {  	s0 =	simm.s32 $0x500;
	s5 =	simm.s32 $0x600;
	s9 =	simm.s32 $0x700  }
.LBB2_4:
0x1c: {  	_ =	swait.ge [sflag:s24], $0x4000  }
0x1d: {  	[sflag:s24] =	ssyncset.done $0x0  }
0x1e: {  	[sflag:s24] =	ssyncadd.s32 $0xFFFFC000  }
0x1f: {  	[spmem:s3] =	stream.indirect.scatter.add.f32 [tilespmem:s21], [sflag:$0x5], $0x80, s6, s19, $0xb8;
	[tilespmem:$0x1F000] =	vst v63  }
0x20: {  	_ =	swait.ge [sflag:s15], $0x4000  }
0x21: {  	[sflag:s15] =	ssyncset.done $0x0  }
0x22: {  	[sflag:s15] =	ssyncadd.s32 $0xFFFFC000  }
0x23: {  	[bflag:$0x0] =	sbarrier.arrive $0xFFFF  }
0x24: {  	s13 =	rddreg [dreg:$0x5]  }
0x25: {  	s12 =	rddreg [dreg:$0x9]  }
0x26: {  	s11 =	rddreg [dreg:$0xd]  }
0x27: {  	[hbm:s12], [sflag:s13] =	dma.local [spmem:s11], $0x2800  }
0x28: {  	_ =	swait.ge [sflag:s15], $0x2800  }
0x29: {  	s8 =	sadd.s32 $0x1, s8;
	s14 =	rddreg [dreg:$0xa]  }
0x2a: {  	p0 =	sne.s32 s8, s14  }
.Ltmp1:
0x2b: {  	_ = 	snop;
	(pc) =	sbr.rel @!p0 .LBB2_5-.Ltmp1, $3  }
0x2c: {  	_ =	sdelay $0x1  }
0x2d: {  	[sflag:s15] =	ssyncset.done $0x0  }
0x2e: {  	[sflag:s15] =	ssyncadd.s32 $0xFFFFD800  }
.LBB2_1:
0x2f: {  	s6 =	rddreg [dreg:$0x4]  }
0x30: {  	[spmem:s11], [sflag:s13] =	dma.local [hbm:s6], $0x2800  }
0x31: {  	_ =	swait.ge [sflag:s15], $0x2800  }
0x32: {  	[sflag:s15] =	ssyncset.done $0x0  }
0x33: {  	s12 =	simm.s32 $0x800;
	s11 =	rddreg [dreg:$0x6];
	[sflag:s15] =	ssyncadd.s32 $0xFFFFD800  }
0x34: {  	[tilespmem:s12], [sflag:$0x5] =	stream.linear.gather [hbm4b:s11+s4], $0x2800, $0x38;
	[tilespmem:$0x1F000] =	vst v63  }
0x35: {  	_ =	swait.ge [sflag:s15], $0x2800  }
0x36: {  	[sflag:s15] =	ssyncset.done $0x0  }
0x37: {  	[sflag:s15] =	ssyncadd.s32 $0xFFFFD800  }
0x38: {  	[bflag:$0x0] =	sbarrier.arrive $0xFFFF  }
0x39: {  	s13 =	rddreg [dreg:$0x7]  }
0x3a: {  	[tilespmem:s4], [sflag:$0x1] =	stream.linear.gather [hbm4b:s13+s4], $0x400, $0x38;
	[tilespmem:$0x1F000] =	vst v63  }
0x3b: {  	_ =	swait.ge [sflag:s17], $0x400  }
0x3c: {  	[sflag:s17] =	ssyncset.done $0x0  }
0x3d: {  	s14 =	rddreg [dreg:$0x8];
	[sflag:s17] =	ssyncadd.s32 $0xFFFFFC00  }
0x3e: {  	[tilespmem:s18], [sflag:$0x2] =	stream.linear.gather [hbm4b:s14+s4], $0x400, $0x38;
	[tilespmem:$0x1F000] =	vst v63  }
0x3f: {  	s13 =	rddreg [dreg:$0xc]  }
0x40: {  	[tilespmem:s20], [sflag:$0x3] =	stream.indirect.gather [hbm4b:s1+s19], $0x80, s4, s19, $0xb8;
	[tilespmem:$0x1F000] =	vst v63  }
0x41: {  	s11 =	simm.s32 $0x0;
	s12 =	rddreg [dreg:$0xb]  }
0x42: {  	[tilespmem:s21], [sflag:$0x4] =	stream.indirect.gather [hbm4b:s1+s19], $0x80, s19, s19, $0xb8;
	[tilespmem:$0x1F000] =	vst v63  }
.LBB2_2:
0x43: {  	_ =	swait.ge [sflag:s22], $0x4000  }
0x44: {  	s6 =	sshra.s32 s11, $0x2;
	[sflag:s22] =	ssyncset.done $0x0  }
0x45: {  	s14 =	sadd.s32 $0x800, s6;
	[sflag:s22] =	ssyncadd.s32 $0xFFFFC000  }
0x46: {  	[spmem:s3] =	stream.indirect.scatter.add.f32 [tilespmem:s20], [sflag:$0x5], $0x80, s14, s19, $0xb8;
	[tilespmem:$0x1F000] =	vst v63  }
0x47: {  	_ =	swait.ge [sflag:s15], $0x4000  }
0x48: {  	[sflag:s15] =	ssyncset.done $0x0  }
0x49: {  	[sflag:s15] =	ssyncadd.s32 $0xFFFFC000  }
0x4a: {  	[tilespmem:s20], [sflag:$0x3] =	stream.indirect.gather [hbm4b:s1+s19], $0x80, s23, s19, $0xb8;
	[tilespmem:$0x1F000] =	vst v63  }
0x4b: {  	_ =	swait.ge [sflag:s24], $0x4000  }
0x4c: {  	[sflag:s24] =	ssyncset.done $0x0  }
0x4d: {  	s14 =	sadd.s32 $0x880, s6;
	[sflag:s24] =	ssyncadd.s32 $0xFFFFC000  }
0x4e: {  	[spmem:s3] =	stream.indirect.scatter.add.f32 [tilespmem:s21], [sflag:$0x5], $0x80, s14, s19, $0xb8;
	[tilespmem:$0x1F000] =	vst v63  }
0x4f: {  	_ =	swait.ge [sflag:s15], $0x4000  }
0x50: {  	[sflag:s15] =	ssyncset.done $0x0  }
0x51: {  	[sflag:s15] =	ssyncadd.s32 $0xFFFFC000  }
0x52: {  	[tilespmem:s21], [sflag:$0x4] =	stream.indirect.gather [hbm4b:s1+s19], $0x80, s25, s19, $0xb8;
	[tilespmem:$0x1F000] =	vst v63  }
0x53: {  	_ =	swait.ge [sflag:s22], $0x4000  }
0x54: {  	[sflag:s22] =	ssyncset.done $0x0  }
0x55: {  	s14 =	sadd.s32 $0x900, s6;
	[sflag:s22] =	ssyncadd.s32 $0xFFFFC000  }
0x56: {  	[spmem:s3] =	stream.indirect.scatter.add.f32 [tilespmem:s20], [sflag:$0x5], $0x80, s14, s19, $0xb8;
	[tilespmem:$0x1F000] =	vst v63  }
0x57: {  	_ =	swait.ge [sflag:s15], $0x4000  }
0x58: {  	[sflag:s15] =	ssyncset.done $0x0  }
0x59: {  	[sflag:s15] =	ssyncadd.s32 $0xFFFFC000  }
0x5a: {  	[tilespmem:s20], [sflag:$0x3] =	stream.indirect.gather [hbm4b:s1+s19], $0x80, s26, s19, $0xb8;
	[tilespmem:$0x1F000] =	vst v63  }
0x5b: {  	_ =	swait.ge [sflag:s24], $0x4000  }
0x5c: {  	[sflag:s24] =	ssyncset.done $0x0  }
0x5d: {  	s14 =	sadd.s32 $0x980, s6;
	[sflag:s24] =	ssyncadd.s32 $0xFFFFC000  }
0x5e: {  	[spmem:s3] =	stream.indirect.scatter.add.f32 [tilespmem:s21], [sflag:$0x5], $0x80, s14, s19, $0xb8;
	[tilespmem:$0x1F000] =	vst v63  }
0x5f: {  	_ =	swait.ge [sflag:s15], $0x4000  }
0x60: {  	[sflag:s15] =	ssyncset.done $0x0  }
0x61: {  	[sflag:s15] =	ssyncadd.s32 $0xFFFFC000  }
0x62: {  	[tilespmem:s21], [sflag:$0x4] =	stream.indirect.gather [hbm4b:s1+s19], $0x80, s28, s19, $0xb8;
	[tilespmem:$0x1F000] =	vst v63  }
0x63: {  	_ =	swait.ge [sflag:s22], $0x4000  }
0x64: {  	[sflag:s22] =	ssyncset.done $0x0  }
0x65: {  	s14 =	sadd.s32 $0xA00, s6;
	[sflag:s22] =	ssyncadd.s32 $0xFFFFC000  }
0x66: {  	[spmem:s3] =	stream.indirect.scatter.add.f32 [tilespmem:s20], [sflag:$0x5], $0x80, s14, s19, $0xb8;
	[tilespmem:$0x1F000] =	vst v63  }
0x67: {  	_ =	swait.ge [sflag:s15], $0x4000  }
0x68: {  	[sflag:s15] =	ssyncset.done $0x0  }
0x69: {  	[sflag:s15] =	ssyncadd.s32 $0xFFFFC000  }
0x6a: {  	[tilespmem:s20], [sflag:$0x3] =	stream.indirect.gather [hbm4b:s1+s19], $0x80, s29, s19, $0xb8;
	[tilespmem:$0x1F000] =	vst v63  }
0x6b: {  	_ =	swait.ge [sflag:s24], $0x4000  }
0x6c: {  	[sflag:s24] =	ssyncset.done $0x0  }
0x6d: {  	s14 =	sadd.s32 $0xA80, s6;
	[sflag:s24] =	ssyncadd.s32 $0xFFFFC000  }
0x6e: {  	[spmem:s3] =	stream.indirect.scatter.add.f32 [tilespmem:s21], [sflag:$0x5], $0x80, s14, s19, $0xb8;
	[tilespmem:$0x1F000] =	vst v63  }
0x6f: {  	_ =	swait.ge [sflag:s15], $0x4000  }
0x70: {  	[sflag:s15] =	ssyncset.done $0x0  }
0x71: {  	[sflag:s15] =	ssyncadd.s32 $0xFFFFC000  }
0x72: {  	[tilespmem:s21], [sflag:$0x4] =	stream.indirect.gather [hbm4b:s1+s19], $0x80, s30, s19, $0xb8;
	[tilespmem:$0x1F000] =	vst v63  }
0x73: {  	_ =	swait.ge [sflag:s22], $0x4000  }
0x74: {  	[sflag:s22] =	ssyncset.done $0x0  }
0x75: {  	s14 =	sadd.s32 $0xB00, s6;
	[sflag:s22] =	ssyncadd.s32 $0xFFFFC000  }
0x76: {  	[spmem:s3] =	stream.indirect.scatter.add.f32 [tilespmem:s20], [sflag:$0x5], $0x80, s14, s19, $0xb8;
	[tilespmem:$0x1F000] =	vst v63  }
0x77: {  	_ =	swait.ge [sflag:s15], $0x4000  }
0x78: {  	[sflag:s15] =	ssyncset.done $0x0  }
0x79: {  	[sflag:s15] =	ssyncadd.s32 $0xFFFFC000  }
0x7a: {  	_ =	swait.ge [sflag:s31], $0x400  }
0x7b: {  	[sflag:s31] =	ssyncset.done $0x0  }
0x7c: {  	[sflag:s31] =	ssyncadd.s32 $0xFFFFFC00  }
0x7d: {  	[tilespmem:s20], [sflag:$0x3] =	stream.indirect.gather [hbm4b:s1+s19], $0x80, s18, s19, $0xb8;
	[tilespmem:$0x1F000] =	vst v63  }
0x7e: {  	_ =	swait.ge [sflag:s24], $0x4000  }
0x7f: {  	[sflag:s24] =	ssyncset.done $0x0  }
0x80: {  	s14 =	sadd.s32 $0xB80, s6;
	[sflag:s24] =	ssyncadd.s32 $0xFFFFC000  }
0x81: {  	[spmem:s3] =	stream.indirect.scatter.add.f32 [tilespmem:s21], [sflag:$0x5], $0x80, s14, s19, $0xb8;
	[tilespmem:$0x1F000] =	vst v63  }
0x82: {  	_ =	swait.ge [sflag:s15], $0x4000  }
0x83: {  	[sflag:s15] =	ssyncset.done $0x0  }
0x84: {  	p0 =	seq.s32 s11, $0x8000;
	[sflag:s15] =	ssyncadd.s32 $0xFFFFC000  }
0x85: {  	[tilespmem:s21], [sflag:$0x4] =	stream.indirect.gather [hbm4b:s1+s19], $0x80, s2, s19, $0xb8;
	[tilespmem:$0x1F000] =	vst v63  }
0x86: {  	s14 =	simm.s32 @!p0 $0x0  }
0x87: {  	[tilespmem:s14], [sflag:$0x1] =	stream.linear.gather @!p0 [hbm4b:s13+s14], $0x400, $0x38;
	[tilespmem:$0x1F000] =	vst v63  }
0x88: {  	_ =	swait.ge [sflag:s22], $0x4000  }
0x89: {  	[sflag:s22] =	ssyncset.done $0x0  }
0x8a: {  	s14 =	sadd.s32 $0xC00, s6;
	[sflag:s22] =	ssyncadd.s32 $0xFFFFC000  }
0x8b: {  	[spmem:s3] =	stream.indirect.scatter.add.f32 [tilespmem:s20], [sflag:$0x5], $0x80, s14, s19, $0xb8;
	[tilespmem:$0x1F000] =	vst v63  }
0x8c: {  	_ =	swait.ge [sflag:s15], $0x4000  }
0x8d: {  	[sflag:s15] =	ssyncset.done $0x0  }
0x8e: {  	[sflag:s15] =	ssyncadd.s32 $0xFFFFC000  }
0x8f: {  	[tilespmem:s20], [sflag:$0x3] =	stream.indirect.gather [hbm4b:s1+s19], $0x80, s0, s19, $0xb8;
	[tilespmem:$0x1F000] =	vst v63  }
0x90: {  	_ =	swait.ge [sflag:s24], $0x4000  }
0x91: {  	[sflag:s24] =	ssyncset.done $0x0  }
0x92: {  	s14 =	sadd.s32 $0xC80, s6;
	[sflag:s24] =	ssyncadd.s32 $0xFFFFC000  }
0x93: {  	[spmem:s3] =	stream.indirect.scatter.add.f32 [tilespmem:s21], [sflag:$0x5], $0x80, s14, s19, $0xb8;
	[tilespmem:$0x1F000] =	vst v63  }
0x94: {  	_ =	swait.ge [sflag:s15], $0x4000  }
0x95: {  	[sflag:s15] =	ssyncset.done $0x0  }
0x96: {  	[sflag:s15] =	ssyncadd.s32 $0xFFFFC000  }
0x97: {  	[tilespmem:s21], [sflag:$0x4] =	stream.indirect.gather [hbm4b:s1+s19], $0x80, s16, s19, $0xb8;
	[tilespmem:$0x1F000] =	vst v63  }
0x98: {  	_ =	swait.ge [sflag:s22], $0x4000  }
0x99: {  	[sflag:s22] =	ssyncset.done $0x0  }
0x9a: {  	s14 =	sadd.s32 $0xD00, s6;
	[sflag:s22] =	ssyncadd.s32 $0xFFFFC000  }
0x9b: {  	[spmem:s3] =	stream.indirect.scatter.add.f32 [tilespmem:s20], [sflag:$0x5], $0x80, s14, s19, $0xb8;
	[tilespmem:$0x1F000] =	vst v63  }
0x9c: {  	_ =	swait.ge [sflag:s15], $0x4000  }
0x9d: {  	[sflag:s15] =	ssyncset.done $0x0  }
0x9e: {  	[sflag:s15] =	ssyncadd.s32 $0xFFFFC000  }
0x9f: {  	[tilespmem:s20], [sflag:$0x3] =	stream.indirect.gather [hbm4b:s1+s19], $0x80, s5, s19, $0xb8;
	[tilespmem:$0x1F000] =	vst v63  }
0xa0: {  	_ =	swait.ge [sflag:s24], $0x4000  }
0xa1: {  	[sflag:s24] =	ssyncset.done $0x0  }
0xa2: {  	s14 =	sadd.s32 $0xD80, s6;
	[sflag:s24] =	ssyncadd.s32 $0xFFFFC000  }
0xa3: {  	[spmem:s3] =	stream.indirect.scatter.add.f32 [tilespmem:s21], [sflag:$0x5], $0x80, s14, s19, $0xb8;
	[tilespmem:$0x1F000] =	vst v63  }
0xa4: {  	_ =	swait.ge [sflag:s15], $0x4000  }
0xa5: {  	[sflag:s15] =	ssyncset.done $0x0  }
0xa6: {  	[sflag:s15] =	ssyncadd.s32 $0xFFFFC000  }
0xa7: {  	[tilespmem:s21], [sflag:$0x4] =	stream.indirect.gather [hbm4b:s1+s19], $0x80, s7, s19, $0xb8;
	[tilespmem:$0x1F000] =	vst v63  }
0xa8: {  	_ =	swait.ge [sflag:s22], $0x4000  }
0xa9: {  	[sflag:s22] =	ssyncset.done $0x0  }
0xaa: {  	s14 =	sadd.s32 $0xE00, s6;
	[sflag:s22] =	ssyncadd.s32 $0xFFFFC000  }
0xab: {  	[spmem:s3] =	stream.indirect.scatter.add.f32 [tilespmem:s20], [sflag:$0x5], $0x80, s14, s19, $0xb8;
	[tilespmem:$0x1F000] =	vst v63  }
0xac: {  	_ =	swait.ge [sflag:s15], $0x4000  }
0xad: {  	[sflag:s15] =	ssyncset.done $0x0  }
0xae: {  	[sflag:s15] =	ssyncadd.s32 $0xFFFFC000  }
0xaf: {  	[tilespmem:s20], [sflag:$0x3] =	stream.indirect.gather [hbm4b:s1+s19], $0x80, s9, s19, $0xb8;
	[tilespmem:$0x1F000] =	vst v63  }
0xb0: {  	_ =	swait.ge [sflag:s24], $0x4000  }
0xb1: {  	[sflag:s24] =	ssyncset.done $0x0  }
0xb2: {  	s14 =	sadd.s32 $0xE80, s6;
	[sflag:s24] =	ssyncadd.s32 $0xFFFFC000  }
0xb3: {  	[spmem:s3] =	stream.indirect.scatter.add.f32 [tilespmem:s21], [sflag:$0x5], $0x80, s14, s19, $0xb8;
	[tilespmem:$0x1F000] =	vst v63  }
0xb4: {  	_ =	swait.ge [sflag:s15], $0x4000  }
0xb5: {  	[sflag:s15] =	ssyncset.done $0x0  }
0xb6: {  	[sflag:s15] =	ssyncadd.s32 $0xFFFFC000  }
0xb7: {  	[tilespmem:s21], [sflag:$0x4] =	stream.indirect.gather [hbm4b:s1+s19], $0x80, s10, s19, $0xb8;
	[tilespmem:$0x1F000] =	vst v63  }
0xb8: {  	_ =	swait.ge [sflag:s22], $0x4000  }
0xb9: {  	[sflag:s22] =	ssyncset.done $0x0  }
.Ltmp2:
0xba: {  	s14 =	sadd.s32 $0xF00, s6;
	[sflag:s22] =	ssyncadd.s32 $0xFFFFC000;
	(pc) =	sbr.rel @p0 .LBB2_4-.Ltmp2, $4  }
0xbb: {  	[spmem:s3] =	stream.indirect.scatter.add.f32 [tilespmem:s20], [sflag:$0x5], $0x80, s14, s19, $0xb8;
	[tilespmem:$0x1F000] =	vst v63  }
0xbc: {  	_ =	swait.ge [sflag:s15], $0x4000  }
0xbd: {  	[sflag:s15] =	ssyncset.done $0x0  }
0xbe: {  	s6 =	sadd.s32 $0xF80, s6;
	[sflag:s15] =	ssyncadd.s32 $0xFFFFC000  }
0xbf: {  	_ =	swait.ge [sflag:s17], $0x400  }
0xc0: {  	[sflag:s17] =	ssyncset.done $0x0  }
0xc1: {  	[sflag:s17] =	ssyncadd.s32 $0xFFFFFC00  }
0xc2: {  	[tilespmem:s20], [sflag:$0x3] =	stream.indirect.gather [hbm4b:s1+s19], $0x80, s4, s19, $0xb8;
	[tilespmem:$0x1F000] =	vst v63  }
0xc3: {  	_ =	swait.ge [sflag:s24], $0x4000  }
0xc4: {  	[sflag:s24] =	ssyncset.done $0x0  }
0xc5: {  	[sflag:s24] =	ssyncadd.s32 $0xFFFFC000  }
0xc6: {  	[spmem:s3] =	stream.indirect.scatter.add.f32 [tilespmem:s21], [sflag:$0x5], $0x80, s6, s19, $0xb8;
	[tilespmem:$0x1F000] =	vst v63  }
0xc7: {  	_ =	swait.ge [sflag:s15], $0x4000  }
0xc8: {  	[sflag:s15] =	ssyncset.done $0x0  }
.Ltmp3:
0xc9: {  	[sflag:s15] =	ssyncadd.s32 $0xFFFFC000;
	(pc) =	sbr.rel .LBB2_2-.Ltmp3, $4  }
0xca: {  	[tilespmem:s21], [sflag:$0x4] =	stream.indirect.gather [hbm4b:s1+s19], $0x80, s19, s19, $0xb8;
	[tilespmem:$0x1F000] =	vst v63  }
0xcb: {  	_ = 	snop  }
0xcc: {  	[tilespmem:s18], [sflag:$0x2] =	stream.linear.gather [hbm4b:s12+s4], $0x400, $0x38;
	[tilespmem:$0x1F000] =	vst v63  }
0xcd: {  	s13 =	sadd.s32 $0x100, s13;
	s11 =	sadd.s32 $0x2000, s11;
	s12 =	sadd.s32 $0x100, s12  }
.LBB2_5:
0xce: {  	_ =	sfence.sel $0x180000  }
0xcf: {  	[bflag:$0x0] =	sbarrier.arrive $0xFFFF  }
0xd0: {  	_ =	strace $0x9000004A  }
0xd1: {  	s0 =	stileid.u32;
	[bflag:$0x2] =	sbarrier.arrive $0xFFFF  }
0xd2: {  	p0 =	sne.s32 s0, $0x0;
	s0 =	rddreg [dreg:$0x3]  }
0xd3: {  	s0 =	sadd.s32 @!p0 $0x100000, s0  }
0xd4: {  	[sflag:s0] =	ssyncadd.tile.s32 @!p0 $0x1;
	_ =	shalt  }
.Lfunc_end2:
_tile_overlayer_lowered:
.L_overlay_start_2:
0xd5: {  	(tag) =	ssettag $0x2  }
0xd6: {  	s0 =	rddreg [dreg:$0x0];
	s2 =	stileid.u32  }
0xd7: {  	s1 =	rddreg [dreg:$0x1];
	p0 =	sne.s32 s2, $0x0  }
0xd8: {  	s3 =	rddreg [dreg:$0x2];
	[bflag:$0x3] =	sbarrier.arrive $0xFFFF;
	s2 =	simm.s32 @!p0 $0x1C05  }
0xd9: {  	[timem:s3], [sflag:s2] =	dma.local @!p0 [hbm:s0], s1  }
0xda: {  	s0 =	simm.s32 @!p0 $0x5  }
0xdb: {  	_ =	swait.ge @!p0 [sflag:s0], s1  }
0xdc: {  	s1 =	ssub.s32 @!p0 $0x0, s1;
	[sflag:s0] =	ssyncset.done @!p0 $0x0  }
0xdd: {  	[sflag:s0] =	ssyncadd.s32 @!p0 s1  }
0xde: {  	[bflag:$0x3] =	sbarrier.arrive $0xFFFF  }
0xdf: {  	_ =	shalt  }

// kernel: kernel.14.cloned.1.call-start
scs
__scs_entry_jumppad:
0x0: {  	(pc) =	sbr.rel $0x88, $3  }
0x1: {  	(tag) =	ssettag $0x0;
	lr =	simm.s32 $0x1  }
0x2: {  	[smem:$0x3F99] =	sst lr;
	_ =	strace $0xD0000000  }
0x3: {  	_ = 	snop  }
0x4: {  	_ = 	snop  }
0x5: {  	_ = 	snop  }
0x6: {  	_ = 	snop  }
0x7: {  	_ = 	snop  }
__scs_overlays_trampoline_lowered:
0x8: {  	[smem:$0x3FA8] =	sst s0  }
0x9: {  	[smem:$0x3FA9] =	sst s1  }
0xa: {  	[smem:$0x3FAA] =	sst s2  }
0xb: {  	[smem:$0x3FAB] =	sst s3  }
0xc: {  	[smem:$0x3FAC] =	sst s4  }
0xd: {  	[smem:$0x3FAD] =	sst s5  }
0xe: {  	[smem:$0x3FAE] =	sst s6  }
0xf: {  	[smem:$0x3FAF] =	sst s7  }
0x10: {  	[smem:$0x3FB0] =	sst s8  }
0x11: {  	[smem:$0x3FB1] =	sst s9;
	s0 =	simm.s32 @!p0 $0x0  }
0x12: {  	s1 =	sld [smem:$0x3F97];
	s0 =	simm.s32 @p0 $0x1  }
0x13: {  	[smem:$0x3FB2] =	sst s0;
	s0 =	simm.s32 @!p1 $0x0  }
0x14: {  	s2 =	sld [smem:$0x3F96];
	s0 =	simm.s32 @p1 $0x1  }
0x15: {  	[smem:$0x3FB3] =	sst s0;
	s0 =	simm.s32 @!p2 $0x0  }
0x16: {  	s3 =	sld [smem:$0x3FDB];
	s0 =	simm.s32 @p2 $0x1  }
0x17: {  	s4 =	simm.s32 $0x1BF5;
	[smem:$0x3FB5] =	sst s0  }
0x18: {  	s0 =	sld [smem:$0x3F98];
	_ =	swait.ge [sflag:s4], $0x0  }
0x19: {  	s7 =	sld [smem:$0x3F99]  }
0x1a: {  	s8 =	sadd.s32 $0xFFFFE003, lr  }
0x1b: {  	s9 =	sadd.s32 $0xFFFFFEF7, lr;
	s5 =	simm.s32 $0xFFFFFFFF;
	p2 =	slt.u32 s8, $0xFFFFF086  }
0x1c: {  	p1 =	slt.u32 s9, $0xF7A;
	s5 =	simm.s32 @!p2 $0x0  }
0x1d: {  	s5 =	simm.s32 @p1 $0x1;
	p0 =	seq.s32 s7, s2  }
0x1e: {  	s7 =	smul.u32 @!p0 $0xF7A, s2;
	p2 =	seq.s32 @!p0 s5, $0x0  }
0x1f: {  	s9 =	smul.u32 $0xF7A, s1;
	s8 =	simm.s32 @!p0 $0x1BF5;
	p2 =	por !p2, p0  }
0x20: {  	[sflag:s8] =	ssyncset.s32 @!p0 $0xFFFFF086;
	s6 =	sadd.s32 @!p0 s3, s7;
	s7 =	simm.s32 @!p0 $0x108  }
0x21: {  	s3 =	sadd.s32 s3, s9;
	s6 =	sadd.s32 @!p0 $0x88, s6;
	s7 =	simm.s32 @p2 $0x1082  }
0x22: {  	[simem:s7], [sflag:s8] =	dma.local @!p0 [hbm:s6], $0xF7A  }
0x23: {  	s9 =	sor.u32 $0xD0000000, s2;
	s6 =	simm.s32 $0x108;
	_ =	swait.ge @!p0 [sflag:s8], $0x0  }
0x24: {  	s3 =	sadd.s32 $0x88, s3;
	s6 =	simm.s32 @!p1 $0x1082;
	[sflag:s4] =	ssyncset.s32 $0xFFFFF086  }
0x25: {  	[simem:s6], [sflag:s4] =	dma.local [hbm:s3], $0xF7A  }
0x26: {  	[smem:$0x3F99] =	sst s1;
	(tag) =	ssettag s2;
	_ =	strace s9  }
0x27: {  	s1 =	sld [smem:$0x3FA9]  }
0x28: {  	s2 =	sld [smem:$0x3FAA]  }
0x29: {  	s4 =	sld [smem:$0x3FAC]  }
0x2a: {  	p0 =	seq.s32 s5, $0x0;
	s5 =	sld [smem:$0x3FAD]  }
0x2b: {  	s6 =	sld [smem:$0x3FAE]  }
0x2c: {  	s7 =	sld [smem:$0x3FAF]  }
0x2d: {  	s3 =	simm.s32 $0x108;
	s8 =	sld [smem:$0x3FB0]  }
0x2e: {  	s3 =	simm.s32 @!p0 $0x1082;
	s9 =	sld [smem:$0x3FB1]  }
0x2f: {  	lr =	sadd.s32 s0, s3;
	s0 =	sld [smem:$0x3FA8]  }
0x30: {  	s3 =	sld [smem:$0x3FAB]  }
0x31: {  	[smem:$0x3FB4] =	sst s10  }
0x32: {  	s10 =	sld [smem:$0x3FB2];
	_ =	sdelay $0x3  }
0x33: {  	p0 =	seq.s32 s10, $0x1;
	s10 =	sld [smem:$0x3FB4];
	_ =	sdelay $0x3  }
0x34: {  	[smem:$0x3FB4] =	sst s10  }
0x35: {  	s10 =	sld [smem:$0x3FB3];
	_ =	sdelay $0x3  }
0x36: {  	p1 =	seq.s32 s10, $0x1;
	s10 =	sld [smem:$0x3FB4];
	_ =	sdelay $0x3  }
0x37: {  	[smem:$0x3FB4] =	sst s10  }
0x38: {  	s10 =	sld [smem:$0x3FB5]  }
0x39: {  	_ = 	snop;
	(pc) =	sbr.ind lr, $3  }
0x3a: {  	_ = 	snop  }
0x3b: {  	_ = 	snop  }
0x3c: {  	p2 =	seq.s32 s10, $0x1;
	s10 =	sld [smem:$0x3FB4]  }
0x3d: {  	_ =	shalt  }
0x3e: {  	_ =	shalt  }
0x3f: {  	_ =	shalt  }
0x40: {  	_ =	shalt  }
0x41: {  	_ =	shalt  }
0x42: {  	_ =	shalt  }
0x43: {  	_ =	shalt  }
0x44: {  	_ =	shalt  }
0x45: {  	_ =	shalt  }
0x46: {  	_ =	shalt  }
0x47: {  	_ =	shalt  }
0x48: {  	_ =	shalt  }
0x49: {  	_ =	shalt  }
0x4a: {  	_ =	shalt  }
0x4b: {  	_ =	shalt  }
0x4c: {  	_ =	shalt  }
0x4d: {  	_ =	shalt  }
0x4e: {  	_ =	shalt  }
0x4f: {  	_ =	shalt  }
0x50: {  	_ =	shalt  }
0x51: {  	_ =	shalt  }
0x52: {  	_ =	shalt  }
0x53: {  	_ =	shalt  }
0x54: {  	_ =	shalt  }
0x55: {  	_ =	shalt  }
0x56: {  	_ =	shalt  }
0x57: {  	_ =	shalt  }
0x58: {  	_ =	shalt  }
0x59: {  	_ =	shalt  }
0x5a: {  	_ =	shalt  }
0x5b: {  	_ =	shalt  }
0x5c: {  	_ =	shalt  }
0x5d: {  	_ =	shalt  }
0x5e: {  	_ =	shalt  }
0x5f: {  	_ =	shalt  }
0x60: {  	_ =	shalt  }
0x61: {  	_ =	shalt  }
0x62: {  	_ =	shalt  }
0x63: {  	_ =	shalt  }
0x64: {  	_ =	shalt  }
0x65: {  	_ =	shalt  }
0x66: {  	_ =	shalt  }
0x67: {  	_ =	shalt  }
0x68: {  	_ =	shalt  }
0x69: {  	_ =	shalt  }
0x6a: {  	_ =	shalt  }
0x6b: {  	_ =	shalt  }
0x6c: {  	_ =	shalt  }
0x6d: {  	_ =	shalt  }
0x6e: {  	_ =	shalt  }
0x6f: {  	_ =	shalt  }
0x70: {  	_ =	shalt  }
0x71: {  	_ =	shalt  }
0x72: {  	_ =	shalt  }
0x73: {  	_ =	shalt  }
0x74: {  	_ =	shalt  }
0x75: {  	_ =	shalt  }
0x76: {  	_ =	shalt  }
0x77: {  	_ =	shalt  }
0x78: {  	_ =	shalt  }
0x79: {  	_ =	shalt  }
0x7a: {  	_ =	shalt  }
0x7b: {  	_ =	shalt  }
0x7c: {  	_ =	shalt  }
0x7d: {  	_ =	shalt  }
0x7e: {  	_ =	shalt  }
0x7f: {  	_ =	shalt  }
0x80: {  	_ =	shalt  }
0x81: {  	_ =	shalt  }
0x82: {  	_ =	shalt  }
0x83: {  	_ =	shalt  }
0x84: {  	_ =	shalt  }
0x85: {  	_ =	shalt  }
0x86: {  	_ =	shalt  }
0x87: {  	_ =	shalt  }
.Lfunc_end0:
.L_simem_size_0:
called_computation.2_lowered:
.L_overlay_start_0:
0x88: {  	s2 =	sld [smem:$0x3FD9]  }
0x89: {  	s3 =	sld [smem:$0x3FFE];
	_ =	sdelay $0x1  }
0x8a: {  	s1 =	srdreg.scid  }
0x8b: {  	s0 =	sand.u32 $0x1, s1  }
0x8c: {  	s14 =	sshll.u32 s0, $0xA;
	s2 =	sadd.s32 s3, s2  }
0x8d: {  	s2 =	sadd.s32 s2, s14  }
0x8e: {  	[smem:$0x3FC0] =	sst s2  }
0x8f: {  	_ = 	snop  }
0x90: {  	s2 =	sld [smem:$0x3FD0];
	_ =	sdelay $0x2  }
0x91: {  	s15 =	simm.s32 $0xA;
	s4 =	simm.s32 $0x10  }
0x92: {  	[smem:s4], [sflag:s15] =	dma.local [hbm:s2], $0x1  }
0x93: {  	_ =	swait.eq [sflag:s15], $0x1  }
0x94: {  	[sflag:s15] =	ssyncset.done $0x0  }
0x95: {  	[sflag:s15] =	ssyncadd.s32 $0xFFFFFFFF  }
0x96: {  	s16 =	sld [smem:$0x10];
	(tm) =	ssettm $0x1  }
0x97: {  	s17 =	sld [smem:$0x3FFB];
	_ =	sdelay $0x3  }
0x98: {  	_ =	strace s17  }
0x99: {  	s3 =	sld [smem:$0x3FFC];
	_ =	sdelay $0x3  }
0x9a: {  	_ =	strace s3  }
0x9b: {  	s3 =	sld [smem:$0x3FFD];
	_ =	sdelay $0x3  }
0x9c: {  	_ =	strace s3  }
0x9d: {  	_ =	strace $0x8FFFFFFF  }
0x9e: {  	s18 =	sld [smem:$0x3FDB];
	_ =	sdelay $0x1  }
0x9f: {  	s19 =	simm.s32 $_scs_section_size  }
0xa0: {  	s5 =	simm.s32 $_size__tile_overlayer_lowered;
	s6 =	simm.s32 $_tile_overlayer_lowered  }
0xa1: {  	s22 =	simm.s32 $0x1BFF;
	s21 =	sshll.u32 s6, $0x1;
	s3 =	sadd.s32 s19, s18  }
0xa2: {  	s7 =	simm.s32 $0x0;
	s20 =	sshll.u32 s5, $0x1;
	s5 =	sadd.s32 s21, s3  }
0xa3: {  	[timem:s7], [sflag:s22] =	dma.local [hbm:s5], s20  }
0xa4: {  	_ =	swait.ge [sflag:s22], s20  }
0xa5: {  	s4 =	ssub.s32 $0x0, s20;
	[sflag:s22] =	ssyncset.done $0x0  }
0xa6: {  	[sflag:s22] =	ssyncadd.s32 s4;
	_ =	sdelay $0x1  }
0xa7: {  	s23 =	simm.s32 $0x1B8B  }
0xa8: {  	_ =	swait.ge [sflag:s23], $0x1  }
0xa9: {  	[sflag:s23] =	ssyncset.done $0x0  }
0xaa: {  	s25 =	simm.s32 $0x1B8E;
	s24 =	sld [smem:$0x3FFE];
	[sflag:s23] =	ssyncadd.s32 $0xFFFFFFFF  }
0xab: {  	s26 =	simm.s32 $execute0_lowered;
	[smem:$0x3FD2] =	sst s25  }
0xac: {  	s5 =	sshll.u32 s26, $0x1;
	_ =	strace $0x8000004C;
	[dreg:$0x1] =	wrdreg $0xFFFFFFFF  }
0xad: {  	s28 =	simm.s32 $_size_execute0_lowered;
	s3 =	sadd.s32 s3, s5;
	[dreg:$0x0] =	wrdreg $0x0  }
0xae: {  	s5 =	sshll.u32 s28, $0x1;
	[dreg:$0x2] =	wrdreg s3  }
0xaf: {  	[dreg:$0x3] =	wrdreg s5  }
0xb0: {  	[dreg:$0x4] =	wrdreg $0xC0  }
0xb1: {  	_ =	task [dreg:s7], $0x5FFFF  }
0xb2: {  	[dreg:$0x1] =	wrdreg $0xFFFFFFFF  }
0xb3: {  	[dreg:$0x0] =	wrdreg $0x60  }
0xb4: {  	[dreg:$0x2] =	wrdreg s16  }
0xb5: {  	[dreg:$0x3] =	wrdreg s24  }
0xb6: {  	[dreg:$0x4] =	wrdreg $0xB0000  }
0xb7: {  	[dreg:$0x5] =	wrdreg $0x9  }
0xb8: {  	_ =	task.clear_ibuf [dreg:s7], $0x6FFFF;
	_ =	strace $0x9000004C  }
0xb9: {  	s29 =	simm.s32 $0x9;
	_ =	strace $0x8000004E  }
0xba: {  	_ =	swait.ge [sflag:s29], $0x1  }
0xbb: {  	[sflag:s29] =	ssyncadd.s32 $0xFFFFFFFF  }
0xbc: {  	_ =	strace $0x9000004E  }
0xbd: {  	_ =	sfence  }
0xbe: {  	s30 =	sld [smem:$0x0];
	_ =	sdelay $0x2  }
0xbf: {  	s31 =	sshll.u32 s1, $0xD;
	s1 =	sshrl.u32 s1, $0x2  }
0xc0: {  	s3 =	sand.u32 $0x4000, s31;
	s1 =	sadd.s32 s1, s30  }
0xc1: {  	s0 =	sor.u32 s3, s0;
	s1 =	sshll.u32 s1, $0x11  }
0xc2: {  	s0 =	sor.u32 s1, s0  }
0xc3: {  	s0 =	sadd.s32 $0x8F2B, s0  }
0xc4: {  	[sflag:s0] =	ssyncadd.remote.s32 $0x1  }
0xc5: {  	_ =	sfence.sel $0xFFFF  }
0xc6: {  	[dreg:$0x0] =	wrdreg $0xFFFFFFFF;
	(pc) =	sbr.abs _section_cstart, $3  }
0xc7: {  	[dreg:$0x1] =	wrdreg $0xFFFFFFFF  }
0xc8: {  	_ =	task.clear_ibuf [dreg:s7], $0x2FFFF;
	_ =	strace $0x9FFFFFFF  }
0xc9: {  	(tm) =	ssettm $0x7FFFFFFF  }
tec
execute0_lowered:
.L_overlay_start_1:
0x0: {  	(tag) =	ssettag $0x1  }
0x1: {  	s0 =	srdreg.scid;
	s1 =	rddreg [dreg:$0x0]  }
0x2: {  	s12 =	stileid.u32;
	s5 =	rddreg [dreg:$0x1]  }
0x3: {  	s3 =	rddreg [dreg:$0x2];
	s4 =	simm.s32 $0x0;
	s28 =	simm.s32 $0x280  }
0x4: {  	s29 =	simm.s32 $0x300;
	s30 =	simm.s32 $0x380;
	s7 =	smul.u32 $0x14000, s12  }
0x5: {  	s31 =	simm.s32 $0x2;
	s0 =	sand.u32 $0x1, s0;
	s11 =	smul.u32 $0x50000, s12  }
0x6: {  	s2 =	sshll.u32 s12, $0x1;
	[smem:$0x7FF] =	sst s4;
	s19 =	smul.u32 $0x14, s12  }
0x7: {  	s8 =	sadd.s32 $0xD000, s5;
	s13 =	sadd.s32 $0x17000, s5;
	s22 =	smul.u32 $0xA00, s12  }
0x8: {  	s18 =	sshll.u32 s12, $0x6;
	s2 =	sor.u32 s0, s2;
	s6 =	smul.u32 $0x140000, s0  }
0x9: {  	_ =	strace $0x8000004D;
	s15 =	ssub.s32 $0x2, s0;
	s20 =	smul.u32 $0xA, s0  }
0xa: {  	[dreg:$0x4] =	wrdreg s13;
	s13 =	sor.u32 $0x1C05, s18;
	s0 =	smul.u32 $0x500, s0  }
0xb: {  	s18 =	simm.s32 $0x400;
	s2 =	smul.u32 $0x500, s2;
	s10 =	sshrl.u32 s15, $0x1  }
0xc: {  	s17 =	sshrl.u32 s11, $0x2;
	[dreg:$0x5] =	wrdreg s13;
	s6 =	sadd.s32 s7, s6  }
0xd: {  	s16 =	ssub.s32 s15, s10;
	s7 =	sadd.s32 s17, s3;
	s23 =	sadd.s32 s20, s19  }
0xe: {  	s15 =	simm.s32 $0x5;
	s17 =	simm.s32 $0x1;
	s19 =	simm.s32 $0x80  }
0xf: {  	s20 =	simm.s32 $0x3000;
	s10 =	simm.s32 $0x780;
	s9 =	sadd.s32 s2, s5  }
0x10: {  	s6 =	sshrl.u32 s6, $0x3;
	s21 =	sadd.s32 s8, s2;
	s2 =	sadd.s32 s22, s8  }
0x11: {  	s24 =	sshll.u32 s23, $0x7;
	s11 =	sshrl.u32 s7, $0x3;
	s22 =	simm.s32 $0x3  }
0x12: {  	s23 =	simm.s32 $0x100;
	s7 =	simm.s32 $0x680;
	s5 =	sadd.s32 s6, s5  }
0x13: {  	s9 =	sadd.s32 $0x3000, s9;
	[dreg:$0x7] =	wrdreg s21;
	s6 =	smax.u32 s16, $0x1  }
0x14: {  	s0 =	sadd.s32 s0, s2;
	s25 =	sadd.s32 s8, s24;
	[dreg:$0xd] =	wrdreg s11  }
0x15: {  	s24 =	simm.s32 $0x4;
	s2 =	simm.s32 $0x480;
	[dreg:$0x6] =	wrdreg s9  }
0x16: {  	s16 =	simm.s32 $0x580;
	s9 =	sadd.s32 $0x80, s21;
	[dreg:$0xa] =	wrdreg s6  }
.Ltmp0:
0x17: {  	s5 =	sadd.s32 $0x19800, s5;
	[dreg:$0x8] =	wrdreg s9;
	(pc) =	sbr.rel .LBB2_1-.Ltmp0, $4  }
0x18: {  	s8 =	simm.s32 $0x0;
	s0 =	sadd.s32 $0x180, s0;
	[dreg:$0x9] =	wrdreg s5  }
0x19: {  	s26 =	sadd.s32 $0x100, s25;
	s21 =	simm.s32 $0x7000;
	[dreg:$0xb] =	wrdreg s0  }
0x1a: {  	s25 =	simm.s32 $0x180;
	[dreg:$0xc] =	wrdreg s26;
	s26 =	simm.s32 $0x200  }
0x1b: {  	s0 =	simm.s32 $0x500;
	s5 =	simm.s32 $0x600;
	s9 =	simm.s32 $0x700  }
.LBB2_4:
0x1c: {  	_ =	swait.ge [sflag:s24], $0x4000  }
0x1d: {  	[sflag:s24] =	ssyncset.done $0x0  }
0x1e: {  	[sflag:s24] =	ssyncadd.s32 $0xFFFFC000  }
0x1f: {  	[spmem:s3] =	stream.indirect.scatter.add.f32 [tilespmem:s21], [sflag:$0x5], $0x80, s6, s19, $0xb8;
	[tilespmem:$0x1F000] =	vst v63  }
0x20: {  	_ =	swait.ge [sflag:s15], $0x4000  }
0x21: {  	[sflag:s15] =	ssyncset.done $0x0  }
0x22: {  	[sflag:s15] =	ssyncadd.s32 $0xFFFFC000  }
0x23: {  	[bflag:$0x0] =	sbarrier.arrive $0xFFFF  }
0x24: {  	s13 =	rddreg [dreg:$0x5]  }
0x25: {  	s12 =	rddreg [dreg:$0x9]  }
0x26: {  	s11 =	rddreg [dreg:$0xd]  }
0x27: {  	[hbm:s12], [sflag:s13] =	dma.local [spmem:s11], $0x2800  }
0x28: {  	_ =	swait.ge [sflag:s15], $0x2800  }
0x29: {  	s8 =	sadd.s32 $0x1, s8;
	s14 =	rddreg [dreg:$0xa]  }
0x2a: {  	p0 =	sne.s32 s8, s14  }
.Ltmp1:
0x2b: {  	_ = 	snop;
	(pc) =	sbr.rel @!p0 .LBB2_5-.Ltmp1, $3  }
0x2c: {  	_ =	sdelay $0x1  }
0x2d: {  	[sflag:s15] =	ssyncset.done $0x0  }
0x2e: {  	[sflag:s15] =	ssyncadd.s32 $0xFFFFD800  }
.LBB2_1:
0x2f: {  	s6 =	rddreg [dreg:$0x4]  }
0x30: {  	[spmem:s11], [sflag:s13] =	dma.local [hbm:s6], $0x2800  }
0x31: {  	_ =	swait.ge [sflag:s15], $0x2800  }
0x32: {  	[sflag:s15] =	ssyncset.done $0x0  }
0x33: {  	s12 =	simm.s32 $0x800;
	s11 =	rddreg [dreg:$0x6];
	[sflag:s15] =	ssyncadd.s32 $0xFFFFD800  }
0x34: {  	[tilespmem:s12], [sflag:$0x5] =	stream.linear.gather [hbm4b:s11+s4], $0x2800, $0x38;
	[tilespmem:$0x1F000] =	vst v63  }
0x35: {  	_ =	swait.ge [sflag:s15], $0x2800  }
0x36: {  	[sflag:s15] =	ssyncset.done $0x0  }
0x37: {  	[sflag:s15] =	ssyncadd.s32 $0xFFFFD800  }
0x38: {  	[bflag:$0x0] =	sbarrier.arrive $0xFFFF  }
0x39: {  	s13 =	rddreg [dreg:$0x7]  }
0x3a: {  	[tilespmem:s4], [sflag:$0x1] =	stream.linear.gather [hbm4b:s13+s4], $0x400, $0x38;
	[tilespmem:$0x1F000] =	vst v63  }
0x3b: {  	_ =	swait.ge [sflag:s17], $0x400  }
0x3c: {  	[sflag:s17] =	ssyncset.done $0x0  }
0x3d: {  	s14 =	rddreg [dreg:$0x8];
	[sflag:s17] =	ssyncadd.s32 $0xFFFFFC00  }
0x3e: {  	[tilespmem:s18], [sflag:$0x2] =	stream.linear.gather [hbm4b:s14+s4], $0x400, $0x38;
	[tilespmem:$0x1F000] =	vst v63  }
0x3f: {  	s13 =	rddreg [dreg:$0xc]  }
0x40: {  	[tilespmem:s20], [sflag:$0x3] =	stream.indirect.gather [hbm4b:s1+s19], $0x80, s4, s19, $0xb8;
	[tilespmem:$0x1F000] =	vst v63  }
0x41: {  	s11 =	simm.s32 $0x0;
	s12 =	rddreg [dreg:$0xb]  }
0x42: {  	[tilespmem:s21], [sflag:$0x4] =	stream.indirect.gather [hbm4b:s1+s19], $0x80, s19, s19, $0xb8;
	[tilespmem:$0x1F000] =	vst v63  }
.LBB2_2:
0x43: {  	_ =	swait.ge [sflag:s22], $0x4000  }
0x44: {  	s6 =	sshra.s32 s11, $0x2;
	[sflag:s22] =	ssyncset.done $0x0  }
0x45: {  	s14 =	sadd.s32 $0x800, s6;
	[sflag:s22] =	ssyncadd.s32 $0xFFFFC000  }
0x46: {  	[spmem:s3] =	stream.indirect.scatter.add.f32 [tilespmem:s20], [sflag:$0x5], $0x80, s14, s19, $0xb8;
	[tilespmem:$0x1F000] =	vst v63  }
0x47: {  	_ =	swait.ge [sflag:s15], $0x4000  }
0x48: {  	[sflag:s15] =	ssyncset.done $0x0  }
0x49: {  	[sflag:s15] =	ssyncadd.s32 $0xFFFFC000  }
0x4a: {  	[tilespmem:s20], [sflag:$0x3] =	stream.indirect.gather [hbm4b:s1+s19], $0x80, s23, s19, $0xb8;
	[tilespmem:$0x1F000] =	vst v63  }
0x4b: {  	_ =	swait.ge [sflag:s24], $0x4000  }
0x4c: {  	[sflag:s24] =	ssyncset.done $0x0  }
0x4d: {  	s14 =	sadd.s32 $0x880, s6;
	[sflag:s24] =	ssyncadd.s32 $0xFFFFC000  }
0x4e: {  	[spmem:s3] =	stream.indirect.scatter.add.f32 [tilespmem:s21], [sflag:$0x5], $0x80, s14, s19, $0xb8;
	[tilespmem:$0x1F000] =	vst v63  }
0x4f: {  	_ =	swait.ge [sflag:s15], $0x4000  }
0x50: {  	[sflag:s15] =	ssyncset.done $0x0  }
0x51: {  	[sflag:s15] =	ssyncadd.s32 $0xFFFFC000  }
0x52: {  	[tilespmem:s21], [sflag:$0x4] =	stream.indirect.gather [hbm4b:s1+s19], $0x80, s25, s19, $0xb8;
	[tilespmem:$0x1F000] =	vst v63  }
0x53: {  	_ =	swait.ge [sflag:s22], $0x4000  }
0x54: {  	[sflag:s22] =	ssyncset.done $0x0  }
0x55: {  	s14 =	sadd.s32 $0x900, s6;
	[sflag:s22] =	ssyncadd.s32 $0xFFFFC000  }
0x56: {  	[spmem:s3] =	stream.indirect.scatter.add.f32 [tilespmem:s20], [sflag:$0x5], $0x80, s14, s19, $0xb8;
	[tilespmem:$0x1F000] =	vst v63  }
0x57: {  	_ =	swait.ge [sflag:s15], $0x4000  }
0x58: {  	[sflag:s15] =	ssyncset.done $0x0  }
0x59: {  	[sflag:s15] =	ssyncadd.s32 $0xFFFFC000  }
0x5a: {  	[tilespmem:s20], [sflag:$0x3] =	stream.indirect.gather [hbm4b:s1+s19], $0x80, s26, s19, $0xb8;
	[tilespmem:$0x1F000] =	vst v63  }
0x5b: {  	_ =	swait.ge [sflag:s24], $0x4000  }
0x5c: {  	[sflag:s24] =	ssyncset.done $0x0  }
0x5d: {  	s14 =	sadd.s32 $0x980, s6;
	[sflag:s24] =	ssyncadd.s32 $0xFFFFC000  }
0x5e: {  	[spmem:s3] =	stream.indirect.scatter.add.f32 [tilespmem:s21], [sflag:$0x5], $0x80, s14, s19, $0xb8;
	[tilespmem:$0x1F000] =	vst v63  }
0x5f: {  	_ =	swait.ge [sflag:s15], $0x4000  }
0x60: {  	[sflag:s15] =	ssyncset.done $0x0  }
0x61: {  	[sflag:s15] =	ssyncadd.s32 $0xFFFFC000  }
0x62: {  	[tilespmem:s21], [sflag:$0x4] =	stream.indirect.gather [hbm4b:s1+s19], $0x80, s28, s19, $0xb8;
	[tilespmem:$0x1F000] =	vst v63  }
0x63: {  	_ =	swait.ge [sflag:s22], $0x4000  }
0x64: {  	[sflag:s22] =	ssyncset.done $0x0  }
0x65: {  	s14 =	sadd.s32 $0xA00, s6;
	[sflag:s22] =	ssyncadd.s32 $0xFFFFC000  }
0x66: {  	[spmem:s3] =	stream.indirect.scatter.add.f32 [tilespmem:s20], [sflag:$0x5], $0x80, s14, s19, $0xb8;
	[tilespmem:$0x1F000] =	vst v63  }
0x67: {  	_ =	swait.ge [sflag:s15], $0x4000  }
0x68: {  	[sflag:s15] =	ssyncset.done $0x0  }
0x69: {  	[sflag:s15] =	ssyncadd.s32 $0xFFFFC000  }
0x6a: {  	[tilespmem:s20], [sflag:$0x3] =	stream.indirect.gather [hbm4b:s1+s19], $0x80, s29, s19, $0xb8;
	[tilespmem:$0x1F000] =	vst v63  }
0x6b: {  	_ =	swait.ge [sflag:s24], $0x4000  }
0x6c: {  	[sflag:s24] =	ssyncset.done $0x0  }
0x6d: {  	s14 =	sadd.s32 $0xA80, s6;
	[sflag:s24] =	ssyncadd.s32 $0xFFFFC000  }
0x6e: {  	[spmem:s3] =	stream.indirect.scatter.add.f32 [tilespmem:s21], [sflag:$0x5], $0x80, s14, s19, $0xb8;
	[tilespmem:$0x1F000] =	vst v63  }
0x6f: {  	_ =	swait.ge [sflag:s15], $0x4000  }
0x70: {  	[sflag:s15] =	ssyncset.done $0x0  }
0x71: {  	[sflag:s15] =	ssyncadd.s32 $0xFFFFC000  }
0x72: {  	[tilespmem:s21], [sflag:$0x4] =	stream.indirect.gather [hbm4b:s1+s19], $0x80, s30, s19, $0xb8;
	[tilespmem:$0x1F000] =	vst v63  }
0x73: {  	_ =	swait.ge [sflag:s22], $0x4000  }
0x74: {  	[sflag:s22] =	ssyncset.done $0x0  }
0x75: {  	s14 =	sadd.s32 $0xB00, s6;
	[sflag:s22] =	ssyncadd.s32 $0xFFFFC000  }
0x76: {  	[spmem:s3] =	stream.indirect.scatter.add.f32 [tilespmem:s20], [sflag:$0x5], $0x80, s14, s19, $0xb8;
	[tilespmem:$0x1F000] =	vst v63  }
0x77: {  	_ =	swait.ge [sflag:s15], $0x4000  }
0x78: {  	[sflag:s15] =	ssyncset.done $0x0  }
0x79: {  	[sflag:s15] =	ssyncadd.s32 $0xFFFFC000  }
0x7a: {  	_ =	swait.ge [sflag:s31], $0x400  }
0x7b: {  	[sflag:s31] =	ssyncset.done $0x0  }
0x7c: {  	[sflag:s31] =	ssyncadd.s32 $0xFFFFFC00  }
0x7d: {  	[tilespmem:s20], [sflag:$0x3] =	stream.indirect.gather [hbm4b:s1+s19], $0x80, s18, s19, $0xb8;
	[tilespmem:$0x1F000] =	vst v63  }
0x7e: {  	_ =	swait.ge [sflag:s24], $0x4000  }
0x7f: {  	[sflag:s24] =	ssyncset.done $0x0  }
0x80: {  	s14 =	sadd.s32 $0xB80, s6;
	[sflag:s24] =	ssyncadd.s32 $0xFFFFC000  }
0x81: {  	[spmem:s3] =	stream.indirect.scatter.add.f32 [tilespmem:s21], [sflag:$0x5], $0x80, s14, s19, $0xb8;
	[tilespmem:$0x1F000] =	vst v63  }
0x82: {  	_ =	swait.ge [sflag:s15], $0x4000  }
0x83: {  	[sflag:s15] =	ssyncset.done $0x0  }
0x84: {  	p0 =	seq.s32 s11, $0x8000;
	[sflag:s15] =	ssyncadd.s32 $0xFFFFC000  }
0x85: {  	[tilespmem:s21], [sflag:$0x4] =	stream.indirect.gather [hbm4b:s1+s19], $0x80, s2, s19, $0xb8;
	[tilespmem:$0x1F000] =	vst v63  }
0x86: {  	s14 =	simm.s32 @!p0 $0x0  }
0x87: {  	[tilespmem:s14], [sflag:$0x1] =	stream.linear.gather @!p0 [hbm4b:s13+s14], $0x400, $0x38;
	[tilespmem:$0x1F000] =	vst v63  }
0x88: {  	_ =	swait.ge [sflag:s22], $0x4000  }
0x89: {  	[sflag:s22] =	ssyncset.done $0x0  }
0x8a: {  	s14 =	sadd.s32 $0xC00, s6;
	[sflag:s22] =	ssyncadd.s32 $0xFFFFC000  }
0x8b: {  	[spmem:s3] =	stream.indirect.scatter.add.f32 [tilespmem:s20], [sflag:$0x5], $0x80, s14, s19, $0xb8;
	[tilespmem:$0x1F000] =	vst v63  }
0x8c: {  	_ =	swait.ge [sflag:s15], $0x4000  }
0x8d: {  	[sflag:s15] =	ssyncset.done $0x0  }
0x8e: {  	[sflag:s15] =	ssyncadd.s32 $0xFFFFC000  }
0x8f: {  	[tilespmem:s20], [sflag:$0x3] =	stream.indirect.gather [hbm4b:s1+s19], $0x80, s0, s19, $0xb8;
	[tilespmem:$0x1F000] =	vst v63  }
0x90: {  	_ =	swait.ge [sflag:s24], $0x4000  }
0x91: {  	[sflag:s24] =	ssyncset.done $0x0  }
0x92: {  	s14 =	sadd.s32 $0xC80, s6;
	[sflag:s24] =	ssyncadd.s32 $0xFFFFC000  }
0x93: {  	[spmem:s3] =	stream.indirect.scatter.add.f32 [tilespmem:s21], [sflag:$0x5], $0x80, s14, s19, $0xb8;
	[tilespmem:$0x1F000] =	vst v63  }
0x94: {  	_ =	swait.ge [sflag:s15], $0x4000  }
0x95: {  	[sflag:s15] =	ssyncset.done $0x0  }
0x96: {  	[sflag:s15] =	ssyncadd.s32 $0xFFFFC000  }
0x97: {  	[tilespmem:s21], [sflag:$0x4] =	stream.indirect.gather [hbm4b:s1+s19], $0x80, s16, s19, $0xb8;
	[tilespmem:$0x1F000] =	vst v63  }
0x98: {  	_ =	swait.ge [sflag:s22], $0x4000  }
0x99: {  	[sflag:s22] =	ssyncset.done $0x0  }
0x9a: {  	s14 =	sadd.s32 $0xD00, s6;
	[sflag:s22] =	ssyncadd.s32 $0xFFFFC000  }
0x9b: {  	[spmem:s3] =	stream.indirect.scatter.add.f32 [tilespmem:s20], [sflag:$0x5], $0x80, s14, s19, $0xb8;
	[tilespmem:$0x1F000] =	vst v63  }
0x9c: {  	_ =	swait.ge [sflag:s15], $0x4000  }
0x9d: {  	[sflag:s15] =	ssyncset.done $0x0  }
0x9e: {  	[sflag:s15] =	ssyncadd.s32 $0xFFFFC000  }
0x9f: {  	[tilespmem:s20], [sflag:$0x3] =	stream.indirect.gather [hbm4b:s1+s19], $0x80, s5, s19, $0xb8;
	[tilespmem:$0x1F000] =	vst v63  }
0xa0: {  	_ =	swait.ge [sflag:s24], $0x4000  }
0xa1: {  	[sflag:s24] =	ssyncset.done $0x0  }
0xa2: {  	s14 =	sadd.s32 $0xD80, s6;
	[sflag:s24] =	ssyncadd.s32 $0xFFFFC000  }
0xa3: {  	[spmem:s3] =	stream.indirect.scatter.add.f32 [tilespmem:s21], [sflag:$0x5], $0x80, s14, s19, $0xb8;
	[tilespmem:$0x1F000] =	vst v63  }
0xa4: {  	_ =	swait.ge [sflag:s15], $0x4000  }
0xa5: {  	[sflag:s15] =	ssyncset.done $0x0  }
0xa6: {  	[sflag:s15] =	ssyncadd.s32 $0xFFFFC000  }
0xa7: {  	[tilespmem:s21], [sflag:$0x4] =	stream.indirect.gather [hbm4b:s1+s19], $0x80, s7, s19, $0xb8;
	[tilespmem:$0x1F000] =	vst v63  }
0xa8: {  	_ =	swait.ge [sflag:s22], $0x4000  }
0xa9: {  	[sflag:s22] =	ssyncset.done $0x0  }
0xaa: {  	s14 =	sadd.s32 $0xE00, s6;
	[sflag:s22] =	ssyncadd.s32 $0xFFFFC000  }
0xab: {  	[spmem:s3] =	stream.indirect.scatter.add.f32 [tilespmem:s20], [sflag:$0x5], $0x80, s14, s19, $0xb8;
	[tilespmem:$0x1F000] =	vst v63  }
0xac: {  	_ =	swait.ge [sflag:s15], $0x4000  }
0xad: {  	[sflag:s15] =	ssyncset.done $0x0  }
0xae: {  	[sflag:s15] =	ssyncadd.s32 $0xFFFFC000  }
0xaf: {  	[tilespmem:s20], [sflag:$0x3] =	stream.indirect.gather [hbm4b:s1+s19], $0x80, s9, s19, $0xb8;
	[tilespmem:$0x1F000] =	vst v63  }
0xb0: {  	_ =	swait.ge [sflag:s24], $0x4000  }
0xb1: {  	[sflag:s24] =	ssyncset.done $0x0  }
0xb2: {  	s14 =	sadd.s32 $0xE80, s6;
	[sflag:s24] =	ssyncadd.s32 $0xFFFFC000  }
0xb3: {  	[spmem:s3] =	stream.indirect.scatter.add.f32 [tilespmem:s21], [sflag:$0x5], $0x80, s14, s19, $0xb8;
	[tilespmem:$0x1F000] =	vst v63  }
0xb4: {  	_ =	swait.ge [sflag:s15], $0x4000  }
0xb5: {  	[sflag:s15] =	ssyncset.done $0x0  }
0xb6: {  	[sflag:s15] =	ssyncadd.s32 $0xFFFFC000  }
0xb7: {  	[tilespmem:s21], [sflag:$0x4] =	stream.indirect.gather [hbm4b:s1+s19], $0x80, s10, s19, $0xb8;
	[tilespmem:$0x1F000] =	vst v63  }
0xb8: {  	_ =	swait.ge [sflag:s22], $0x4000  }
0xb9: {  	[sflag:s22] =	ssyncset.done $0x0  }
.Ltmp2:
0xba: {  	s14 =	sadd.s32 $0xF00, s6;
	[sflag:s22] =	ssyncadd.s32 $0xFFFFC000;
	(pc) =	sbr.rel @p0 .LBB2_4-.Ltmp2, $4  }
0xbb: {  	[spmem:s3] =	stream.indirect.scatter.add.f32 [tilespmem:s20], [sflag:$0x5], $0x80, s14, s19, $0xb8;
	[tilespmem:$0x1F000] =	vst v63  }
0xbc: {  	_ =	swait.ge [sflag:s15], $0x4000  }
0xbd: {  	[sflag:s15] =	ssyncset.done $0x0  }
0xbe: {  	s6 =	sadd.s32 $0xF80, s6;
	[sflag:s15] =	ssyncadd.s32 $0xFFFFC000  }
0xbf: {  	_ =	swait.ge [sflag:s17], $0x400  }
0xc0: {  	[sflag:s17] =	ssyncset.done $0x0  }
0xc1: {  	[sflag:s17] =	ssyncadd.s32 $0xFFFFFC00  }
0xc2: {  	[tilespmem:s20], [sflag:$0x3] =	stream.indirect.gather [hbm4b:s1+s19], $0x80, s4, s19, $0xb8;
	[tilespmem:$0x1F000] =	vst v63  }
0xc3: {  	_ =	swait.ge [sflag:s24], $0x4000  }
0xc4: {  	[sflag:s24] =	ssyncset.done $0x0  }
0xc5: {  	[sflag:s24] =	ssyncadd.s32 $0xFFFFC000  }
0xc6: {  	[spmem:s3] =	stream.indirect.scatter.add.f32 [tilespmem:s21], [sflag:$0x5], $0x80, s6, s19, $0xb8;
	[tilespmem:$0x1F000] =	vst v63  }
0xc7: {  	_ =	swait.ge [sflag:s15], $0x4000  }
0xc8: {  	[sflag:s15] =	ssyncset.done $0x0  }
.Ltmp3:
0xc9: {  	[sflag:s15] =	ssyncadd.s32 $0xFFFFC000;
	(pc) =	sbr.rel .LBB2_2-.Ltmp3, $4  }
0xca: {  	[tilespmem:s21], [sflag:$0x4] =	stream.indirect.gather [hbm4b:s1+s19], $0x80, s19, s19, $0xb8;
	[tilespmem:$0x1F000] =	vst v63  }
0xcb: {  	_ = 	snop  }
0xcc: {  	[tilespmem:s18], [sflag:$0x2] =	stream.linear.gather [hbm4b:s12+s4], $0x400, $0x38;
	[tilespmem:$0x1F000] =	vst v63  }
0xcd: {  	s13 =	sadd.s32 $0x100, s13;
	s11 =	sadd.s32 $0x2000, s11;
	s12 =	sadd.s32 $0x100, s12  }
.LBB2_5:
0xce: {  	_ =	sfence.sel $0x180000  }
0xcf: {  	[bflag:$0x0] =	sbarrier.arrive $0xFFFF  }
0xd0: {  	_ =	strace $0x9000004D  }
0xd1: {  	s0 =	stileid.u32;
	[bflag:$0x2] =	sbarrier.arrive $0xFFFF  }
0xd2: {  	p0 =	sne.s32 s0, $0x0;
	s0 =	rddreg [dreg:$0x3]  }
0xd3: {  	s0 =	sadd.s32 @!p0 $0x100000, s0  }
0xd4: {  	[sflag:s0] =	ssyncadd.tile.s32 @!p0 $0x1;
	_ =	shalt  }
.Lfunc_end2:
_tile_overlayer_lowered:
.L_overlay_start_2:
0xd5: {  	(tag) =	ssettag $0x2  }
0xd6: {  	s0 =	rddreg [dreg:$0x0];
	s2 =	stileid.u32  }
0xd7: {  	s1 =	rddreg [dreg:$0x1];
	p0 =	sne.s32 s2, $0x0  }
0xd8: {  	s3 =	rddreg [dreg:$0x2];
	[bflag:$0x3] =	sbarrier.arrive $0xFFFF;
	s2 =	simm.s32 @!p0 $0x1C05  }
0xd9: {  	[timem:s3], [sflag:s2] =	dma.local @!p0 [hbm:s0], s1  }
0xda: {  	s0 =	simm.s32 @!p0 $0x5  }
0xdb: {  	_ =	swait.ge @!p0 [sflag:s0], s1  }
0xdc: {  	s1 =	ssub.s32 @!p0 $0x0, s1;
	[sflag:s0] =	ssyncset.done @!p0 $0x0  }
0xdd: {  	[sflag:s0] =	ssyncadd.s32 @!p0 s1  }
0xde: {  	[bflag:$0x3] =	sbarrier.arrive $0xFFFF  }
0xdf: {  	_ =	shalt  }

// kernel: kernel.8.cloned.1.call-start
scs
__scs_entry_jumppad:
0x0: {  	(pc) =	sbr.rel $0x88, $3  }
0x1: {  	(tag) =	ssettag $0x0;
	lr =	simm.s32 $0x1  }
0x2: {  	[smem:$0x3F99] =	sst lr;
	_ =	strace $0xD0000000  }
0x3: {  	_ = 	snop  }
0x4: {  	_ = 	snop  }
0x5: {  	_ = 	snop  }
0x6: {  	_ = 	snop  }
0x7: {  	_ = 	snop  }
__scs_overlays_trampoline_lowered:
0x8: {  	[smem:$0x3FA8] =	sst s0  }
0x9: {  	[smem:$0x3FA9] =	sst s1  }
0xa: {  	[smem:$0x3FAA] =	sst s2  }
0xb: {  	[smem:$0x3FAB] =	sst s3  }
0xc: {  	[smem:$0x3FAC] =	sst s4  }
0xd: {  	[smem:$0x3FAD] =	sst s5  }
0xe: {  	[smem:$0x3FAE] =	sst s6  }
0xf: {  	[smem:$0x3FAF] =	sst s7  }
0x10: {  	[smem:$0x3FB0] =	sst s8  }
0x11: {  	[smem:$0x3FB1] =	sst s9;
	s0 =	simm.s32 @!p0 $0x0  }
0x12: {  	s1 =	sld [smem:$0x3F97];
	s0 =	simm.s32 @p0 $0x1  }
0x13: {  	[smem:$0x3FB2] =	sst s0;
	s0 =	simm.s32 @!p1 $0x0  }
0x14: {  	s2 =	sld [smem:$0x3F96];
	s0 =	simm.s32 @p1 $0x1  }
0x15: {  	[smem:$0x3FB3] =	sst s0;
	s0 =	simm.s32 @!p2 $0x0  }
0x16: {  	s3 =	sld [smem:$0x3FDB];
	s0 =	simm.s32 @p2 $0x1  }
0x17: {  	s4 =	simm.s32 $0x1BF5;
	[smem:$0x3FB5] =	sst s0  }
0x18: {  	s0 =	sld [smem:$0x3F98];
	_ =	swait.ge [sflag:s4], $0x0  }
0x19: {  	s7 =	sld [smem:$0x3F99]  }
0x1a: {  	s8 =	sadd.s32 $0xFFFFE003, lr  }
0x1b: {  	s9 =	sadd.s32 $0xFFFFFEF7, lr;
	s5 =	simm.s32 $0xFFFFFFFF;
	p2 =	slt.u32 s8, $0xFFFFF086  }
0x1c: {  	p1 =	slt.u32 s9, $0xF7A;
	s5 =	simm.s32 @!p2 $0x0  }
0x1d: {  	s5 =	simm.s32 @p1 $0x1;
	p0 =	seq.s32 s7, s2  }
0x1e: {  	s7 =	smul.u32 @!p0 $0xF7A, s2;
	p2 =	seq.s32 @!p0 s5, $0x0  }
0x1f: {  	s9 =	smul.u32 $0xF7A, s1;
	s8 =	simm.s32 @!p0 $0x1BF5;
	p2 =	por !p2, p0  }
0x20: {  	[sflag:s8] =	ssyncset.s32 @!p0 $0xFFFFF086;
	s6 =	sadd.s32 @!p0 s3, s7;
	s7 =	simm.s32 @!p0 $0x108  }
0x21: {  	s3 =	sadd.s32 s3, s9;
	s6 =	sadd.s32 @!p0 $0x88, s6;
	s7 =	simm.s32 @p2 $0x1082  }
0x22: {  	[simem:s7], [sflag:s8] =	dma.local @!p0 [hbm:s6], $0xF7A  }
0x23: {  	s9 =	sor.u32 $0xD0000000, s2;
	s6 =	simm.s32 $0x108;
	_ =	swait.ge @!p0 [sflag:s8], $0x0  }
0x24: {  	s3 =	sadd.s32 $0x88, s3;
	s6 =	simm.s32 @!p1 $0x1082;
	[sflag:s4] =	ssyncset.s32 $0xFFFFF086  }
0x25: {  	[simem:s6], [sflag:s4] =	dma.local [hbm:s3], $0xF7A  }
0x26: {  	[smem:$0x3F99] =	sst s1;
	(tag) =	ssettag s2;
	_ =	strace s9  }
0x27: {  	s1 =	sld [smem:$0x3FA9]  }
0x28: {  	s2 =	sld [smem:$0x3FAA]  }
0x29: {  	s4 =	sld [smem:$0x3FAC]  }
0x2a: {  	p0 =	seq.s32 s5, $0x0;
	s5 =	sld [smem:$0x3FAD]  }
0x2b: {  	s6 =	sld [smem:$0x3FAE]  }
0x2c: {  	s7 =	sld [smem:$0x3FAF]  }
0x2d: {  	s3 =	simm.s32 $0x108;
	s8 =	sld [smem:$0x3FB0]  }
0x2e: {  	s3 =	simm.s32 @!p0 $0x1082;
	s9 =	sld [smem:$0x3FB1]  }
0x2f: {  	lr =	sadd.s32 s0, s3;
	s0 =	sld [smem:$0x3FA8]  }
0x30: {  	s3 =	sld [smem:$0x3FAB]  }
0x31: {  	[smem:$0x3FB4] =	sst s10  }
0x32: {  	s10 =	sld [smem:$0x3FB2];
	_ =	sdelay $0x3  }
0x33: {  	p0 =	seq.s32 s10, $0x1;
	s10 =	sld [smem:$0x3FB4];
	_ =	sdelay $0x3  }
0x34: {  	[smem:$0x3FB4] =	sst s10  }
0x35: {  	s10 =	sld [smem:$0x3FB3];
	_ =	sdelay $0x3  }
0x36: {  	p1 =	seq.s32 s10, $0x1;
	s10 =	sld [smem:$0x3FB4];
	_ =	sdelay $0x3  }
0x37: {  	[smem:$0x3FB4] =	sst s10  }
0x38: {  	s10 =	sld [smem:$0x3FB5]  }
0x39: {  	_ = 	snop;
	(pc) =	sbr.ind lr, $3  }
0x3a: {  	_ = 	snop  }
0x3b: {  	_ = 	snop  }
0x3c: {  	p2 =	seq.s32 s10, $0x1;
	s10 =	sld [smem:$0x3FB4]  }
0x3d: {  	_ =	shalt  }
0x3e: {  	_ =	shalt  }
0x3f: {  	_ =	shalt  }
0x40: {  	_ =	shalt  }
0x41: {  	_ =	shalt  }
0x42: {  	_ =	shalt  }
0x43: {  	_ =	shalt  }
0x44: {  	_ =	shalt  }
0x45: {  	_ =	shalt  }
0x46: {  	_ =	shalt  }
0x47: {  	_ =	shalt  }
0x48: {  	_ =	shalt  }
0x49: {  	_ =	shalt  }
0x4a: {  	_ =	shalt  }
0x4b: {  	_ =	shalt  }
0x4c: {  	_ =	shalt  }
0x4d: {  	_ =	shalt  }
0x4e: {  	_ =	shalt  }
0x4f: {  	_ =	shalt  }
0x50: {  	_ =	shalt  }
0x51: {  	_ =	shalt  }
0x52: {  	_ =	shalt  }
0x53: {  	_ =	shalt  }
0x54: {  	_ =	shalt  }
0x55: {  	_ =	shalt  }
0x56: {  	_ =	shalt  }
0x57: {  	_ =	shalt  }
0x58: {  	_ =	shalt  }
0x59: {  	_ =	shalt  }
0x5a: {  	_ =	shalt  }
0x5b: {  	_ =	shalt  }
0x5c: {  	_ =	shalt  }
0x5d: {  	_ =	shalt  }
0x5e: {  	_ =	shalt  }
0x5f: {  	_ =	shalt  }
0x60: {  	_ =	shalt  }
0x61: {  	_ =	shalt  }
0x62: {  	_ =	shalt  }
0x63: {  	_ =	shalt  }
0x64: {  	_ =	shalt  }
0x65: {  	_ =	shalt  }
0x66: {  	_ =	shalt  }
0x67: {  	_ =	shalt  }
0x68: {  	_ =	shalt  }
0x69: {  	_ =	shalt  }
0x6a: {  	_ =	shalt  }
0x6b: {  	_ =	shalt  }
0x6c: {  	_ =	shalt  }
0x6d: {  	_ =	shalt  }
0x6e: {  	_ =	shalt  }
0x6f: {  	_ =	shalt  }
0x70: {  	_ =	shalt  }
0x71: {  	_ =	shalt  }
0x72: {  	_ =	shalt  }
0x73: {  	_ =	shalt  }
0x74: {  	_ =	shalt  }
0x75: {  	_ =	shalt  }
0x76: {  	_ =	shalt  }
0x77: {  	_ =	shalt  }
0x78: {  	_ =	shalt  }
0x79: {  	_ =	shalt  }
0x7a: {  	_ =	shalt  }
0x7b: {  	_ =	shalt  }
0x7c: {  	_ =	shalt  }
0x7d: {  	_ =	shalt  }
0x7e: {  	_ =	shalt  }
0x7f: {  	_ =	shalt  }
0x80: {  	_ =	shalt  }
0x81: {  	_ =	shalt  }
0x82: {  	_ =	shalt  }
0x83: {  	_ =	shalt  }
0x84: {  	_ =	shalt  }
0x85: {  	_ =	shalt  }
0x86: {  	_ =	shalt  }
0x87: {  	_ =	shalt  }
.Lfunc_end0:
.L_simem_size_0:
called_computation_lowered:
.L_overlay_start_0:
0x88: {  	s2 =	sld [smem:$0x3FD9]  }
0x89: {  	s3 =	sld [smem:$0x3FFE];
	_ =	sdelay $0x1  }
0x8a: {  	s1 =	srdreg.scid  }
0x8b: {  	s0 =	sand.u32 $0x1, s1  }
0x8c: {  	s14 =	sshll.u32 s0, $0xA;
	s2 =	sadd.s32 s3, s2  }
0x8d: {  	s2 =	sadd.s32 s2, s14  }
0x8e: {  	[smem:$0x3FC0] =	sst s2  }
0x8f: {  	_ = 	snop  }
0x90: {  	s2 =	sld [smem:$0x3FD0];
	_ =	sdelay $0x2  }
0x91: {  	s15 =	simm.s32 $0xA;
	s4 =	simm.s32 $0x10  }
0x92: {  	[smem:s4], [sflag:s15] =	dma.local [hbm:s2], $0x1  }
0x93: {  	_ =	swait.eq [sflag:s15], $0x1  }
0x94: {  	[sflag:s15] =	ssyncset.done $0x0  }
0x95: {  	s16 =	sld [smem:$0x10];
	[sflag:s15] =	ssyncadd.s32 $0xFFFFFFFF  }
0x96: {  	s17 =	sld [smem:$0x11];
	(tm) =	ssettm $0x1  }
0x97: {  	s18 =	sld [smem:$0x3FFB];
	_ =	sdelay $0x3  }
0x98: {  	_ =	strace s18  }
0x99: {  	s4 =	sld [smem:$0x3FFC];
	_ =	sdelay $0x3  }
0x9a: {  	_ =	strace s4  }
0x9b: {  	s4 =	sld [smem:$0x3FFD];
	_ =	sdelay $0x3  }
0x9c: {  	_ =	strace s4  }
0x9d: {  	_ =	strace $0x8FFFFFFF  }
0x9e: {  	s19 =	sld [smem:$0x3FDB];
	_ =	sdelay $0x1  }
0x9f: {  	s5 =	simm.s32 $_scs_section_size  }
0xa0: {  	s6 =	simm.s32 $_size__tile_overlayer_lowered;
	s7 =	simm.s32 $_tile_overlayer_lowered  }
0xa1: {  	s22 =	simm.s32 $0x1BFF;
	s21 =	sshll.u32 s7, $0x1;
	s4 =	sadd.s32 s5, s19  }
0xa2: {  	s8 =	simm.s32 $0x0;
	s20 =	sshll.u32 s6, $0x1;
	s6 =	sadd.s32 s21, s4  }
0xa3: {  	[timem:s8], [sflag:s22] =	dma.local [hbm:s6], s20  }
0xa4: {  	_ =	swait.ge [sflag:s22], s20  }
0xa5: {  	s5 =	ssub.s32 $0x0, s20;
	[sflag:s22] =	ssyncset.done $0x0  }
0xa6: {  	[sflag:s22] =	ssyncadd.s32 s5;
	_ =	sdelay $0x1  }
0xa7: {  	s23 =	simm.s32 $0x1B8B  }
0xa8: {  	_ =	swait.ge [sflag:s23], $0x1  }
0xa9: {  	[sflag:s23] =	ssyncset.done $0x0  }
0xaa: {  	s25 =	simm.s32 $0x1B8E;
	s24 =	sld [smem:$0x3FFE];
	[sflag:s23] =	ssyncadd.s32 $0xFFFFFFFF  }
0xab: {  	s26 =	simm.s32 $execute0_lowered;
	[smem:$0x3FD2] =	sst s25  }
0xac: {  	s6 =	sshll.u32 s26, $0x1;
	_ =	strace $0x80000046;
	[dreg:$0x1] =	wrdreg $0xFFFFFFFF  }
0xad: {  	s28 =	simm.s32 $_size_execute0_lowered;
	s4 =	sadd.s32 s4, s6;
	[dreg:$0x0] =	wrdreg $0x0  }
0xae: {  	s6 =	sshll.u32 s28, $0x1;
	[dreg:$0x2] =	wrdreg s4  }
0xaf: {  	[dreg:$0x3] =	wrdreg s6  }
0xb0: {  	[dreg:$0x4] =	wrdreg $0xC0  }
0xb1: {  	_ =	task [dreg:s8], $0x5FFFF  }
0xb2: {  	[dreg:$0x1] =	wrdreg $0xFFFFFFFF  }
0xb3: {  	[dreg:$0x0] =	wrdreg $0x60  }
0xb4: {  	[dreg:$0x2] =	wrdreg s24  }
0xb5: {  	[dreg:$0x3] =	wrdreg s17  }
0xb6: {  	[dreg:$0x4] =	wrdreg s16  }
0xb7: {  	[dreg:$0x5] =	wrdreg $0x28800  }
0xb8: {  	[dreg:$0x6] =	wrdreg $0x9  }
0xb9: {  	_ =	task.clear_ibuf [dreg:s8], $0x7FFFF;
	_ =	strace $0x90000046  }
0xba: {  	s29 =	simm.s32 $0x9;
	_ =	strace $0x80000048  }
0xbb: {  	_ =	swait.ge [sflag:s29], $0x1  }
0xbc: {  	[sflag:s29] =	ssyncadd.s32 $0xFFFFFFFF  }
0xbd: {  	_ =	strace $0x90000048  }
0xbe: {  	_ =	sfence  }
0xbf: {  	s30 =	sld [smem:$0x0];
	_ =	sdelay $0x2  }
0xc0: {  	s31 =	sshll.u32 s1, $0xD;
	s1 =	sshrl.u32 s1, $0x2  }
0xc1: {  	s3 =	sand.u32 $0x4000, s31;
	s1 =	sadd.s32 s1, s30  }
0xc2: {  	s0 =	sor.u32 s3, s0;
	s1 =	sshll.u32 s1, $0x11  }
0xc3: {  	s0 =	sor.u32 s1, s0  }
0xc4: {  	s0 =	sadd.s32 $0x8F2B, s0  }
0xc5: {  	[sflag:s0] =	ssyncadd.remote.s32 $0x1  }
0xc6: {  	_ =	sfence.sel $0xFFFF  }
0xc7: {  	[dreg:$0x0] =	wrdreg $0xFFFFFFFF;
	(pc) =	sbr.abs _section_cstart, $3  }
0xc8: {  	[dreg:$0x1] =	wrdreg $0xFFFFFFFF  }
0xc9: {  	_ =	task.clear_ibuf [dreg:s8], $0x2FFFF;
	_ =	strace $0x9FFFFFFF  }
0xca: {  	(tm) =	ssettm $0x7FFFFFFF  }
0xcb: {  	_ =	shalt  }
tec
execute0_lowered:
.L_overlay_start_1:
0x0: {  	(tag) =	ssettag $0x1  }
0x1: {  	s5 =	rddreg [dreg:$0x0]  }
0x2: {  	s1 =	rddreg [dreg:$0x1]  }
0x3: {  	s2 =	srdreg.scid;
	s7 =	rddreg [dreg:$0x2]  }
0x4: {  	s0 =	stileid.u32;
	s3 =	rddreg [dreg:$0x3]  }
0x5: {  	s4 =	simm.s32 $0x0;
	s13 =	simm.s32 $0x10;
	s14 =	simm.s32 $0x0  }
0x6: {  	s6 =	sand.u32 $0x1, s2;
	s2 =	rddreg [dreg:$0x4];
	s10 =	smul.u32 $0xA00, s0  }
0x7: {  	s24 =	sshll.u32 s0, $0x1;
	[smem:$0x7FF] =	sst s4;
	s12 =	smul.u32 $0x500, s0  }
0x8: {  	s28 =	sshll.u32 s0, $0x6;
	s8 =	sor.u32 s6, s24;
	s9 =	ssub.s32 $0x2, s6  }
0x9: {  	_ =	strace $0x80000047;
	s25 =	sshll.u32 s6, $0x7;
	s8 =	smul.u32 $0x500, s8  }
0xa: {  	s11 =	sshrl.u32 s9, $0x1;
	s26 =	sshrl.u32 s10, $0x2;
	s29 =	sor.u32 s25, s12  }
0xb: {  	s10 =	simm.s32 $0x1;
	s12 =	simm.s32 $0x20;
	s9 =	ssub.s32 s9, s11  }
0xc: {  	s30 =	sadd.s32 s26, s3;
	s31 =	sshrl.u32 s29, $0x3;
	s11 =	simm.s32 $0x80  }
0xd: {  	s8 =	sadd.s32 s8, s5;
	s5 =	sor.u32 $0x1C01, s28;
	s7 =	sadd.s32 s7, s31  }
0xe: {  	v0 =	vimm.f32 $1.000000000e+00;
	s6 =	sadd.s32 $0x3000, s8;
	s8 =	smax.u32 s9, $0x1;
	s9 =	sshrl.u32 s30, $0x3  }
.LBB2_1:
0xf: {  	[spmem:s9], [sflag:s5] =	dma.local [hbm:s1], $0x50  }
0x10: {  	_ =	swait.ge [sflag:s10], $0x50  }
0x11: {  	[sflag:s10] =	ssyncset.done $0x0  }
0x12: {  	[sflag:s10] =	ssyncadd.s32 $0xFFFFFFB0  }
0x13: {  	[tilespmem:s11], [sflag:$0x1] =	stream.linear.gather [hbm4b:s6+s4], $0x2800, $0x38;
	[tilespmem:$0x2B00] =	vst v63  }
0x14: {  	_ =	swait.ge [sflag:s10], $0x2800  }
0x15: {  	[sflag:s10] =	ssyncset.done $0x0  }
0x16: {  	[sflag:s10] =	ssyncadd.s32 $0xFFFFD800  }
0x17: {  	[tilespmem:$0x0] =	vst v0  }
0x18: {  	[tilespmem:$0x10] =	vst v0  }
0x19: {  	[tilespmem:$0x20] =	vst v0  }
0x1a: {  	[tilespmem:$0x30] =	vst v0  }
0x1b: {  	[tilespmem:$0x40] =	vst v0  }
0x1c: {  	[tilespmem:$0x50] =	vst v0  }
0x1d: {  	[tilespmem:$0x60] =	vst v0  }
0x1e: {  	[tilespmem:$0x70] =	vst v0  }
0x1f: {  	s15 =	simm.s32 $0x80;
	[bflag:$0x0] =	sbarrier.arrive $0xFFFF  }
0x20: {  	[spmem:s3] =	stream.indirect.scatter.add.f32 [tilespmem:s4], [sflag:$0x1], $0x1, s15, s11, $0xb8;
	[tilespmem:$0x2B00] =	vst v63  }
0x21: {  	s15 =	simm.s32 $0x200;
	_ =	swait.ge [sflag:s10], $0x80  }
.LBB2_2:
0x22: {  	s16 =	sshra.s32 s15, $0x2;
	[sflag:s10] =	ssyncset.done $0x0;
	p0 =	sne.s32 s15, $0x9E00  }
.Ltmp0:
0x23: {  	s16 =	sadd.s32 $0x80, s16;
	[sflag:s10] =	ssyncadd.s32 $0xFFFFFF80;
	(pc) =	sbr.rel @p0 .LBB2_2-.Ltmp0, $3  }
0x24: {  	[spmem:s3] =	stream.indirect.scatter.add.f32 [tilespmem:s4], [sflag:$0x1], $0x1, s16, s11, $0xb8;
	[tilespmem:$0x2B00] =	vst v63  }
0x25: {  	s15 =	sadd.s32 $0x200, s15;
	_ =	sdelay $0x1  }
0x26: {  	_ =	swait.ge [sflag:s10], $0x80  }
0x27: {  	[sflag:s10] =	ssyncset.done $0x0;
	s14 =	sadd.s32 $0x1, s14  }
0x28: {  	[sflag:s10] =	ssyncadd.s32 $0xFFFFFF80;
	p0 =	sne.s32 s14, s8  }
.Ltmp1:
0x29: {  	[bflag:$0x0] =	sbarrier.arrive $0xFFFF;
	(pc) =	sbr.rel @p0 .LBB2_1-.Ltmp1, $4  }
0x2a: {  	[hbm:s7@s12], [sflag:s5] =	dma.strided [spmem:s9@s13], $0x50, s10, $0x10   }
0x2b: {  	_ =	swait.ge [sflag:s10], $0x50  }
0x2c: {  	[sflag:s10] =	ssyncset.done $0x0  }
0x2d: {  	[sflag:s10] =	ssyncadd.s32 $0xFFFFFFB0  }
0x2e: {  	_ =	sfence.sel $0x180000  }
0x2f: {  	[bflag:$0x0] =	sbarrier.arrive $0xFFFF  }
0x30: {  	p0 =	sne.s32 s0, $0x0;
	_ =	strace $0x90000047  }
0x31: {  	s0 =	sadd.s32 @!p0 $0x100000, s2;
	[bflag:$0x2] =	sbarrier.arrive $0xFFFF  }
0x32: {  	[sflag:s0] =	ssyncadd.tile.s32 @!p0 $0x1;
	_ =	shalt  }
.Lfunc_end2:
_tile_overlayer_lowered:
.L_overlay_start_2:
0x33: {  	(tag) =	ssettag $0x2  }
0x34: {  	s0 =	rddreg [dreg:$0x0];
	s2 =	stileid.u32  }
0x35: {  	s1 =	rddreg [dreg:$0x1];
	p0 =	sne.s32 s2, $0x0  }
0x36: {  	s3 =	rddreg [dreg:$0x2];
	[bflag:$0x3] =	sbarrier.arrive $0xFFFF;
	s2 =	simm.s32 @!p0 $0x1C01  }
0x37: {  	[timem:s3], [sflag:s2] =	dma.local @!p0 [hbm:s0], s1  }
0x38: {  	s0 =	simm.s32 @!p0 $0x1  }
0x39: {  	_ =	swait.ge @!p0 [sflag:s0], s1  }
0x3a: {  	s1 =	ssub.s32 @!p0 $0x0, s1;
	[sflag:s0] =	ssyncset.done @!p0 $0x0  }
0x3b: {  	[sflag:s0] =	ssyncadd.s32 @!p0 s1  }
0x3c: {  	[bflag:$0x3] =	sbarrier.arrive $0xFFFF  }
0x3d: {  	_ =	shalt  }

</sc_bundles>
